<compile_context>
chip_gen: v7x
topology: tpu7x:2x2x1
jax: 0.10.2.dev20260603
libtpu: 0.0.44.dev20260713+nightly
codegen_flags: <defaults>
</compile_context>

<pallas_src>
import jax
import jax.numpy as jnp
from jax import lax
from jax.experimental import pallas as pl
from jax.experimental.pallas import tpu as pltpu
from jax.experimental.pallas import tpu_sc as plsc

HIDDEN = 64
SEQ = 200
BATCH = 4096
EPS = 1e-12

NC = 2
NS = 16
NW = NC * NS
BPW = BATCH // NW
L = 16
NV = HIDDEN // L
PADW = 128
YSTR = HIDDEN + 1

_GATHER_DNUMS = lax.GatherDimensionNumbers(
    offset_dims=(), collapsed_slice_dims=(0,), start_index_map=(0,))


def _lane_perm(x, perm):
    return lax.gather(x, perm[:, None], dimension_numbers=_GATHER_DNUMS,
                      slice_sizes=(1,),
                      mode=lax.GatherScatterMode.PROMISE_IN_BOUNDS)


def _allsum(x):
    lane = lax.iota(jnp.int32, L)
    for sh in (8, 4, 2, 1):
        x = x + _lane_perm(x, lane ^ sh)
    return x


def _rsqrt(v):
    i = lax.bitcast_convert_type(v, jnp.int32)
    y = lax.bitcast_convert_type(jnp.int32(0x5F3759DF) - (i >> 1),
                                 jnp.float32)
    for _ in range(2):
        y = y * (1.5 - 0.5 * v * y * y)
    return y


def _body(seqT_hbm, word_hbm, pos_hbm, gamma_hbm, beta_hbm, out_hbm,
          idx_v, rows_v, ybuf_v, slab_v, pos_v, gam_v, bet_v,
          sg0, sg1, so0, so1):
    wid = lax.axis_index("s") * NC + lax.axis_index("c")
    b0 = wid * BPW
    sems_g = (sg0, sg1)
    sems_o = (so0, so1)

    pltpu.sync_copy(pos_hbm, pos_v)
    pltpu.sync_copy(gamma_hbm, gam_v)
    pltpu.sync_copy(beta_hbm, bet_v)
    gam = [gam_v[pl.ds(L * j, L)] for j in range(NV)]
    bet = [bet_v[pl.ds(L * j, L)] for j in range(NV)]
    lane = lax.iota(jnp.int32, L)
    lane_y = lane * YSTR

    def stage_and_fire(s, pb):
        pltpu.sync_copy(seqT_hbm.at[s, pl.ds(b0, BPW)], idx_v.at[pb])
        pltpu.async_copy(word_hbm.at[idx_v.at[pb]], rows_v.at[pb],
                         sems_g[pb])

    def wait_gather(pb):
        pltpu.make_async_copy(word_hbm.at[idx_v.at[pb]], rows_v.at[pb],
                              sems_g[pb]).wait()

    def fire_out(s, pb):
        pltpu.async_copy(slab_v.at[pb],
                         out_hbm.at[s, slice(None), pl.ds(b0, BPW)],
                         sems_o[pb])

    def wait_out(pb):
        pltpu.make_async_copy(slab_v.at[pb],
                              out_hbm.at[0, slice(None), pl.ds(b0, BPW)],
                              sems_o[pb]).wait()

    def compute(s, pb):
        posv = [pos_v[s, pl.ds(L * j, L)] for j in range(NV)]

        @plsc.parallel_loop(0, BPW, 1, unroll=8)
        def _(t):
            x = [rows_v[pb, t, pl.ds(L * j, L)] + posv[j] for j in range(NV)]
            sm = (x[0] + x[1]) + (x[2] + x[3])
            q = (x[0] * x[0] + x[1] * x[1]) + (x[2] * x[2] + x[3] * x[3])
            mean = _allsum(sm) * (1.0 / HIDDEN)
            var = _allsum(q) * (1.0 / HIDDEN) - mean * mean
            rstd = _rsqrt(var + EPS)
            for j in range(NV):
                xn = (x[j] - mean) * rstd
                ybuf_v[pl.ds(t * YSTR + L * j, L)] = xn * gam[j] + bet[j]

        @plsc.parallel_loop(0, HIDDEN, 1, unroll=4)
        def _(h):
            for g in range(BPW // L):
                idx = lane_y + (g * (L * YSTR) + h)
                slab_v[pb, h, pl.ds(L * g, L)] = plsc.load_gather(
                    ybuf_v, [idx])

    stage_and_fire(0, 0)

    def pos_step(s, pb):
        @pl.when(s < SEQ - 1)
        def _():
            stage_and_fire(s + 1, 1 - pb)

        @pl.when(s >= 2)
        def _():
            wait_out(pb)
        wait_gather(pb)
        compute(s, pb)
        fire_out(s, pb)

    def iter_m(m, _):
        pos_step(2 * m, 0)
        pos_step(2 * m + 1, 1)
        return 0

    lax.fori_loop(0, SEQ // 2, iter_m, 0)
    wait_out(0)
    wait_out(1)


def kernel(seq, word_table, pos_table, gamma, beta):
    seqT = seq.astype(jnp.int32).T
    word128 = jnp.pad(word_table, ((0, 0), (0, PADW - HIDDEN)))
    mesh = plsc.VectorSubcoreMesh(core_axis_name="c", subcore_axis_name="s",
                                  num_cores=NC, num_subcores=NS)
    k = pl.kernel(
        _body,
        out_type=jax.ShapeDtypeStruct((SEQ, HIDDEN, BATCH), jnp.float32),
        mesh=mesh,
        scratch_types=[
            pltpu.VMEM((2, BPW), jnp.int32),
            pltpu.VMEM((2, BPW, PADW), jnp.float32),
            pltpu.VMEM((BPW * YSTR,), jnp.float32),
            pltpu.VMEM((2, HIDDEN, BPW), jnp.float32),
            pltpu.VMEM((SEQ, HIDDEN), jnp.float32),
            pltpu.VMEM((HIDDEN,), jnp.float32),
            pltpu.VMEM((HIDDEN,), jnp.float32),
            pltpu.SemaphoreType.DMA,
            pltpu.SemaphoreType.DMA,
            pltpu.SemaphoreType.DMA,
            pltpu.SemaphoreType.DMA,
        ],
        compiler_params=pltpu.CompilerParams(use_tc_tiling_on_sc=True,
                                             needs_layout_passes=False),
    )
    out = k(seqT, word128, pos_table, gamma, beta)
    return jnp.transpose(out, (2, 0, 1))

# --- scband reference (transcript-rebuilt; emitter-appended) ---
"""Pipeline reference for scband-embeddings-4587025072347 (READ-ONLY COPY).

The authoritative reference and input builder live on the scoring server;
editing this copy changes nothing except your own understanding.
"""

import jax, jax.numpy as jnp
import numpy as np

HIDDEN = 64
MAX_LEN = 200
VOCAB = 100000
BATCH = 4096
SEQ = 200
EPS = 1e-12


def setup_inputs(seed: int = 0) -> dict:
    key = jax.random.key(seed)
    k1, k2, k3 = jax.random.split(key, 3)
    seq = jax.random.randint(k1, (BATCH, SEQ), 0, VOCAB, dtype=jnp.int64 if jax.config.jax_enable_x64 else jnp.int32)
    word_table = jax.random.normal(k2, (VOCAB, HIDDEN), dtype=jnp.float32) * 0.02
    pos_table = jax.random.normal(k3, (MAX_LEN, HIDDEN), dtype=jnp.float32) * 0.02
    gamma = jnp.ones((HIDDEN,), dtype=jnp.float32)
    beta = jnp.zeros((HIDDEN,), dtype=jnp.float32)
    return {"seq": seq, "word_table": word_table, "pos_table": pos_table, "gamma": gamma, "beta": beta}


def _layer_norm(x, gamma, beta):
    u = jnp.mean(x, axis=-1, keepdims=True)
    s = jnp.mean((x - u) ** 2, axis=-1, keepdims=True)
    x = (x - u) / jnp.sqrt(s + EPS)
    return gamma * x + beta


def reference(seq, word_table, pos_table, gamma, beta):
    # word embeddings: gather rows of the table
    words_embeddings = jnp.take(word_table, seq, axis=0)  # [B, S, H]
    # learned positional embeddings: gather positions 0..S-1
    position_ids = jnp.arange(seq.shape[1])
    position_embeddings = jnp.take(pos_table, position_ids, axis=0)[None, :, :]  # [1, S, H]
    embeddings = words_embeddings + position_embeddings
    embeddings = _layer_norm(embeddings, gamma, beta)
    # dropout with p=0.0 is identity (eval-faithful)
    return embeddings

if __name__ == "__main__":
    import jax
    _d = setup_inputs()
    print(jax.jit(kernel)(*tuple(_d.values())))

</pallas_src>

<mosaic_0001>
#map = affine_map<(d0, d1) -> (0, 0)>
#map1 = affine_map<(d0, d1) -> (0)>
#map2 = affine_map<(d0, d1) -> (0, 0, 0)>
module attributes {stable_mosaic.version = 14 : i64} {
  func.func @_body(%arg0: i32, %arg1: i32, %arg2: memref<200x4096xi32, #tpu.memory_space<hbm>>, %arg3: memref<100000x128xf32, #tpu.memory_space<hbm>>, %arg4: memref<200x64xf32, #tpu.memory_space<hbm>>, %arg5: memref<64xf32, #tpu.memory_space<hbm>>, %arg6: memref<64xf32, #tpu.memory_space<hbm>>, %arg7: memref<200x64x4096xf32, #tpu.memory_space<hbm>>, %arg8: memref<2x128xi32, #tpu.memory_space<vmem>>, %arg9: memref<2x128x128xf32, #tpu.memory_space<vmem>>, %arg10: memref<8320xf32, #tpu.memory_space<vmem>>, %arg11: memref<2x64x128xf32, #tpu.memory_space<vmem>>, %arg12: memref<200x64xf32, #tpu.memory_space<vmem>>, %arg13: memref<64xf32, #tpu.memory_space<vmem>>, %arg14: memref<64xf32, #tpu.memory_space<vmem>>, %arg15: memref<!tpu.dma_semaphore, #tpu.memory_space<semaphore_mem>>, %arg16: memref<!tpu.dma_semaphore, #tpu.memory_space<semaphore_mem>>, %arg17: memref<!tpu.dma_semaphore, #tpu.memory_space<semaphore_mem>>, %arg18: memref<!tpu.dma_semaphore, #tpu.memory_space<semaphore_mem>>) attributes {dimension_semantics = [#tpu.dimension_semantics<core_parallel>, #tpu.dimension_semantics<subcore_parallel>], iteration_bounds = array<i64: 2, 16>, scalar_prefetch = 0 : i64, scratch_operands = 11 : i64, tpu.core_type = #tpu.core_type<sc_vector_subcore>, window_params = [{transform_indices = #map}, {transform_indices = #map}, {transform_indices = #map}, {transform_indices = #map1}, {transform_indices = #map1}, {transform_indices = #map2}]} {
    %mul3A = arith.constant 2 : i32
    %mul3A_0 = arith.muli %arg1, %mul3A : i32
    %add3A = arith.addi %mul3A_0, %arg0 : i32
    %mul3A_1 = arith.constant 128 : i32
    %mul3A_2 = arith.muli %add3A, %mul3A_1 : i32
    "tpu.region"() ({
      %run_scoped3A_70 = tpu.sem_alloc : memref<!tpu.dma_semaphore, #tpu.memory_space<semaphore_mem>>
      tpu.enqueue_dma source(%arg4 : memref<200x64xf32, #tpu.memory_space<hbm>>) target(%arg12 : memref<200x64xf32, #tpu.memory_space<vmem>>) target_semaphore(%run_scoped3A_70 : memref<!tpu.dma_semaphore, #tpu.memory_space<semaphore_mem>>)
      tpu.wait_dma2 semaphore(%run_scoped3A_70 : memref<!tpu.dma_semaphore, #tpu.memory_space<semaphore_mem>>) src(%arg4 : memref<200x64xf32, #tpu.memory_space<hbm>>) dst(%arg12 : memref<200x64xf32, #tpu.memory_space<vmem>>)
      tpu.yield
    }) : () -> ()
    "tpu.region"() ({
      %run_scoped3A_70 = tpu.sem_alloc : memref<!tpu.dma_semaphore, #tpu.memory_space<semaphore_mem>>
      tpu.enqueue_dma source(%arg5 : memref<64xf32, #tpu.memory_space<hbm>>) target(%arg13 : memref<64xf32, #tpu.memory_space<vmem>>) target_semaphore(%run_scoped3A_70 : memref<!tpu.dma_semaphore, #tpu.memory_space<semaphore_mem>>)
      tpu.wait_dma2 semaphore(%run_scoped3A_70 : memref<!tpu.dma_semaphore, #tpu.memory_space<semaphore_mem>>) src(%arg5 : memref<64xf32, #tpu.memory_space<hbm>>) dst(%arg13 : memref<64xf32, #tpu.memory_space<vmem>>)
      tpu.yield
    }) : () -> ()
    "tpu.region"() ({
      %run_scoped3A_70 = tpu.sem_alloc : memref<!tpu.dma_semaphore, #tpu.memory_space<semaphore_mem>>
      tpu.enqueue_dma source(%arg6 : memref<64xf32, #tpu.memory_space<hbm>>) target(%arg14 : memref<64xf32, #tpu.memory_space<vmem>>) target_semaphore(%run_scoped3A_70 : memref<!tpu.dma_semaphore, #tpu.memory_space<semaphore_mem>>)
      tpu.wait_dma2 semaphore(%run_scoped3A_70 : memref<!tpu.dma_semaphore, #tpu.memory_space<semaphore_mem>>) src(%arg6 : memref<64xf32, #tpu.memory_space<hbm>>) dst(%arg14 : memref<64xf32, #tpu.memory_space<vmem>>)
      tpu.yield
    }) : () -> ()
    %get3A = arith.constant 0 : index
    %get3A_3 = tpu.vector_load %arg13[%get3A] {strides = array<i32>} : memref<64xf32, #tpu.memory_space<vmem>>, vector<16xf32>,
    %get3A_4 = arith.constant 16 : index
    %get3A_5 = tpu.vector_load %arg13[%get3A_4] {strides = array<i32>} : memref<64xf32, #tpu.memory_space<vmem>>, vector<16xf32>,
    %get3A_6 = arith.constant 32 : index
    %get3A_7 = tpu.vector_load %arg13[%get3A_6] {strides = array<i32>} : memref<64xf32, #tpu.memory_space<vmem>>, vector<16xf32>,
    %get3A_8 = arith.constant 48 : index
    %get3A_9 = tpu.vector_load %arg13[%get3A_8] {strides = array<i32>} : memref<64xf32, #tpu.memory_space<vmem>>, vector<16xf32>,
    %get3A_10 = arith.constant 0 : index
    %get3A_11 = tpu.vector_load %arg14[%get3A_10] {strides = array<i32>} : memref<64xf32, #tpu.memory_space<vmem>>, vector<16xf32>,
    %get3A_12 = arith.constant 16 : index
    %get3A_13 = tpu.vector_load %arg14[%get3A_12] {strides = array<i32>} : memref<64xf32, #tpu.memory_space<vmem>>, vector<16xf32>,
    %get3A_14 = arith.constant 32 : index
    %get3A_15 = tpu.vector_load %arg14[%get3A_14] {strides = array<i32>} : memref<64xf32, #tpu.memory_space<vmem>>, vector<16xf32>,
    %get3A_16 = arith.constant 48 : index
    %get3A_17 = tpu.vector_load %arg14[%get3A_16] {strides = array<i32>} : memref<64xf32, #tpu.memory_space<vmem>>, vector<16xf32>,
    %iota3A = tpu.iota {dimensions = array<i32: 0>} : vector<16xi32>
    %mul3A_18 = arith.constant 65 : i32
    %mul3A_19 = vector.broadcast %mul3A_18 : i32 to vector<16xi32>
    %mul3A_20 = arith.muli %iota3A, %mul3A_19 : vector<16xi32>
    %run_scoped3A = arith.constant 0 : i32
    %run_scoped3A_21 = arith.constant 0 : i32
    "tpu.region"() ({
      %run_scoped3A_70 = tpu.sem_alloc : memref<!tpu.dma_semaphore, #tpu.memory_space<semaphore_mem>>
      %dma_start3A_71 = arith.constant 0 : i32
      %dma_start3A_72 = tpu.memref_slice %arg8[%run_scoped3A_21, %dma_start3A_71] : memref<2x128xi32, #tpu.memory_space<vmem>> -> memref<1x128xi32, #tpu.memory_space<vmem>>
      %dma_start3A_73 = tpu.memref_squeeze %dma_start3A_72 : memref<1x128xi32, #tpu.memory_space<vmem>> -> memref<128xi32, #tpu.memory_space<vmem>>
      %dma_start3A_74 = tpu.memref_slice %arg2[%run_scoped3A, %mul3A_2] : memref<200x4096xi32, #tpu.memory_space<hbm>> -> memref<1x128xi32, #tpu.memory_space<hbm>>
      %dma_start3A_75 = tpu.memref_squeeze %dma_start3A_74 : memref<1x128xi32, #tpu.memory_space<hbm>> -> memref<128xi32, #tpu.memory_space<hbm>>
      %dma_start3A_76 = arith.constant 0 : i32
      %dma_start3A_77 = tpu.memref_slice %arg8[%run_scoped3A_21, %dma_start3A_76] : memref<2x128xi32, #tpu.memory_space<vmem>> -> memref<1x128xi32, #tpu.memory_space<vmem>>
      %dma_start3A_78 = tpu.memref_squeeze %dma_start3A_77 : memref<1x128xi32, #tpu.memory_space<vmem>> -> memref<128xi32, #tpu.memory_space<vmem>>
      %dma_start3A_79 = tpu.memref_slice %arg2[%run_scoped3A, %mul3A_2] : memref<200x4096xi32, #tpu.memory_space<hbm>> -> memref<1x128xi32, #tpu.memory_space<hbm>>
      %dma_start3A_80 = tpu.memref_squeeze %dma_start3A_79 : memref<1x128xi32, #tpu.memory_space<hbm>> -> memref<128xi32, #tpu.memory_space<hbm>>
      tpu.enqueue_dma source(%dma_start3A_80 : memref<128xi32, #tpu.memory_space<hbm>>) target(%dma_start3A_78 : memref<128xi32, #tpu.memory_space<vmem>>) target_semaphore(%run_scoped3A_70 : memref<!tpu.dma_semaphore, #tpu.memory_space<semaphore_mem>>)
      %dma_wait3A_81 = arith.constant 0 : i32
      %dma_wait3A_82 = tpu.memref_slice %arg8[%run_scoped3A_21, %dma_wait3A_81] : memref<2x128xi32, #tpu.memory_space<vmem>> -> memref<1x128xi32, #tpu.memory_space<vmem>>
      %dma_wait3A_83 = tpu.memref_squeeze %dma_wait3A_82 : memref<1x128xi32, #tpu.memory_space<vmem>> -> memref<128xi32, #tpu.memory_space<vmem>>
      %dma_wait3A_84 = tpu.memref_slice %arg2[%run_scoped3A, %mul3A_2] : memref<200x4096xi32, #tpu.memory_space<hbm>> -> memref<1x128xi32, #tpu.memory_space<hbm>>
      %dma_wait3A_85 = tpu.memref_squeeze %dma_wait3A_84 : memref<1x128xi32, #tpu.memory_space<hbm>> -> memref<128xi32, #tpu.memory_space<hbm>>
      %dma_wait3A_86 = arith.constant 0 : i32
      %dma_wait3A_87 = tpu.memref_slice %arg8[%run_scoped3A_21, %dma_wait3A_86] : memref<2x128xi32, #tpu.memory_space<vmem>> -> memref<1x128xi32, #tpu.memory_space<vmem>>
      %dma_wait3A_88 = tpu.memref_squeeze %dma_wait3A_87 : memref<1x128xi32, #tpu.memory_space<vmem>> -> memref<128xi32, #tpu.memory_space<vmem>>
      %dma_wait3A_89 = tpu.memref_slice %arg2[%run_scoped3A, %mul3A_2] : memref<200x4096xi32, #tpu.memory_space<hbm>> -> memref<1x128xi32, #tpu.memory_space<hbm>>
      %dma_wait3A_90 = tpu.memref_squeeze %dma_wait3A_89 : memref<1x128xi32, #tpu.memory_space<hbm>> -> memref<128xi32, #tpu.memory_space<hbm>>
      tpu.wait_dma2 semaphore(%run_scoped3A_70 : memref<!tpu.dma_semaphore, #tpu.memory_space<semaphore_mem>>) src(%dma_wait3A_90 : memref<128xi32, #tpu.memory_space<hbm>>) dst(%dma_wait3A_88 : memref<128xi32, #tpu.memory_space<vmem>>)
      tpu.yield
    }) : () -> ()
    %dma_start3A = arith.constant 0 : i32
    %dma_start3A_22 = arith.constant 0 : i32
    %dma_start3A_23 = arith.constant 0 : i32
    %dma_start3A_24 = arith.constant 0 : i32
    %dma_start3A_25 = tpu.memref_slice %arg9[%dma_start3A_22, %dma_start3A_23, %dma_start3A_24] : memref<2x128x128xf32, #tpu.memory_space<vmem>> -> memref<1x128x128xf32, #tpu.memory_space<vmem>>
    %dma_start3A_26 = tpu.memref_squeeze %dma_start3A_25 : memref<1x128x128xf32, #tpu.memory_space<vmem>> -> memref<128x128xf32, #tpu.memory_space<vmem>>
    %dma_start3A_27 = arith.constant 0 : i32
    %dma_start3A_28 = tpu.memref_slice %arg8[%dma_start3A, %dma_start3A_27] : memref<2x128xi32, #tpu.memory_space<vmem>> -> memref<1x128xi32, #tpu.memory_space<vmem>>
    %dma_start3A_29 = tpu.memref_squeeze %dma_start3A_28 : memref<1x128xi32, #tpu.memory_space<vmem>> -> memref<128xi32, #tpu.memory_space<vmem>>
    %dma_start3A_30 = arith.constant 0 : i32
    %dma_start3A_31 = arith.constant 0 : i32
    %dma_start3A_32 = tpu.memref_slice %arg3[%dma_start3A_30, %dma_start3A_31] : memref<100000x128xf32, #tpu.memory_space<hbm>> -> memref<100000x128xf32, #tpu.memory_space<hbm>>
    tpu.enqueue_indirect_dma source(%dma_start3A_32 : memref<100000x128xf32, #tpu.memory_space<hbm>>) target(%dma_start3A_26 : memref<128x128xf32, #tpu.memory_space<vmem>>) offsets(%dma_start3A_29 : memref<128xi32, #tpu.memory_space<vmem>>) semaphore(%arg15 : memref<!tpu.dma_semaphore, #tpu.memory_space<semaphore_mem>>)
    %scan3A = arith.constant 0 : i32
    %scan3A_33 = arith.constant 0 : i32
    %scan3A_34 = arith.constant 100 : i32
    %scan3A_35 = arith.addi %scan3A_33, %scan3A_34 : i32
    %scan3A_36 = arith.constant 1 : i32
    %scan3A_37 = scf.for %scan3A_70 = %scan3A_33 to %scan3A_35 step %scan3A_36 iter_args(%scan3A_71 = %scan3A) -> (i32)  : i32 {
      %mul3A_72 = arith.constant 2 : i32
      %mul3A_73 = arith.muli %mul3A_72, %scan3A_70 : i32
      %lt3A = arith.constant 199 : i32
      %lt3A_74 = arith.cmpi slt, %mul3A_73, %lt3A : i32
      %convert_element_type3A = arith.extui %lt3A_74 : i1 to i32
      %cond3A = arith.constant 0 : i32
      %cond3A_75 = arith.cmpi ne, %convert_element_type3A, %cond3A : i32
      scf.if %cond3A_75 {
        %add3A_184 = arith.constant 1 : i32
        %add3A_185 = arith.addi %mul3A_73, %add3A_184 : i32
        %run_scoped3A_186 = arith.constant 1 : i32
        "tpu.region"() ({
          %run_scoped3A_199 = tpu.sem_alloc : memref<!tpu.dma_semaphore, #tpu.memory_space<semaphore_mem>>
          %dma_start3A_200 = arith.constant 0 : i32
          %dma_start3A_201 = tpu.memref_slice %arg8[%run_scoped3A_186, %dma_start3A_200] : memref<2x128xi32, #tpu.memory_space<vmem>> -> memref<1x128xi32, #tpu.memory_space<vmem>>
          %dma_start3A_202 = tpu.memref_squeeze %dma_start3A_201 : memref<1x128xi32, #tpu.memory_space<vmem>> -> memref<128xi32, #tpu.memory_space<vmem>>
          %dma_start3A_203 = tpu.memref_slice %arg2[%add3A_185, %mul3A_2] : memref<200x4096xi32, #tpu.memory_space<hbm>> -> memref<1x128xi32, #tpu.memory_space<hbm>>
          %dma_start3A_204 = tpu.memref_squeeze %dma_start3A_203 : memref<1x128xi32, #tpu.memory_space<hbm>> -> memref<128xi32, #tpu.memory_space<hbm>>
          %dma_start3A_205 = arith.constant 0 : i32
          %dma_start3A_206 = tpu.memref_slice %arg8[%run_scoped3A_186, %dma_start3A_205] : memref<2x128xi32, #tpu.memory_space<vmem>> -> memref<1x128xi32, #tpu.memory_space<vmem>>
          %dma_start3A_207 = tpu.memref_squeeze %dma_start3A_206 : memref<1x128xi32, #tpu.memory_space<vmem>> -> memref<128xi32, #tpu.memory_space<vmem>>
          %dma_start3A_208 = tpu.memref_slice %arg2[%add3A_185, %mul3A_2] : memref<200x4096xi32, #tpu.memory_space<hbm>> -> memref<1x128xi32, #tpu.memory_space<hbm>>
          %dma_start3A_209 = tpu.memref_squeeze %dma_start3A_208 : memref<1x128xi32, #tpu.memory_space<hbm>> -> memref<128xi32, #tpu.memory_space<hbm>>
          tpu.enqueue_dma source(%dma_start3A_209 : memref<128xi32, #tpu.memory_space<hbm>>) target(%dma_start3A_207 : memref<128xi32, #tpu.memory_space<vmem>>) target_semaphore(%run_scoped3A_199 : memref<!tpu.dma_semaphore, #tpu.memory_space<semaphore_mem>>)
          %dma_wait3A_210 = arith.constant 0 : i32
          %dma_wait3A_211 = tpu.memref_slice %arg8[%run_scoped3A_186, %dma_wait3A_210] : memref<2x128xi32, #tpu.memory_space<vmem>> -> memref<1x128xi32, #tpu.memory_space<vmem>>
          %dma_wait3A_212 = tpu.memref_squeeze %dma_wait3A_211 : memref<1x128xi32, #tpu.memory_space<vmem>> -> memref<128xi32, #tpu.memory_space<vmem>>
          %dma_wait3A_213 = tpu.memref_slice %arg2[%add3A_185, %mul3A_2] : memref<200x4096xi32, #tpu.memory_space<hbm>> -> memref<1x128xi32, #tpu.memory_space<hbm>>
          %dma_wait3A_214 = tpu.memref_squeeze %dma_wait3A_213 : memref<1x128xi32, #tpu.memory_space<hbm>> -> memref<128xi32, #tpu.memory_space<hbm>>
          %dma_wait3A_215 = arith.constant 0 : i32
          %dma_wait3A_216 = tpu.memref_slice %arg8[%run_scoped3A_186, %dma_wait3A_215] : memref<2x128xi32, #tpu.memory_space<vmem>> -> memref<1x128xi32, #tpu.memory_space<vmem>>
          %dma_wait3A_217 = tpu.memref_squeeze %dma_wait3A_216 : memref<1x128xi32, #tpu.memory_space<vmem>> -> memref<128xi32, #tpu.memory_space<vmem>>
          %dma_wait3A_218 = tpu.memref_slice %arg2[%add3A_185, %mul3A_2] : memref<200x4096xi32, #tpu.memory_space<hbm>> -> memref<1x128xi32, #tpu.memory_space<hbm>>
          %dma_wait3A_219 = tpu.memref_squeeze %dma_wait3A_218 : memref<1x128xi32, #tpu.memory_space<hbm>> -> memref<128xi32, #tpu.memory_space<hbm>>
          tpu.wait_dma2 semaphore(%run_scoped3A_199 : memref<!tpu.dma_semaphore, #tpu.memory_space<semaphore_mem>>) src(%dma_wait3A_219 : memref<128xi32, #tpu.memory_space<hbm>>) dst(%dma_wait3A_217 : memref<128xi32, #tpu.memory_space<vmem>>)
          tpu.yield
        }) : () -> ()
        %dma_start3A_187 = arith.constant 1 : i32
        %dma_start3A_188 = arith.constant 1 : i32
        %dma_start3A_189 = arith.constant 0 : i32
        %dma_start3A_190 = arith.constant 0 : i32
        %dma_start3A_191 = tpu.memref_slice %arg9[%dma_start3A_188, %dma_start3A_189, %dma_start3A_190] : memref<2x128x128xf32, #tpu.memory_space<vmem>> -> memref<1x128x128xf32, #tpu.memory_space<vmem>>
        %dma_start3A_192 = tpu.memref_squeeze %dma_start3A_191 : memref<1x128x128xf32, #tpu.memory_space<vmem>> -> memref<128x128xf32, #tpu.memory_space<vmem>>
        %dma_start3A_193 = arith.constant 0 : i32
        %dma_start3A_194 = tpu.memref_slice %arg8[%dma_start3A_187, %dma_start3A_193] : memref<2x128xi32, #tpu.memory_space<vmem>> -> memref<1x128xi32, #tpu.memory_space<vmem>>
        %dma_start3A_195 = tpu.memref_squeeze %dma_start3A_194 : memref<1x128xi32, #tpu.memory_space<vmem>> -> memref<128xi32, #tpu.memory_space<vmem>>
        %dma_start3A_196 = arith.constant 0 : i32
        %dma_start3A_197 = arith.constant 0 : i32
        %dma_start3A_198 = tpu.memref_slice %arg3[%dma_start3A_196, %dma_start3A_197] : memref<100000x128xf32, #tpu.memory_space<hbm>> -> memref<100000x128xf32, #tpu.memory_space<hbm>>
        tpu.enqueue_indirect_dma source(%dma_start3A_198 : memref<100000x128xf32, #tpu.memory_space<hbm>>) target(%dma_start3A_192 : memref<128x128xf32, #tpu.memory_space<vmem>>) offsets(%dma_start3A_195 : memref<128xi32, #tpu.memory_space<vmem>>) semaphore(%arg16 : memref<!tpu.dma_semaphore, #tpu.memory_space<semaphore_mem>>)
      } else {
      }
      %ge3A = arith.constant 2 : i32
      %ge3A_76 = arith.cmpi sge, %mul3A_73, %ge3A : i32
      %convert_element_type3A_77 = arith.extui %ge3A_76 : i1 to i32
      %cond3A_78 = arith.constant 0 : i32
      %cond3A_79 = arith.cmpi ne, %convert_element_type3A_77, %cond3A_78 : i32
      scf.if %cond3A_79 {
        %dma_wait3A_184 = arith.constant 0 : i32
        %dma_wait3A_185 = arith.constant 0 : i32
        %dma_wait3A_186 = arith.constant 0 : i32
        %dma_wait3A_187 = arith.constant 0 : i32
        %dma_wait3A_188 = tpu.memref_slice %arg11[%dma_wait3A_184, %dma_wait3A_186, %dma_wait3A_187] : memref<2x64x128xf32, #tpu.memory_space<vmem>> -> memref<1x64x128xf32, #tpu.memory_space<vmem>>
        %dma_wait3A_189 = tpu.memref_squeeze %dma_wait3A_188 : memref<1x64x128xf32, #tpu.memory_space<vmem>> -> memref<64x128xf32, #tpu.memory_space<vmem>>
        %dma_wait3A_190 = arith.constant 0 : i32
        %dma_wait3A_191 = tpu.memref_slice %arg7[%dma_wait3A_185, %dma_wait3A_190, %mul3A_2] : memref<200x64x4096xf32, #tpu.memory_space<hbm>> -> memref<1x64x128xf32, #tpu.memory_space<hbm>>
        %dma_wait3A_192 = tpu.memref_squeeze %dma_wait3A_191 : memref<1x64x128xf32, #tpu.memory_space<hbm>> -> memref<64x128xf32, #tpu.memory_space<hbm>>
        %dma_wait3A_193 = arith.constant 0 : i32
        %dma_wait3A_194 = tpu.memref_slice %arg7[%dma_wait3A_185, %dma_wait3A_193, %mul3A_2] : memref<200x64x4096xf32, #tpu.memory_space<hbm>> -> memref<1x64x128xf32, #tpu.memory_space<hbm>>
        %dma_wait3A_195 = tpu.memref_squeeze %dma_wait3A_194 : memref<1x64x128xf32, #tpu.memory_space<hbm>> -> memref<64x128xf32, #tpu.memory_space<hbm>>
        %dma_wait3A_196 = arith.constant 0 : i32
        %dma_wait3A_197 = arith.constant 0 : i32
        %dma_wait3A_198 = tpu.memref_slice %arg11[%dma_wait3A_184, %dma_wait3A_196, %dma_wait3A_197] : memref<2x64x128xf32, #tpu.memory_space<vmem>> -> memref<1x64x128xf32, #tpu.memory_space<vmem>>
        %dma_wait3A_199 = tpu.memref_squeeze %dma_wait3A_198 : memref<1x64x128xf32, #tpu.memory_space<vmem>> -> memref<64x128xf32, #tpu.memory_space<vmem>>
        tpu.wait_dma2 semaphore(%arg17 : memref<!tpu.dma_semaphore, #tpu.memory_space<semaphore_mem>>) src(%dma_wait3A_199 : memref<64x128xf32, #tpu.memory_space<vmem>>) dst(%dma_wait3A_195 : memref<64x128xf32, #tpu.memory_space<hbm>>)
      } else {
      }
      %dma_wait3A_80 = arith.constant 0 : i32
      %dma_wait3A_81 = arith.constant 0 : i32
      %dma_wait3A_82 = arith.constant 0 : i32
      %dma_wait3A_83 = arith.constant 0 : i32
      %dma_wait3A_84 = tpu.memref_slice %arg9[%dma_wait3A_81, %dma_wait3A_82, %dma_wait3A_83] : memref<2x128x128xf32, #tpu.memory_space<vmem>> -> memref<1x128x128xf32, #tpu.memory_space<vmem>>
      %dma_wait3A_85 = tpu.memref_squeeze %dma_wait3A_84 : memref<1x128x128xf32, #tpu.memory_space<vmem>> -> memref<128x128xf32, #tpu.memory_space<vmem>>
      %dma_wait3A_86 = arith.constant 0 : i32
      %dma_wait3A_87 = tpu.memref_slice %arg8[%dma_wait3A_80, %dma_wait3A_86] : memref<2x128xi32, #tpu.memory_space<vmem>> -> memref<1x128xi32, #tpu.memory_space<vmem>>
      %dma_wait3A_88 = tpu.memref_squeeze %dma_wait3A_87 : memref<1x128xi32, #tpu.memory_space<vmem>> -> memref<128xi32, #tpu.memory_space<vmem>>
      %dma_wait3A_89 = arith.constant 0 : i32
      %dma_wait3A_90 = arith.constant 0 : i32
      %dma_wait3A_91 = tpu.memref_slice %arg3[%dma_wait3A_89, %dma_wait3A_90] : memref<100000x128xf32, #tpu.memory_space<hbm>> -> memref<100000x128xf32, #tpu.memory_space<hbm>>
      tpu.wait_indirect_dma semaphore(%arg15 : memref<!tpu.dma_semaphore, #tpu.memory_space<semaphore_mem>>) src(%dma_wait3A_91 : memref<100000x128xf32, #tpu.memory_space<hbm>>) dst(%dma_wait3A_85 : memref<128x128xf32, #tpu.memory_space<vmem>>)
      %get3A_92 = arith.index_cast %mul3A_73 : i32 to index
      %get3A_93 = arith.constant 0 : index
      %get3A_94 = tpu.vector_load %arg12[%get3A_92, %get3A_93] {strides = array<i32>} : memref<200x64xf32, #tpu.memory_space<vmem>>, vector<16xf32>,
      %get3A_95 = arith.index_cast %mul3A_73 : i32 to index
      %get3A_96 = arith.constant 16 : index
      %get3A_97 = tpu.vector_load %arg12[%get3A_95, %get3A_96] {strides = array<i32>} : memref<200x64xf32, #tpu.memory_space<vmem>>, vector<16xf32>,
      %get3A_98 = arith.index_cast %mul3A_73 : i32 to index
      %get3A_99 = arith.constant 32 : index
      %get3A_100 = tpu.vector_load %arg12[%get3A_98, %get3A_99] {strides = array<i32>} : memref<200x64xf32, #tpu.memory_space<vmem>>, vector<16xf32>,
      %get3A_101 = arith.index_cast %mul3A_73 : i32 to index
      %get3A_102 = arith.constant 48 : index
      %get3A_103 = tpu.vector_load %arg12[%get3A_101, %get3A_102] {strides = array<i32>} : memref<200x64xf32, #tpu.memory_space<vmem>>, vector<16xf32>,
      %parallel_loop3A = arith.constant 0 : i32
      %parallel_loop3A_104 = arith.constant 128 : i32
      %parallel_loop3A_105 = arith.constant 1 : i32
      scf.for %parallel_loop3A_184 = %parallel_loop3A to %parallel_loop3A_104 step %parallel_loop3A_105  : i32 {
        %parallel_loop3A_185 = arith.constant 0 : i32
        %parallel_loop3A_186 = arith.index_cast %parallel_loop3A_185 : i32 to index
        %parallel_loop3A_187 = arith.index_cast %parallel_loop3A_184 : i32 to index
        %parallel_loop3A_188 = arith.constant 0 : index
        %parallel_loop3A_189 = tpu.vector_load %arg9[%parallel_loop3A_186, %parallel_loop3A_187, %parallel_loop3A_188] {strides = array<i32>} : memref<2x128x128xf32, #tpu.memory_space<vmem>>, vector<16xf32>,
        %parallel_loop3A_190 = arith.addf %parallel_loop3A_189, %get3A_94 : vector<16xf32>
        %parallel_loop3A_191 = arith.constant 0 : i32
        %parallel_loop3A_192 = arith.index_cast %parallel_loop3A_191 : i32 to index
        %parallel_loop3A_193 = arith.index_cast %parallel_loop3A_184 : i32 to index
        %parallel_loop3A_194 = arith.constant 16 : index
        %parallel_loop3A_195 = tpu.vector_load %arg9[%parallel_loop3A_192, %parallel_loop3A_193, %parallel_loop3A_194] {strides = array<i32>} : memref<2x128x128xf32, #tpu.memory_space<vmem>>, vector<16xf32>,
        %parallel_loop3A_196 = arith.addf %parallel_loop3A_195, %get3A_97 : vector<16xf32>
        %parallel_loop3A_197 = arith.constant 0 : i32
        %parallel_loop3A_198 = arith.index_cast %parallel_loop3A_197 : i32 to index
        %parallel_loop3A_199 = arith.index_cast %parallel_loop3A_184 : i32 to index
        %parallel_loop3A_200 = arith.constant 32 : index
        %parallel_loop3A_201 = tpu.vector_load %arg9[%parallel_loop3A_198, %parallel_loop3A_199, %parallel_loop3A_200] {strides = array<i32>} : memref<2x128x128xf32, #tpu.memory_space<vmem>>, vector<16xf32>,
        %parallel_loop3A_202 = arith.addf %parallel_loop3A_201, %get3A_100 : vector<16xf32>
        %parallel_loop3A_203 = arith.constant 0 : i32
        %parallel_loop3A_204 = arith.index_cast %parallel_loop3A_203 : i32 to index
        %parallel_loop3A_205 = arith.index_cast %parallel_loop3A_184 : i32 to index
        %parallel_loop3A_206 = arith.constant 48 : index
        %parallel_loop3A_207 = tpu.vector_load %arg9[%parallel_loop3A_204, %parallel_loop3A_205, %parallel_loop3A_206] {strides = array<i32>} : memref<2x128x128xf32, #tpu.memory_space<vmem>>, vector<16xf32>,
        %parallel_loop3A_208 = arith.addf %parallel_loop3A_207, %get3A_103 : vector<16xf32>
        %parallel_loop3A_209 = arith.addf %parallel_loop3A_190, %parallel_loop3A_196 : vector<16xf32>
        %parallel_loop3A_210 = arith.addf %parallel_loop3A_202, %parallel_loop3A_208 : vector<16xf32>
        %parallel_loop3A_211 = arith.addf %parallel_loop3A_209, %parallel_loop3A_210 : vector<16xf32>
        %parallel_loop3A_212 = arith.mulf %parallel_loop3A_190, %parallel_loop3A_190 : vector<16xf32>
        %parallel_loop3A_213 = arith.mulf %parallel_loop3A_196, %parallel_loop3A_196 : vector<16xf32>
        %parallel_loop3A_214 = arith.addf %parallel_loop3A_212, %parallel_loop3A_213 : vector<16xf32>
        %parallel_loop3A_215 = arith.mulf %parallel_loop3A_202, %parallel_loop3A_202 : vector<16xf32>
        %parallel_loop3A_216 = arith.mulf %parallel_loop3A_208, %parallel_loop3A_208 : vector<16xf32>
        %parallel_loop3A_217 = arith.addf %parallel_loop3A_215, %parallel_loop3A_216 : vector<16xf32>
        %parallel_loop3A_218 = arith.addf %parallel_loop3A_214, %parallel_loop3A_217 : vector<16xf32>
        %parallel_loop3A_219 = tpu.iota {dimensions = array<i32: 0>} : vector<16xi32>
        %parallel_loop3A_220 = arith.constant 8 : i32
        %parallel_loop3A_221 = vector.broadcast %parallel_loop3A_220 : i32 to vector<16xi32>
        %parallel_loop3A_222 = arith.xori %parallel_loop3A_219, %parallel_loop3A_221 : vector<16xi32>
        %parallel_loop3A_223 = vector.shape_cast %parallel_loop3A_222 : vector<16xi32> to vector<16x1xi32>
        %parallel_loop3A_224 = vector.shape_cast %parallel_loop3A_223 : vector<16x1xi32> to vector<16xi32>
        %parallel_loop3A_225 = tpu.dynamic_gather %parallel_loop3A_211[%parallel_loop3A_224] in [0] : vector<16xf32>, vector<16xi32> -> vector<16xf32>
        %parallel_loop3A_226 = arith.addf %parallel_loop3A_211, %parallel_loop3A_225 : vector<16xf32>
        %parallel_loop3A_227 = arith.constant 4 : i32
        %parallel_loop3A_228 = vector.broadcast %parallel_loop3A_227 : i32 to vector<16xi32>
        %parallel_loop3A_229 = arith.xori %parallel_loop3A_219, %parallel_loop3A_228 : vector<16xi32>
        %parallel_loop3A_230 = vector.shape_cast %parallel_loop3A_229 : vector<16xi32> to vector<16x1xi32>
        %parallel_loop3A_231 = vector.shape_cast %parallel_loop3A_230 : vector<16x1xi32> to vector<16xi32>
        %parallel_loop3A_232 = tpu.dynamic_gather %parallel_loop3A_226[%parallel_loop3A_231] in [0] : vector<16xf32>, vector<16xi32> -> vector<16xf32>
        %parallel_loop3A_233 = arith.addf %parallel_loop3A_226, %parallel_loop3A_232 : vector<16xf32>
        %parallel_loop3A_234 = arith.constant 2 : i32
        %parallel_loop3A_235 = vector.broadcast %parallel_loop3A_234 : i32 to vector<16xi32>
        %parallel_loop3A_236 = arith.xori %parallel_loop3A_219, %parallel_loop3A_235 : vector<16xi32>
        %parallel_loop3A_237 = vector.shape_cast %parallel_loop3A_236 : vector<16xi32> to vector<16x1xi32>
        %parallel_loop3A_238 = vector.shape_cast %parallel_loop3A_237 : vector<16x1xi32> to vector<16xi32>
        %parallel_loop3A_239 = tpu.dynamic_gather %parallel_loop3A_233[%parallel_loop3A_238] in [0] : vector<16xf32>, vector<16xi32> -> vector<16xf32>
        %parallel_loop3A_240 = arith.addf %parallel_loop3A_233, %parallel_loop3A_239 : vector<16xf32>
        %parallel_loop3A_241 = arith.constant 1 : i32
        %parallel_loop3A_242 = vector.broadcast %parallel_loop3A_241 : i32 to vector<16xi32>
        %parallel_loop3A_243 = arith.xori %parallel_loop3A_219, %parallel_loop3A_242 : vector<16xi32>
        %parallel_loop3A_244 = vector.shape_cast %parallel_loop3A_243 : vector<16xi32> to vector<16x1xi32>
        %parallel_loop3A_245 = vector.shape_cast %parallel_loop3A_244 : vector<16x1xi32> to vector<16xi32>
        %parallel_loop3A_246 = tpu.dynamic_gather %parallel_loop3A_240[%parallel_loop3A_245] in [0] : vector<16xf32>, vector<16xi32> -> vector<16xf32>
        %parallel_loop3A_247 = arith.addf %parallel_loop3A_240, %parallel_loop3A_246 : vector<16xf32>
        %parallel_loop3A_248 = arith.constant 1.562500e-02 : f32
        %parallel_loop3A_249 = vector.broadcast %parallel_loop3A_248 : f32 to vector<16xf32>
        %parallel_loop3A_250 = arith.mulf %parallel_loop3A_247, %parallel_loop3A_249 : vector<16xf32>
        %parallel_loop3A_251 = tpu.iota {dimensions = array<i32: 0>} : vector<16xi32>
        %parallel_loop3A_252 = arith.constant 8 : i32
        %parallel_loop3A_253 = vector.broadcast %parallel_loop3A_252 : i32 to vector<16xi32>
        %parallel_loop3A_254 = arith.xori %parallel_loop3A_251, %parallel_loop3A_253 : vector<16xi32>
        %parallel_loop3A_255 = vector.shape_cast %parallel_loop3A_254 : vector<16xi32> to vector<16x1xi32>
        %parallel_loop3A_256 = vector.shape_cast %parallel_loop3A_255 : vector<16x1xi32> to vector<16xi32>
        %parallel_loop3A_257 = tpu.dynamic_gather %parallel_loop3A_218[%parallel_loop3A_256] in [0] : vector<16xf32>, vector<16xi32> -> vector<16xf32>
        %parallel_loop3A_258 = arith.addf %parallel_loop3A_218, %parallel_loop3A_257 : vector<16xf32>
        %parallel_loop3A_259 = arith.constant 4 : i32
        %parallel_loop3A_260 = vector.broadcast %parallel_loop3A_259 : i32 to vector<16xi32>
        %parallel_loop3A_261 = arith.xori %parallel_loop3A_251, %parallel_loop3A_260 : vector<16xi32>
        %parallel_loop3A_262 = vector.shape_cast %parallel_loop3A_261 : vector<16xi32> to vector<16x1xi32>
        %parallel_loop3A_263 = vector.shape_cast %parallel_loop3A_262 : vector<16x1xi32> to vector<16xi32>
        %parallel_loop3A_264 = tpu.dynamic_gather %parallel_loop3A_258[%parallel_loop3A_263] in [0] : vector<16xf32>, vector<16xi32> -> vector<16xf32>
        %parallel_loop3A_265 = arith.addf %parallel_loop3A_258, %parallel_loop3A_264 : vector<16xf32>
        %parallel_loop3A_266 = arith.constant 2 : i32
        %parallel_loop3A_267 = vector.broadcast %parallel_loop3A_266 : i32 to vector<16xi32>
        %parallel_loop3A_268 = arith.xori %parallel_loop3A_251, %parallel_loop3A_267 : vector<16xi32>
        %parallel_loop3A_269 = vector.shape_cast %parallel_loop3A_268 : vector<16xi32> to vector<16x1xi32>
        %parallel_loop3A_270 = vector.shape_cast %parallel_loop3A_269 : vector<16x1xi32> to vector<16xi32>
        %parallel_loop3A_271 = tpu.dynamic_gather %parallel_loop3A_265[%parallel_loop3A_270] in [0] : vector<16xf32>, vector<16xi32> -> vector<16xf32>
        %parallel_loop3A_272 = arith.addf %parallel_loop3A_265, %parallel_loop3A_271 : vector<16xf32>
        %parallel_loop3A_273 = arith.constant 1 : i32
        %parallel_loop3A_274 = vector.broadcast %parallel_loop3A_273 : i32 to vector<16xi32>
        %parallel_loop3A_275 = arith.xori %parallel_loop3A_251, %parallel_loop3A_274 : vector<16xi32>
        %parallel_loop3A_276 = vector.shape_cast %parallel_loop3A_275 : vector<16xi32> to vector<16x1xi32>
        %parallel_loop3A_277 = vector.shape_cast %parallel_loop3A_276 : vector<16x1xi32> to vector<16xi32>
        %parallel_loop3A_278 = tpu.dynamic_gather %parallel_loop3A_272[%parallel_loop3A_277] in [0] : vector<16xf32>, vector<16xi32> -> vector<16xf32>
        %parallel_loop3A_279 = arith.addf %parallel_loop3A_272, %parallel_loop3A_278 : vector<16xf32>
        %parallel_loop3A_280 = arith.constant 1.562500e-02 : f32
        %parallel_loop3A_281 = vector.broadcast %parallel_loop3A_280 : f32 to vector<16xf32>
        %parallel_loop3A_282 = arith.mulf %parallel_loop3A_279, %parallel_loop3A_281 : vector<16xf32>
        %parallel_loop3A_283 = arith.mulf %parallel_loop3A_250, %parallel_loop3A_250 : vector<16xf32>
        %parallel_loop3A_284 = arith.subf %parallel_loop3A_282, %parallel_loop3A_283 : vector<16xf32>
        %parallel_loop3A_285 = arith.constant 9.99999996E-13 : f32
        %parallel_loop3A_286 = vector.broadcast %parallel_loop3A_285 : f32 to vector<16xf32>
        %parallel_loop3A_287 = arith.addf %parallel_loop3A_284, %parallel_loop3A_286 : vector<16xf32>
        %parallel_loop3A_288 = tpu.bitcast %parallel_loop3A_287 : vector<16xf32> -> vector<16xi32>
        %parallel_loop3A_289 = arith.constant 1 : i32
        %parallel_loop3A_290 = vector.broadcast %parallel_loop3A_289 : i32 to vector<16xi32>
        %parallel_loop3A_291 = arith.shrsi %parallel_loop3A_288, %parallel_loop3A_290 : vector<16xi32>
        %parallel_loop3A_292 = arith.constant 1597463007 : i32
        %parallel_loop3A_293 = vector.broadcast %parallel_loop3A_292 : i32 to vector<16xi32>
        %parallel_loop3A_294 = arith.subi %parallel_loop3A_293, %parallel_loop3A_291 : vector<16xi32>
        %parallel_loop3A_295 = tpu.bitcast %parallel_loop3A_294 : vector<16xi32> -> vector<16xf32>
        %parallel_loop3A_296 = arith.constant 5.000000e-01 : f32
        %parallel_loop3A_297 = vector.broadcast %parallel_loop3A_296 : f32 to vector<16xf32>
        %parallel_loop3A_298 = arith.mulf %parallel_loop3A_297, %parallel_loop3A_287 : vector<16xf32>
        %parallel_loop3A_299 = arith.mulf %parallel_loop3A_298, %parallel_loop3A_295 : vector<16xf32>
        %parallel_loop3A_300 = arith.mulf %parallel_loop3A_299, %parallel_loop3A_295 : vector<16xf32>
        %parallel_loop3A_301 = arith.constant 1.500000e+00 : f32
        %parallel_loop3A_302 = vector.broadcast %parallel_loop3A_301 : f32 to vector<16xf32>
        %parallel_loop3A_303 = arith.subf %parallel_loop3A_302, %parallel_loop3A_300 : vector<16xf32>
        %parallel_loop3A_304 = arith.mulf %parallel_loop3A_295, %parallel_loop3A_303 : vector<16xf32>
        %parallel_loop3A_305 = arith.constant 5.000000e-01 : f32
        %parallel_loop3A_306 = vector.broadcast %parallel_loop3A_305 : f32 to vector<16xf32>
        %parallel_loop3A_307 = arith.mulf %parallel_loop3A_306, %parallel_loop3A_287 : vector<16xf32>
        %parallel_loop3A_308 = arith.mulf %parallel_loop3A_307, %parallel_loop3A_304 : vector<16xf32>
        %parallel_loop3A_309 = arith.mulf %parallel_loop3A_308, %parallel_loop3A_304 : vector<16xf32>
        %parallel_loop3A_310 = arith.constant 1.500000e+00 : f32
        %parallel_loop3A_311 = vector.broadcast %parallel_loop3A_310 : f32 to vector<16xf32>
        %parallel_loop3A_312 = arith.subf %parallel_loop3A_311, %parallel_loop3A_309 : vector<16xf32>
        %parallel_loop3A_313 = arith.mulf %parallel_loop3A_304, %parallel_loop3A_312 : vector<16xf32>
        %parallel_loop3A_314 = arith.subf %parallel_loop3A_190, %parallel_loop3A_250 : vector<16xf32>
        %parallel_loop3A_315 = arith.mulf %parallel_loop3A_314, %parallel_loop3A_313 : vector<16xf32>
        %parallel_loop3A_316 = arith.mulf %parallel_loop3A_315, %get3A_3 : vector<16xf32>
        %parallel_loop3A_317 = arith.addf %parallel_loop3A_316, %get3A_11 : vector<16xf32>
        %parallel_loop3A_318 = arith.constant 65 : i32
        %parallel_loop3A_319 = arith.muli %parallel_loop3A_184, %parallel_loop3A_318 : i32
        %parallel_loop3A_320 = arith.constant 0 : i32
        %parallel_loop3A_321 = arith.addi %parallel_loop3A_319, %parallel_loop3A_320 : i32
        %parallel_loop3A_322 = arith.index_cast %parallel_loop3A_321 : i32 to index
        %parallel_loop3A_323 = tpu.vector_load %arg10[%parallel_loop3A_322] {strides = array<i32>} : memref<8320xf32, #tpu.memory_space<vmem>>, vector<16xf32>,
        tpu.vector_store %arg10[%parallel_loop3A_322], %parallel_loop3A_317 {strides = array<i32>} : memref<8320xf32, #tpu.memory_space<vmem>>, vector<16xf32>,
        %parallel_loop3A_324 = arith.subf %parallel_loop3A_196, %parallel_loop3A_250 : vector<16xf32>
        %parallel_loop3A_325 = arith.mulf %parallel_loop3A_324, %parallel_loop3A_313 : vector<16xf32>
        %parallel_loop3A_326 = arith.mulf %parallel_loop3A_325, %get3A_5 : vector<16xf32>
        %parallel_loop3A_327 = arith.addf %parallel_loop3A_326, %get3A_13 : vector<16xf32>
        %parallel_loop3A_328 = arith.constant 65 : i32
        %parallel_loop3A_329 = arith.muli %parallel_loop3A_184, %parallel_loop3A_328 : i32
        %parallel_loop3A_330 = arith.constant 16 : i32
        %parallel_loop3A_331 = arith.addi %parallel_loop3A_329, %parallel_loop3A_330 : i32
        %parallel_loop3A_332 = arith.index_cast %parallel_loop3A_331 : i32 to index
        %parallel_loop3A_333 = tpu.vector_load %arg10[%parallel_loop3A_332] {strides = array<i32>} : memref<8320xf32, #tpu.memory_space<vmem>>, vector<16xf32>,
        tpu.vector_store %arg10[%parallel_loop3A_332], %parallel_loop3A_327 {strides = array<i32>} : memref<8320xf32, #tpu.memory_space<vmem>>, vector<16xf32>,
        %parallel_loop3A_334 = arith.subf %parallel_loop3A_202, %parallel_loop3A_250 : vector<16xf32>
        %parallel_loop3A_335 = arith.mulf %parallel_loop3A_334, %parallel_loop3A_313 : vector<16xf32>
        %parallel_loop3A_336 = arith.mulf %parallel_loop3A_335, %get3A_7 : vector<16xf32>
        %parallel_loop3A_337 = arith.addf %parallel_loop3A_336, %get3A_15 : vector<16xf32>
        %parallel_loop3A_338 = arith.constant 65 : i32
        %parallel_loop3A_339 = arith.muli %parallel_loop3A_184, %parallel_loop3A_338 : i32
        %parallel_loop3A_340 = arith.constant 32 : i32
        %parallel_loop3A_341 = arith.addi %parallel_loop3A_339, %parallel_loop3A_340 : i32
        %parallel_loop3A_342 = arith.index_cast %parallel_loop3A_341 : i32 to index
        %parallel_loop3A_343 = tpu.vector_load %arg10[%parallel_loop3A_342] {strides = array<i32>} : memref<8320xf32, #tpu.memory_space<vmem>>, vector<16xf32>,
        tpu.vector_store %arg10[%parallel_loop3A_342], %parallel_loop3A_337 {strides = array<i32>} : memref<8320xf32, #tpu.memory_space<vmem>>, vector<16xf32>,
        %parallel_loop3A_344 = arith.subf %parallel_loop3A_208, %parallel_loop3A_250 : vector<16xf32>
        %parallel_loop3A_345 = arith.mulf %parallel_loop3A_344, %parallel_loop3A_313 : vector<16xf32>
        %parallel_loop3A_346 = arith.mulf %parallel_loop3A_345, %get3A_9 : vector<16xf32>
        %parallel_loop3A_347 = arith.addf %parallel_loop3A_346, %get3A_17 : vector<16xf32>
        %parallel_loop3A_348 = arith.constant 65 : i32
        %parallel_loop3A_349 = arith.muli %parallel_loop3A_184, %parallel_loop3A_348 : i32
        %parallel_loop3A_350 = arith.constant 48 : i32
        %parallel_loop3A_351 = arith.addi %parallel_loop3A_349, %parallel_loop3A_350 : i32
        %parallel_loop3A_352 = arith.index_cast %parallel_loop3A_351 : i32 to index
        %parallel_loop3A_353 = tpu.vector_load %arg10[%parallel_loop3A_352] {strides = array<i32>} : memref<8320xf32, #tpu.memory_space<vmem>>, vector<16xf32>,
        tpu.vector_store %arg10[%parallel_loop3A_352], %parallel_loop3A_347 {strides = array<i32>} : memref<8320xf32, #tpu.memory_space<vmem>>, vector<16xf32>,
      } {sc.loop_unroll_factor = 8 : i64, sc.parallel_access}
      %parallel_loop3A_106 = arith.constant 0 : i32
      %parallel_loop3A_107 = arith.constant 64 : i32
      %parallel_loop3A_108 = arith.constant 1 : i32
      scf.for %parallel_loop3A_184 = %parallel_loop3A_106 to %parallel_loop3A_107 step %parallel_loop3A_108  : i32 {
        %parallel_loop3A_185 = arith.constant 0 : i32
        %parallel_loop3A_186 = arith.addi %parallel_loop3A_185, %parallel_loop3A_184 : i32
        %parallel_loop3A_187 = vector.broadcast %parallel_loop3A_186 : i32 to vector<16xi32>
        %parallel_loop3A_188 = arith.addi %mul3A_20, %parallel_loop3A_187 : vector<16xi32>
        %parallel_loop3A_189 = tpu.vector_load_idx %arg10[%parallel_loop3A_188] : memref<8320xf32, #tpu.memory_space<vmem>>[vector<16xi32>], vector<16xf32>,
        %parallel_loop3A_190 = arith.constant 0 : i32
        %parallel_loop3A_191 = arith.index_cast %parallel_loop3A_190 : i32 to index
        %parallel_loop3A_192 = arith.index_cast %parallel_loop3A_184 : i32 to index
        %parallel_loop3A_193 = arith.constant 0 : index
        %parallel_loop3A_194 = tpu.vector_load %arg11[%parallel_loop3A_191, %parallel_loop3A_192, %parallel_loop3A_193] {strides = array<i32>} : memref<2x64x128xf32, #tpu.memory_space<vmem>>, vector<16xf32>,
        tpu.vector_store %arg11[%parallel_loop3A_191, %parallel_loop3A_192, %parallel_loop3A_193], %parallel_loop3A_189 {strides = array<i32>} : memref<2x64x128xf32, #tpu.memory_space<vmem>>, vector<16xf32>,
        %parallel_loop3A_195 = arith.constant 1040 : i32
        %parallel_loop3A_196 = arith.addi %parallel_loop3A_195, %parallel_loop3A_184 : i32
        %parallel_loop3A_197 = vector.broadcast %parallel_loop3A_196 : i32 to vector<16xi32>
        %parallel_loop3A_198 = arith.addi %mul3A_20, %parallel_loop3A_197 : vector<16xi32>
        %parallel_loop3A_199 = tpu.vector_load_idx %arg10[%parallel_loop3A_198] : memref<8320xf32, #tpu.memory_space<vmem>>[vector<16xi32>], vector<16xf32>,
        %parallel_loop3A_200 = arith.constant 0 : i32
        %parallel_loop3A_201 = arith.index_cast %parallel_loop3A_200 : i32 to index
        %parallel_loop3A_202 = arith.index_cast %parallel_loop3A_184 : i32 to index
        %parallel_loop3A_203 = arith.constant 16 : index
        %parallel_loop3A_204 = tpu.vector_load %arg11[%parallel_loop3A_201, %parallel_loop3A_202, %parallel_loop3A_203] {strides = array<i32>} : memref<2x64x128xf32, #tpu.memory_space<vmem>>, vector<16xf32>,
        tpu.vector_store %arg11[%parallel_loop3A_201, %parallel_loop3A_202, %parallel_loop3A_203], %parallel_loop3A_199 {strides = array<i32>} : memref<2x64x128xf32, #tpu.memory_space<vmem>>, vector<16xf32>,
        %parallel_loop3A_205 = arith.constant 2080 : i32
        %parallel_loop3A_206 = arith.addi %parallel_loop3A_205, %parallel_loop3A_184 : i32
        %parallel_loop3A_207 = vector.broadcast %parallel_loop3A_206 : i32 to vector<16xi32>
        %parallel_loop3A_208 = arith.addi %mul3A_20, %parallel_loop3A_207 : vector<16xi32>
        %parallel_loop3A_209 = tpu.vector_load_idx %arg10[%parallel_loop3A_208] : memref<8320xf32, #tpu.memory_space<vmem>>[vector<16xi32>], vector<16xf32>,
        %parallel_loop3A_210 = arith.constant 0 : i32
        %parallel_loop3A_211 = arith.index_cast %parallel_loop3A_210 : i32 to index
        %parallel_loop3A_212 = arith.index_cast %parallel_loop3A_184 : i32 to index
        %parallel_loop3A_213 = arith.constant 32 : index
        %parallel_loop3A_214 = tpu.vector_load %arg11[%parallel_loop3A_211, %parallel_loop3A_212, %parallel_loop3A_213] {strides = array<i32>} : memref<2x64x128xf32, #tpu.memory_space<vmem>>, vector<16xf32>,
        tpu.vector_store %arg11[%parallel_loop3A_211, %parallel_loop3A_212, %parallel_loop3A_213], %parallel_loop3A_209 {strides = array<i32>} : memref<2x64x128xf32, #tpu.memory_space<vmem>>, vector<16xf32>,
        %parallel_loop3A_215 = arith.constant 3120 : i32
        %parallel_loop3A_216 = arith.addi %parallel_loop3A_215, %parallel_loop3A_184 : i32
        %parallel_loop3A_217 = vector.broadcast %parallel_loop3A_216 : i32 to vector<16xi32>
        %parallel_loop3A_218 = arith.addi %mul3A_20, %parallel_loop3A_217 : vector<16xi32>
        %parallel_loop3A_219 = tpu.vector_load_idx %arg10[%parallel_loop3A_218] : memref<8320xf32, #tpu.memory_space<vmem>>[vector<16xi32>], vector<16xf32>,
        %parallel_loop3A_220 = arith.constant 0 : i32
        %parallel_loop3A_221 = arith.index_cast %parallel_loop3A_220 : i32 to index
        %parallel_loop3A_222 = arith.index_cast %parallel_loop3A_184 : i32 to index
        %parallel_loop3A_223 = arith.constant 48 : index
        %parallel_loop3A_224 = tpu.vector_load %arg11[%parallel_loop3A_221, %parallel_loop3A_222, %parallel_loop3A_223] {strides = array<i32>} : memref<2x64x128xf32, #tpu.memory_space<vmem>>, vector<16xf32>,
        tpu.vector_store %arg11[%parallel_loop3A_221, %parallel_loop3A_222, %parallel_loop3A_223], %parallel_loop3A_219 {strides = array<i32>} : memref<2x64x128xf32, #tpu.memory_space<vmem>>, vector<16xf32>,
        %parallel_loop3A_225 = arith.constant 4160 : i32
        %parallel_loop3A_226 = arith.addi %parallel_loop3A_225, %parallel_loop3A_184 : i32
        %parallel_loop3A_227 = vector.broadcast %parallel_loop3A_226 : i32 to vector<16xi32>
        %parallel_loop3A_228 = arith.addi %mul3A_20, %parallel_loop3A_227 : vector<16xi32>
        %parallel_loop3A_229 = tpu.vector_load_idx %arg10[%parallel_loop3A_228] : memref<8320xf32, #tpu.memory_space<vmem>>[vector<16xi32>], vector<16xf32>,
        %parallel_loop3A_230 = arith.constant 0 : i32
        %parallel_loop3A_231 = arith.index_cast %parallel_loop3A_230 : i32 to index
        %parallel_loop3A_232 = arith.index_cast %parallel_loop3A_184 : i32 to index
        %parallel_loop3A_233 = arith.constant 64 : index
        %parallel_loop3A_234 = tpu.vector_load %arg11[%parallel_loop3A_231, %parallel_loop3A_232, %parallel_loop3A_233] {strides = array<i32>} : memref<2x64x128xf32, #tpu.memory_space<vmem>>, vector<16xf32>,
        tpu.vector_store %arg11[%parallel_loop3A_231, %parallel_loop3A_232, %parallel_loop3A_233], %parallel_loop3A_229 {strides = array<i32>} : memref<2x64x128xf32, #tpu.memory_space<vmem>>, vector<16xf32>,
        %parallel_loop3A_235 = arith.constant 5200 : i32
        %parallel_loop3A_236 = arith.addi %parallel_loop3A_235, %parallel_loop3A_184 : i32
        %parallel_loop3A_237 = vector.broadcast %parallel_loop3A_236 : i32 to vector<16xi32>
        %parallel_loop3A_238 = arith.addi %mul3A_20, %parallel_loop3A_237 : vector<16xi32>
        %parallel_loop3A_239 = tpu.vector_load_idx %arg10[%parallel_loop3A_238] : memref<8320xf32, #tpu.memory_space<vmem>>[vector<16xi32>], vector<16xf32>,
        %parallel_loop3A_240 = arith.constant 0 : i32
        %parallel_loop3A_241 = arith.index_cast %parallel_loop3A_240 : i32 to index
        %parallel_loop3A_242 = arith.index_cast %parallel_loop3A_184 : i32 to index
        %parallel_loop3A_243 = arith.constant 80 : index
        %parallel_loop3A_244 = tpu.vector_load %arg11[%parallel_loop3A_241, %parallel_loop3A_242, %parallel_loop3A_243] {strides = array<i32>} : memref<2x64x128xf32, #tpu.memory_space<vmem>>, vector<16xf32>,
        tpu.vector_store %arg11[%parallel_loop3A_241, %parallel_loop3A_242, %parallel_loop3A_243], %parallel_loop3A_239 {strides = array<i32>} : memref<2x64x128xf32, #tpu.memory_space<vmem>>, vector<16xf32>,
        %parallel_loop3A_245 = arith.constant 6240 : i32
        %parallel_loop3A_246 = arith.addi %parallel_loop3A_245, %parallel_loop3A_184 : i32
        %parallel_loop3A_247 = vector.broadcast %parallel_loop3A_246 : i32 to vector<16xi32>
        %parallel_loop3A_248 = arith.addi %mul3A_20, %parallel_loop3A_247 : vector<16xi32>
        %parallel_loop3A_249 = tpu.vector_load_idx %arg10[%parallel_loop3A_248] : memref<8320xf32, #tpu.memory_space<vmem>>[vector<16xi32>], vector<16xf32>,
        %parallel_loop3A_250 = arith.constant 0 : i32
        %parallel_loop3A_251 = arith.index_cast %parallel_loop3A_250 : i32 to index
        %parallel_loop3A_252 = arith.index_cast %parallel_loop3A_184 : i32 to index
        %parallel_loop3A_253 = arith.constant 96 : index
        %parallel_loop3A_254 = tpu.vector_load %arg11[%parallel_loop3A_251, %parallel_loop3A_252, %parallel_loop3A_253] {strides = array<i32>} : memref<2x64x128xf32, #tpu.memory_space<vmem>>, vector<16xf32>,
        tpu.vector_store %arg11[%parallel_loop3A_251, %parallel_loop3A_252, %parallel_loop3A_253], %parallel_loop3A_249 {strides = array<i32>} : memref<2x64x128xf32, #tpu.memory_space<vmem>>, vector<16xf32>,
        %parallel_loop3A_255 = arith.constant 7280 : i32
        %parallel_loop3A_256 = arith.addi %parallel_loop3A_255, %parallel_loop3A_184 : i32
        %parallel_loop3A_257 = vector.broadcast %parallel_loop3A_256 : i32 to vector<16xi32>
        %parallel_loop3A_258 = arith.addi %mul3A_20, %parallel_loop3A_257 : vector<16xi32>
        %parallel_loop3A_259 = tpu.vector_load_idx %arg10[%parallel_loop3A_258] : memref<8320xf32, #tpu.memory_space<vmem>>[vector<16xi32>], vector<16xf32>,
        %parallel_loop3A_260 = arith.constant 0 : i32
        %parallel_loop3A_261 = arith.index_cast %parallel_loop3A_260 : i32 to index
        %parallel_loop3A_262 = arith.index_cast %parallel_loop3A_184 : i32 to index
        %parallel_loop3A_263 = arith.constant 112 : index
        %parallel_loop3A_264 = tpu.vector_load %arg11[%parallel_loop3A_261, %parallel_loop3A_262, %parallel_loop3A_263] {strides = array<i32>} : memref<2x64x128xf32, #tpu.memory_space<vmem>>, vector<16xf32>,
        tpu.vector_store %arg11[%parallel_loop3A_261, %parallel_loop3A_262, %parallel_loop3A_263], %parallel_loop3A_259 {strides = array<i32>} : memref<2x64x128xf32, #tpu.memory_space<vmem>>, vector<16xf32>,
      } {sc.loop_unroll_factor = 4 : i64, sc.parallel_access}
      %dma_start3A_109 = arith.constant 0 : i32
      %dma_start3A_110 = arith.constant 0 : i32
      %dma_start3A_111 = arith.constant 0 : i32
      %dma_start3A_112 = tpu.memref_slice %arg11[%dma_start3A_109, %dma_start3A_110, %dma_start3A_111] : memref<2x64x128xf32, #tpu.memory_space<vmem>> -> memref<1x64x128xf32, #tpu.memory_space<vmem>>
      %dma_start3A_113 = tpu.memref_squeeze %dma_start3A_112 : memref<1x64x128xf32, #tpu.memory_space<vmem>> -> memref<64x128xf32, #tpu.memory_space<vmem>>
      %dma_start3A_114 = arith.constant 0 : i32
      %dma_start3A_115 = tpu.memref_slice %arg7[%mul3A_73, %dma_start3A_114, %mul3A_2] : memref<200x64x4096xf32, #tpu.memory_space<hbm>> -> memref<1x64x128xf32, #tpu.memory_space<hbm>>
      %dma_start3A_116 = tpu.memref_squeeze %dma_start3A_115 : memref<1x64x128xf32, #tpu.memory_space<hbm>> -> memref<64x128xf32, #tpu.memory_space<hbm>>
      %dma_start3A_117 = arith.constant 0 : i32
      %dma_start3A_118 = tpu.memref_slice %arg7[%mul3A_73, %dma_start3A_117, %mul3A_2] : memref<200x64x4096xf32, #tpu.memory_space<hbm>> -> memref<1x64x128xf32, #tpu.memory_space<hbm>>
      %dma_start3A_119 = tpu.memref_squeeze %dma_start3A_118 : memref<1x64x128xf32, #tpu.memory_space<hbm>> -> memref<64x128xf32, #tpu.memory_space<hbm>>
      %dma_start3A_120 = arith.constant 0 : i32
      %dma_start3A_121 = arith.constant 0 : i32
      %dma_start3A_122 = tpu.memref_slice %arg11[%dma_start3A_109, %dma_start3A_120, %dma_start3A_121] : memref<2x64x128xf32, #tpu.memory_space<vmem>> -> memref<1x64x128xf32, #tpu.memory_space<vmem>>
      %dma_start3A_123 = tpu.memref_squeeze %dma_start3A_122 : memref<1x64x128xf32, #tpu.memory_space<vmem>> -> memref<64x128xf32, #tpu.memory_space<vmem>>
      tpu.enqueue_dma source(%dma_start3A_123 : memref<64x128xf32, #tpu.memory_space<vmem>>) target(%dma_start3A_119 : memref<64x128xf32, #tpu.memory_space<hbm>>) target_semaphore(%arg17 : memref<!tpu.dma_semaphore, #tpu.memory_space<semaphore_mem>>)
      %mul3A_124 = arith.constant 2 : i32
      %mul3A_125 = arith.muli %mul3A_124, %scan3A_70 : i32
      %add3A_126 = arith.constant 1 : i32
      %add3A_127 = arith.addi %mul3A_125, %add3A_126 : i32
      %lt3A_128 = arith.constant 199 : i32
      %lt3A_129 = arith.cmpi slt, %add3A_127, %lt3A_128 : i32
      %convert_element_type3A_130 = arith.extui %lt3A_129 : i1 to i32
      %cond3A_131 = arith.constant 0 : i32
      %cond3A_132 = arith.cmpi ne, %convert_element_type3A_130, %cond3A_131 : i32
      scf.if %cond3A_132 {
        %add3A_184 = arith.constant 1 : i32
        %add3A_185 = arith.addi %add3A_127, %add3A_184 : i32
        %run_scoped3A_186 = arith.constant 0 : i32
        "tpu.region"() ({
          %run_scoped3A_199 = tpu.sem_alloc : memref<!tpu.dma_semaphore, #tpu.memory_space<semaphore_mem>>
          %dma_start3A_200 = arith.constant 0 : i32
          %dma_start3A_201 = tpu.memref_slice %arg8[%run_scoped3A_186, %dma_start3A_200] : memref<2x128xi32, #tpu.memory_space<vmem>> -> memref<1x128xi32, #tpu.memory_space<vmem>>
          %dma_start3A_202 = tpu.memref_squeeze %dma_start3A_201 : memref<1x128xi32, #tpu.memory_space<vmem>> -> memref<128xi32, #tpu.memory_space<vmem>>
          %dma_start3A_203 = tpu.memref_slice %arg2[%add3A_185, %mul3A_2] : memref<200x4096xi32, #tpu.memory_space<hbm>> -> memref<1x128xi32, #tpu.memory_space<hbm>>
          %dma_start3A_204 = tpu.memref_squeeze %dma_start3A_203 : memref<1x128xi32, #tpu.memory_space<hbm>> -> memref<128xi32, #tpu.memory_space<hbm>>
          %dma_start3A_205 = arith.constant 0 : i32
          %dma_start3A_206 = tpu.memref_slice %arg8[%run_scoped3A_186, %dma_start3A_205] : memref<2x128xi32, #tpu.memory_space<vmem>> -> memref<1x128xi32, #tpu.memory_space<vmem>>
          %dma_start3A_207 = tpu.memref_squeeze %dma_start3A_206 : memref<1x128xi32, #tpu.memory_space<vmem>> -> memref<128xi32, #tpu.memory_space<vmem>>
          %dma_start3A_208 = tpu.memref_slice %arg2[%add3A_185, %mul3A_2] : memref<200x4096xi32, #tpu.memory_space<hbm>> -> memref<1x128xi32, #tpu.memory_space<hbm>>
          %dma_start3A_209 = tpu.memref_squeeze %dma_start3A_208 : memref<1x128xi32, #tpu.memory_space<hbm>> -> memref<128xi32, #tpu.memory_space<hbm>>
          tpu.enqueue_dma source(%dma_start3A_209 : memref<128xi32, #tpu.memory_space<hbm>>) target(%dma_start3A_207 : memref<128xi32, #tpu.memory_space<vmem>>) target_semaphore(%run_scoped3A_199 : memref<!tpu.dma_semaphore, #tpu.memory_space<semaphore_mem>>)
          %dma_wait3A_210 = arith.constant 0 : i32
          %dma_wait3A_211 = tpu.memref_slice %arg8[%run_scoped3A_186, %dma_wait3A_210] : memref<2x128xi32, #tpu.memory_space<vmem>> -> memref<1x128xi32, #tpu.memory_space<vmem>>
          %dma_wait3A_212 = tpu.memref_squeeze %dma_wait3A_211 : memref<1x128xi32, #tpu.memory_space<vmem>> -> memref<128xi32, #tpu.memory_space<vmem>>
          %dma_wait3A_213 = tpu.memref_slice %arg2[%add3A_185, %mul3A_2] : memref<200x4096xi32, #tpu.memory_space<hbm>> -> memref<1x128xi32, #tpu.memory_space<hbm>>
          %dma_wait3A_214 = tpu.memref_squeeze %dma_wait3A_213 : memref<1x128xi32, #tpu.memory_space<hbm>> -> memref<128xi32, #tpu.memory_space<hbm>>
          %dma_wait3A_215 = arith.constant 0 : i32
          %dma_wait3A_216 = tpu.memref_slice %arg8[%run_scoped3A_186, %dma_wait3A_215] : memref<2x128xi32, #tpu.memory_space<vmem>> -> memref<1x128xi32, #tpu.memory_space<vmem>>
          %dma_wait3A_217 = tpu.memref_squeeze %dma_wait3A_216 : memref<1x128xi32, #tpu.memory_space<vmem>> -> memref<128xi32, #tpu.memory_space<vmem>>
          %dma_wait3A_218 = tpu.memref_slice %arg2[%add3A_185, %mul3A_2] : memref<200x4096xi32, #tpu.memory_space<hbm>> -> memref<1x128xi32, #tpu.memory_space<hbm>>
          %dma_wait3A_219 = tpu.memref_squeeze %dma_wait3A_218 : memref<1x128xi32, #tpu.memory_space<hbm>> -> memref<128xi32, #tpu.memory_space<hbm>>
          tpu.wait_dma2 semaphore(%run_scoped3A_199 : memref<!tpu.dma_semaphore, #tpu.memory_space<semaphore_mem>>) src(%dma_wait3A_219 : memref<128xi32, #tpu.memory_space<hbm>>) dst(%dma_wait3A_217 : memref<128xi32, #tpu.memory_space<vmem>>)
          tpu.yield
        }) : () -> ()
        %dma_start3A_187 = arith.constant 0 : i32
        %dma_start3A_188 = arith.constant 0 : i32
        %dma_start3A_189 = arith.constant 0 : i32
        %dma_start3A_190 = arith.constant 0 : i32
        %dma_start3A_191 = tpu.memref_slice %arg9[%dma_start3A_188, %dma_start3A_189, %dma_start3A_190] : memref<2x128x128xf32, #tpu.memory_space<vmem>> -> memref<1x128x128xf32, #tpu.memory_space<vmem>>
        %dma_start3A_192 = tpu.memref_squeeze %dma_start3A_191 : memref<1x128x128xf32, #tpu.memory_space<vmem>> -> memref<128x128xf32, #tpu.memory_space<vmem>>
        %dma_start3A_193 = arith.constant 0 : i32
        %dma_start3A_194 = tpu.memref_slice %arg8[%dma_start3A_187, %dma_start3A_193] : memref<2x128xi32, #tpu.memory_space<vmem>> -> memref<1x128xi32, #tpu.memory_space<vmem>>
        %dma_start3A_195 = tpu.memref_squeeze %dma_start3A_194 : memref<1x128xi32, #tpu.memory_space<vmem>> -> memref<128xi32, #tpu.memory_space<vmem>>
        %dma_start3A_196 = arith.constant 0 : i32
        %dma_start3A_197 = arith.constant 0 : i32
        %dma_start3A_198 = tpu.memref_slice %arg3[%dma_start3A_196, %dma_start3A_197] : memref<100000x128xf32, #tpu.memory_space<hbm>> -> memref<100000x128xf32, #tpu.memory_space<hbm>>
        tpu.enqueue_indirect_dma source(%dma_start3A_198 : memref<100000x128xf32, #tpu.memory_space<hbm>>) target(%dma_start3A_192 : memref<128x128xf32, #tpu.memory_space<vmem>>) offsets(%dma_start3A_195 : memref<128xi32, #tpu.memory_space<vmem>>) semaphore(%arg15 : memref<!tpu.dma_semaphore, #tpu.memory_space<semaphore_mem>>)
      } else {
      }
      %ge3A_133 = arith.constant 2 : i32
      %ge3A_134 = arith.cmpi sge, %add3A_127, %ge3A_133 : i32
      %convert_element_type3A_135 = arith.extui %ge3A_134 : i1 to i32
      %cond3A_136 = arith.constant 0 : i32
      %cond3A_137 = arith.cmpi ne, %convert_element_type3A_135, %cond3A_136 : i32
      scf.if %cond3A_137 {
        %dma_wait3A_184 = arith.constant 1 : i32
        %dma_wait3A_185 = arith.constant 0 : i32
        %dma_wait3A_186 = arith.constant 0 : i32
        %dma_wait3A_187 = arith.constant 0 : i32
        %dma_wait3A_188 = tpu.memref_slice %arg11[%dma_wait3A_184, %dma_wait3A_186, %dma_wait3A_187] : memref<2x64x128xf32, #tpu.memory_space<vmem>> -> memref<1x64x128xf32, #tpu.memory_space<vmem>>
        %dma_wait3A_189 = tpu.memref_squeeze %dma_wait3A_188 : memref<1x64x128xf32, #tpu.memory_space<vmem>> -> memref<64x128xf32, #tpu.memory_space<vmem>>
        %dma_wait3A_190 = arith.constant 0 : i32
        %dma_wait3A_191 = tpu.memref_slice %arg7[%dma_wait3A_185, %dma_wait3A_190, %mul3A_2] : memref<200x64x4096xf32, #tpu.memory_space<hbm>> -> memref<1x64x128xf32, #tpu.memory_space<hbm>>
        %dma_wait3A_192 = tpu.memref_squeeze %dma_wait3A_191 : memref<1x64x128xf32, #tpu.memory_space<hbm>> -> memref<64x128xf32, #tpu.memory_space<hbm>>
        %dma_wait3A_193 = arith.constant 0 : i32
        %dma_wait3A_194 = tpu.memref_slice %arg7[%dma_wait3A_185, %dma_wait3A_193, %mul3A_2] : memref<200x64x4096xf32, #tpu.memory_space<hbm>> -> memref<1x64x128xf32, #tpu.memory_space<hbm>>
        %dma_wait3A_195 = tpu.memref_squeeze %dma_wait3A_194 : memref<1x64x128xf32, #tpu.memory_space<hbm>> -> memref<64x128xf32, #tpu.memory_space<hbm>>
        %dma_wait3A_196 = arith.constant 0 : i32
        %dma_wait3A_197 = arith.constant 0 : i32
        %dma_wait3A_198 = tpu.memref_slice %arg11[%dma_wait3A_184, %dma_wait3A_196, %dma_wait3A_197] : memref<2x64x128xf32, #tpu.memory_space<vmem>> -> memref<1x64x128xf32, #tpu.memory_space<vmem>>
        %dma_wait3A_199 = tpu.memref_squeeze %dma_wait3A_198 : memref<1x64x128xf32, #tpu.memory_space<vmem>> -> memref<64x128xf32, #tpu.memory_space<vmem>>
        tpu.wait_dma2 semaphore(%arg18 : memref<!tpu.dma_semaphore, #tpu.memory_space<semaphore_mem>>) src(%dma_wait3A_199 : memref<64x128xf32, #tpu.memory_space<vmem>>) dst(%dma_wait3A_195 : memref<64x128xf32, #tpu.memory_space<hbm>>)
      } else {
      }
      %dma_wait3A_138 = arith.constant 1 : i32
      %dma_wait3A_139 = arith.constant 1 : i32
      %dma_wait3A_140 = arith.constant 0 : i32
      %dma_wait3A_141 = arith.constant 0 : i32
      %dma_wait3A_142 = tpu.memref_slice %arg9[%dma_wait3A_139, %dma_wait3A_140, %dma_wait3A_141] : memref<2x128x128xf32, #tpu.memory_space<vmem>> -> memref<1x128x128xf32, #tpu.memory_space<vmem>>
      %dma_wait3A_143 = tpu.memref_squeeze %dma_wait3A_142 : memref<1x128x128xf32, #tpu.memory_space<vmem>> -> memref<128x128xf32, #tpu.memory_space<vmem>>
      %dma_wait3A_144 = arith.constant 0 : i32
      %dma_wait3A_145 = tpu.memref_slice %arg8[%dma_wait3A_138, %dma_wait3A_144] : memref<2x128xi32, #tpu.memory_space<vmem>> -> memref<1x128xi32, #tpu.memory_space<vmem>>
      %dma_wait3A_146 = tpu.memref_squeeze %dma_wait3A_145 : memref<1x128xi32, #tpu.memory_space<vmem>> -> memref<128xi32, #tpu.memory_space<vmem>>
      %dma_wait3A_147 = arith.constant 0 : i32
      %dma_wait3A_148 = arith.constant 0 : i32
      %dma_wait3A_149 = tpu.memref_slice %arg3[%dma_wait3A_147, %dma_wait3A_148] : memref<100000x128xf32, #tpu.memory_space<hbm>> -> memref<100000x128xf32, #tpu.memory_space<hbm>>
      tpu.wait_indirect_dma semaphore(%arg16 : memref<!tpu.dma_semaphore, #tpu.memory_space<semaphore_mem>>) src(%dma_wait3A_149 : memref<100000x128xf32, #tpu.memory_space<hbm>>) dst(%dma_wait3A_143 : memref<128x128xf32, #tpu.memory_space<vmem>>)
      %get3A_150 = arith.index_cast %add3A_127 : i32 to index
      %get3A_151 = arith.constant 0 : index
      %get3A_152 = tpu.vector_load %arg12[%get3A_150, %get3A_151] {strides = array<i32>} : memref<200x64xf32, #tpu.memory_space<vmem>>, vector<16xf32>,
      %get3A_153 = arith.index_cast %add3A_127 : i32 to index
      %get3A_154 = arith.constant 16 : index
      %get3A_155 = tpu.vector_load %arg12[%get3A_153, %get3A_154] {strides = array<i32>} : memref<200x64xf32, #tpu.memory_space<vmem>>, vector<16xf32>,
      %get3A_156 = arith.index_cast %add3A_127 : i32 to index
      %get3A_157 = arith.constant 32 : index
      %get3A_158 = tpu.vector_load %arg12[%get3A_156, %get3A_157] {strides = array<i32>} : memref<200x64xf32, #tpu.memory_space<vmem>>, vector<16xf32>,
      %get3A_159 = arith.index_cast %add3A_127 : i32 to index
      %get3A_160 = arith.constant 48 : index
      %get3A_161 = tpu.vector_load %arg12[%get3A_159, %get3A_160] {strides = array<i32>} : memref<200x64xf32, #tpu.memory_space<vmem>>, vector<16xf32>,
      %parallel_loop3A_162 = arith.constant 0 : i32
      %parallel_loop3A_163 = arith.constant 128 : i32
      %parallel_loop3A_164 = arith.constant 1 : i32
      scf.for %parallel_loop3A_184 = %parallel_loop3A_162 to %parallel_loop3A_163 step %parallel_loop3A_164  : i32 {
        %parallel_loop3A_185 = arith.constant 1 : i32
        %parallel_loop3A_186 = arith.index_cast %parallel_loop3A_185 : i32 to index
        %parallel_loop3A_187 = arith.index_cast %parallel_loop3A_184 : i32 to index
        %parallel_loop3A_188 = arith.constant 0 : index
        %parallel_loop3A_189 = tpu.vector_load %arg9[%parallel_loop3A_186, %parallel_loop3A_187, %parallel_loop3A_188] {strides = array<i32>} : memref<2x128x128xf32, #tpu.memory_space<vmem>>, vector<16xf32>,
        %parallel_loop3A_190 = arith.addf %parallel_loop3A_189, %get3A_152 : vector<16xf32>
        %parallel_loop3A_191 = arith.constant 1 : i32
        %parallel_loop3A_192 = arith.index_cast %parallel_loop3A_191 : i32 to index
        %parallel_loop3A_193 = arith.index_cast %parallel_loop3A_184 : i32 to index
        %parallel_loop3A_194 = arith.constant 16 : index
        %parallel_loop3A_195 = tpu.vector_load %arg9[%parallel_loop3A_192, %parallel_loop3A_193, %parallel_loop3A_194] {strides = array<i32>} : memref<2x128x128xf32, #tpu.memory_space<vmem>>, vector<16xf32>,
        %parallel_loop3A_196 = arith.addf %parallel_loop3A_195, %get3A_155 : vector<16xf32>
        %parallel_loop3A_197 = arith.constant 1 : i32
        %parallel_loop3A_198 = arith.index_cast %parallel_loop3A_197 : i32 to index
        %parallel_loop3A_199 = arith.index_cast %parallel_loop3A_184 : i32 to index
        %parallel_loop3A_200 = arith.constant 32 : index
        %parallel_loop3A_201 = tpu.vector_load %arg9[%parallel_loop3A_198, %parallel_loop3A_199, %parallel_loop3A_200] {strides = array<i32>} : memref<2x128x128xf32, #tpu.memory_space<vmem>>, vector<16xf32>,
        %parallel_loop3A_202 = arith.addf %parallel_loop3A_201, %get3A_158 : vector<16xf32>
        %parallel_loop3A_203 = arith.constant 1 : i32
        %parallel_loop3A_204 = arith.index_cast %parallel_loop3A_203 : i32 to index
        %parallel_loop3A_205 = arith.index_cast %parallel_loop3A_184 : i32 to index
        %parallel_loop3A_206 = arith.constant 48 : index
        %parallel_loop3A_207 = tpu.vector_load %arg9[%parallel_loop3A_204, %parallel_loop3A_205, %parallel_loop3A_206] {strides = array<i32>} : memref<2x128x128xf32, #tpu.memory_space<vmem>>, vector<16xf32>,
        %parallel_loop3A_208 = arith.addf %parallel_loop3A_207, %get3A_161 : vector<16xf32>
        %parallel_loop3A_209 = arith.addf %parallel_loop3A_190, %parallel_loop3A_196 : vector<16xf32>
        %parallel_loop3A_210 = arith.addf %parallel_loop3A_202, %parallel_loop3A_208 : vector<16xf32>
        %parallel_loop3A_211 = arith.addf %parallel_loop3A_209, %parallel_loop3A_210 : vector<16xf32>
        %parallel_loop3A_212 = arith.mulf %parallel_loop3A_190, %parallel_loop3A_190 : vector<16xf32>
        %parallel_loop3A_213 = arith.mulf %parallel_loop3A_196, %parallel_loop3A_196 : vector<16xf32>
        %parallel_loop3A_214 = arith.addf %parallel_loop3A_212, %parallel_loop3A_213 : vector<16xf32>
        %parallel_loop3A_215 = arith.mulf %parallel_loop3A_202, %parallel_loop3A_202 : vector<16xf32>
        %parallel_loop3A_216 = arith.mulf %parallel_loop3A_208, %parallel_loop3A_208 : vector<16xf32>
        %parallel_loop3A_217 = arith.addf %parallel_loop3A_215, %parallel_loop3A_216 : vector<16xf32>
        %parallel_loop3A_218 = arith.addf %parallel_loop3A_214, %parallel_loop3A_217 : vector<16xf32>
        %parallel_loop3A_219 = tpu.iota {dimensions = array<i32: 0>} : vector<16xi32>
        %parallel_loop3A_220 = arith.constant 8 : i32
        %parallel_loop3A_221 = vector.broadcast %parallel_loop3A_220 : i32 to vector<16xi32>
        %parallel_loop3A_222 = arith.xori %parallel_loop3A_219, %parallel_loop3A_221 : vector<16xi32>
        %parallel_loop3A_223 = vector.shape_cast %parallel_loop3A_222 : vector<16xi32> to vector<16x1xi32>
        %parallel_loop3A_224 = vector.shape_cast %parallel_loop3A_223 : vector<16x1xi32> to vector<16xi32>
        %parallel_loop3A_225 = tpu.dynamic_gather %parallel_loop3A_211[%parallel_loop3A_224] in [0] : vector<16xf32>, vector<16xi32> -> vector<16xf32>
        %parallel_loop3A_226 = arith.addf %parallel_loop3A_211, %parallel_loop3A_225 : vector<16xf32>
        %parallel_loop3A_227 = arith.constant 4 : i32
        %parallel_loop3A_228 = vector.broadcast %parallel_loop3A_227 : i32 to vector<16xi32>
        %parallel_loop3A_229 = arith.xori %parallel_loop3A_219, %parallel_loop3A_228 : vector<16xi32>
        %parallel_loop3A_230 = vector.shape_cast %parallel_loop3A_229 : vector<16xi32> to vector<16x1xi32>
        %parallel_loop3A_231 = vector.shape_cast %parallel_loop3A_230 : vector<16x1xi32> to vector<16xi32>
        %parallel_loop3A_232 = tpu.dynamic_gather %parallel_loop3A_226[%parallel_loop3A_231] in [0] : vector<16xf32>, vector<16xi32> -> vector<16xf32>
        %parallel_loop3A_233 = arith.addf %parallel_loop3A_226, %parallel_loop3A_232 : vector<16xf32>
        %parallel_loop3A_234 = arith.constant 2 : i32
        %parallel_loop3A_235 = vector.broadcast %parallel_loop3A_234 : i32 to vector<16xi32>
        %parallel_loop3A_236 = arith.xori %parallel_loop3A_219, %parallel_loop3A_235 : vector<16xi32>
        %parallel_loop3A_237 = vector.shape_cast %parallel_loop3A_236 : vector<16xi32> to vector<16x1xi32>
        %parallel_loop3A_238 = vector.shape_cast %parallel_loop3A_237 : vector<16x1xi32> to vector<16xi32>
        %parallel_loop3A_239 = tpu.dynamic_gather %parallel_loop3A_233[%parallel_loop3A_238] in [0] : vector<16xf32>, vector<16xi32> -> vector<16xf32>
        %parallel_loop3A_240 = arith.addf %parallel_loop3A_233, %parallel_loop3A_239 : vector<16xf32>
        %parallel_loop3A_241 = arith.constant 1 : i32
        %parallel_loop3A_242 = vector.broadcast %parallel_loop3A_241 : i32 to vector<16xi32>
        %parallel_loop3A_243 = arith.xori %parallel_loop3A_219, %parallel_loop3A_242 : vector<16xi32>
        %parallel_loop3A_244 = vector.shape_cast %parallel_loop3A_243 : vector<16xi32> to vector<16x1xi32>
        %parallel_loop3A_245 = vector.shape_cast %parallel_loop3A_244 : vector<16x1xi32> to vector<16xi32>
        %parallel_loop3A_246 = tpu.dynamic_gather %parallel_loop3A_240[%parallel_loop3A_245] in [0] : vector<16xf32>, vector<16xi32> -> vector<16xf32>
        %parallel_loop3A_247 = arith.addf %parallel_loop3A_240, %parallel_loop3A_246 : vector<16xf32>
        %parallel_loop3A_248 = arith.constant 1.562500e-02 : f32
        %parallel_loop3A_249 = vector.broadcast %parallel_loop3A_248 : f32 to vector<16xf32>
        %parallel_loop3A_250 = arith.mulf %parallel_loop3A_247, %parallel_loop3A_249 : vector<16xf32>
        %parallel_loop3A_251 = tpu.iota {dimensions = array<i32: 0>} : vector<16xi32>
        %parallel_loop3A_252 = arith.constant 8 : i32
        %parallel_loop3A_253 = vector.broadcast %parallel_loop3A_252 : i32 to vector<16xi32>
        %parallel_loop3A_254 = arith.xori %parallel_loop3A_251, %parallel_loop3A_253 : vector<16xi32>
        %parallel_loop3A_255 = vector.shape_cast %parallel_loop3A_254 : vector<16xi32> to vector<16x1xi32>
        %parallel_loop3A_256 = vector.shape_cast %parallel_loop3A_255 : vector<16x1xi32> to vector<16xi32>
        %parallel_loop3A_257 = tpu.dynamic_gather %parallel_loop3A_218[%parallel_loop3A_256] in [0] : vector<16xf32>, vector<16xi32> -> vector<16xf32>
        %parallel_loop3A_258 = arith.addf %parallel_loop3A_218, %parallel_loop3A_257 : vector<16xf32>
        %parallel_loop3A_259 = arith.constant 4 : i32
        %parallel_loop3A_260 = vector.broadcast %parallel_loop3A_259 : i32 to vector<16xi32>
        %parallel_loop3A_261 = arith.xori %parallel_loop3A_251, %parallel_loop3A_260 : vector<16xi32>
        %parallel_loop3A_262 = vector.shape_cast %parallel_loop3A_261 : vector<16xi32> to vector<16x1xi32>
        %parallel_loop3A_263 = vector.shape_cast %parallel_loop3A_262 : vector<16x1xi32> to vector<16xi32>
        %parallel_loop3A_264 = tpu.dynamic_gather %parallel_loop3A_258[%parallel_loop3A_263] in [0] : vector<16xf32>, vector<16xi32> -> vector<16xf32>
        %parallel_loop3A_265 = arith.addf %parallel_loop3A_258, %parallel_loop3A_264 : vector<16xf32>
        %parallel_loop3A_266 = arith.constant 2 : i32
        %parallel_loop3A_267 = vector.broadcast %parallel_loop3A_266 : i32 to vector<16xi32>
        %parallel_loop3A_268 = arith.xori %parallel_loop3A_251, %parallel_loop3A_267 : vector<16xi32>
        %parallel_loop3A_269 = vector.shape_cast %parallel_loop3A_268 : vector<16xi32> to vector<16x1xi32>
        %parallel_loop3A_270 = vector.shape_cast %parallel_loop3A_269 : vector<16x1xi32> to vector<16xi32>
        %parallel_loop3A_271 = tpu.dynamic_gather %parallel_loop3A_265[%parallel_loop3A_270] in [0] : vector<16xf32>, vector<16xi32> -> vector<16xf32>
        %parallel_loop3A_272 = arith.addf %parallel_loop3A_265, %parallel_loop3A_271 : vector<16xf32>
        %parallel_loop3A_273 = arith.constant 1 : i32
        %parallel_loop3A_274 = vector.broadcast %parallel_loop3A_273 : i32 to vector<16xi32>
        %parallel_loop3A_275 = arith.xori %parallel_loop3A_251, %parallel_loop3A_274 : vector<16xi32>
        %parallel_loop3A_276 = vector.shape_cast %parallel_loop3A_275 : vector<16xi32> to vector<16x1xi32>
        %parallel_loop3A_277 = vector.shape_cast %parallel_loop3A_276 : vector<16x1xi32> to vector<16xi32>
        %parallel_loop3A_278 = tpu.dynamic_gather %parallel_loop3A_272[%parallel_loop3A_277] in [0] : vector<16xf32>, vector<16xi32> -> vector<16xf32>
        %parallel_loop3A_279 = arith.addf %parallel_loop3A_272, %parallel_loop3A_278 : vector<16xf32>
        %parallel_loop3A_280 = arith.constant 1.562500e-02 : f32
        %parallel_loop3A_281 = vector.broadcast %parallel_loop3A_280 : f32 to vector<16xf32>
        %parallel_loop3A_282 = arith.mulf %parallel_loop3A_279, %parallel_loop3A_281 : vector<16xf32>
        %parallel_loop3A_283 = arith.mulf %parallel_loop3A_250, %parallel_loop3A_250 : vector<16xf32>
        %parallel_loop3A_284 = arith.subf %parallel_loop3A_282, %parallel_loop3A_283 : vector<16xf32>
        %parallel_loop3A_285 = arith.constant 9.99999996E-13 : f32
        %parallel_loop3A_286 = vector.broadcast %parallel_loop3A_285 : f32 to vector<16xf32>
        %parallel_loop3A_287 = arith.addf %parallel_loop3A_284, %parallel_loop3A_286 : vector<16xf32>
        %parallel_loop3A_288 = tpu.bitcast %parallel_loop3A_287 : vector<16xf32> -> vector<16xi32>
        %parallel_loop3A_289 = arith.constant 1 : i32
        %parallel_loop3A_290 = vector.broadcast %parallel_loop3A_289 : i32 to vector<16xi32>
        %parallel_loop3A_291 = arith.shrsi %parallel_loop3A_288, %parallel_loop3A_290 : vector<16xi32>
        %parallel_loop3A_292 = arith.constant 1597463007 : i32
        %parallel_loop3A_293 = vector.broadcast %parallel_loop3A_292 : i32 to vector<16xi32>
        %parallel_loop3A_294 = arith.subi %parallel_loop3A_293, %parallel_loop3A_291 : vector<16xi32>
        %parallel_loop3A_295 = tpu.bitcast %parallel_loop3A_294 : vector<16xi32> -> vector<16xf32>
        %parallel_loop3A_296 = arith.constant 5.000000e-01 : f32
        %parallel_loop3A_297 = vector.broadcast %parallel_loop3A_296 : f32 to vector<16xf32>
        %parallel_loop3A_298 = arith.mulf %parallel_loop3A_297, %parallel_loop3A_287 : vector<16xf32>
        %parallel_loop3A_299 = arith.mulf %parallel_loop3A_298, %parallel_loop3A_295 : vector<16xf32>
        %parallel_loop3A_300 = arith.mulf %parallel_loop3A_299, %parallel_loop3A_295 : vector<16xf32>
        %parallel_loop3A_301 = arith.constant 1.500000e+00 : f32
        %parallel_loop3A_302 = vector.broadcast %parallel_loop3A_301 : f32 to vector<16xf32>
        %parallel_loop3A_303 = arith.subf %parallel_loop3A_302, %parallel_loop3A_300 : vector<16xf32>
        %parallel_loop3A_304 = arith.mulf %parallel_loop3A_295, %parallel_loop3A_303 : vector<16xf32>
        %parallel_loop3A_305 = arith.constant 5.000000e-01 : f32
        %parallel_loop3A_306 = vector.broadcast %parallel_loop3A_305 : f32 to vector<16xf32>
        %parallel_loop3A_307 = arith.mulf %parallel_loop3A_306, %parallel_loop3A_287 : vector<16xf32>
        %parallel_loop3A_308 = arith.mulf %parallel_loop3A_307, %parallel_loop3A_304 : vector<16xf32>
        %parallel_loop3A_309 = arith.mulf %parallel_loop3A_308, %parallel_loop3A_304 : vector<16xf32>
        %parallel_loop3A_310 = arith.constant 1.500000e+00 : f32
        %parallel_loop3A_311 = vector.broadcast %parallel_loop3A_310 : f32 to vector<16xf32>
        %parallel_loop3A_312 = arith.subf %parallel_loop3A_311, %parallel_loop3A_309 : vector<16xf32>
        %parallel_loop3A_313 = arith.mulf %parallel_loop3A_304, %parallel_loop3A_312 : vector<16xf32>
        %parallel_loop3A_314 = arith.subf %parallel_loop3A_190, %parallel_loop3A_250 : vector<16xf32>
        %parallel_loop3A_315 = arith.mulf %parallel_loop3A_314, %parallel_loop3A_313 : vector<16xf32>
        %parallel_loop3A_316 = arith.mulf %parallel_loop3A_315, %get3A_3 : vector<16xf32>
        %parallel_loop3A_317 = arith.addf %parallel_loop3A_316, %get3A_11 : vector<16xf32>
        %parallel_loop3A_318 = arith.constant 65 : i32
        %parallel_loop3A_319 = arith.muli %parallel_loop3A_184, %parallel_loop3A_318 : i32
        %parallel_loop3A_320 = arith.constant 0 : i32
        %parallel_loop3A_321 = arith.addi %parallel_loop3A_319, %parallel_loop3A_320 : i32
        %parallel_loop3A_322 = arith.index_cast %parallel_loop3A_321 : i32 to index
        %parallel_loop3A_323 = tpu.vector_load %arg10[%parallel_loop3A_322] {strides = array<i32>} : memref<8320xf32, #tpu.memory_space<vmem>>, vector<16xf32>,
        tpu.vector_store %arg10[%parallel_loop3A_322], %parallel_loop3A_317 {strides = array<i32>} : memref<8320xf32, #tpu.memory_space<vmem>>, vector<16xf32>,
        %parallel_loop3A_324 = arith.subf %parallel_loop3A_196, %parallel_loop3A_250 : vector<16xf32>
        %parallel_loop3A_325 = arith.mulf %parallel_loop3A_324, %parallel_loop3A_313 : vector<16xf32>
        %parallel_loop3A_326 = arith.mulf %parallel_loop3A_325, %get3A_5 : vector<16xf32>
        %parallel_loop3A_327 = arith.addf %parallel_loop3A_326, %get3A_13 : vector<16xf32>
        %parallel_loop3A_328 = arith.constant 65 : i32
        %parallel_loop3A_329 = arith.muli %parallel_loop3A_184, %parallel_loop3A_328 : i32
        %parallel_loop3A_330 = arith.constant 16 : i32
        %parallel_loop3A_331 = arith.addi %parallel_loop3A_329, %parallel_loop3A_330 : i32
        %parallel_loop3A_332 = arith.index_cast %parallel_loop3A_331 : i32 to index
        %parallel_loop3A_333 = tpu.vector_load %arg10[%parallel_loop3A_332] {strides = array<i32>} : memref<8320xf32, #tpu.memory_space<vmem>>, vector<16xf32>,
        tpu.vector_store %arg10[%parallel_loop3A_332], %parallel_loop3A_327 {strides = array<i32>} : memref<8320xf32, #tpu.memory_space<vmem>>, vector<16xf32>,
        %parallel_loop3A_334 = arith.subf %parallel_loop3A_202, %parallel_loop3A_250 : vector<16xf32>
        %parallel_loop3A_335 = arith.mulf %parallel_loop3A_334, %parallel_loop3A_313 : vector<16xf32>
        %parallel_loop3A_336 = arith.mulf %parallel_loop3A_335, %get3A_7 : vector<16xf32>
        %parallel_loop3A_337 = arith.addf %parallel_loop3A_336, %get3A_15 : vector<16xf32>
        %parallel_loop3A_338 = arith.constant 65 : i32
        %parallel_loop3A_339 = arith.muli %parallel_loop3A_184, %parallel_loop3A_338 : i32
        %parallel_loop3A_340 = arith.constant 32 : i32
        %parallel_loop3A_341 = arith.addi %parallel_loop3A_339, %parallel_loop3A_340 : i32
        %parallel_loop3A_342 = arith.index_cast %parallel_loop3A_341 : i32 to index
        %parallel_loop3A_343 = tpu.vector_load %arg10[%parallel_loop3A_342] {strides = array<i32>} : memref<8320xf32, #tpu.memory_space<vmem>>, vector<16xf32>,
        tpu.vector_store %arg10[%parallel_loop3A_342], %parallel_loop3A_337 {strides = array<i32>} : memref<8320xf32, #tpu.memory_space<vmem>>, vector<16xf32>,
        %parallel_loop3A_344 = arith.subf %parallel_loop3A_208, %parallel_loop3A_250 : vector<16xf32>
        %parallel_loop3A_345 = arith.mulf %parallel_loop3A_344, %parallel_loop3A_313 : vector<16xf32>
        %parallel_loop3A_346 = arith.mulf %parallel_loop3A_345, %get3A_9 : vector<16xf32>
        %parallel_loop3A_347 = arith.addf %parallel_loop3A_346, %get3A_17 : vector<16xf32>
        %parallel_loop3A_348 = arith.constant 65 : i32
        %parallel_loop3A_349 = arith.muli %parallel_loop3A_184, %parallel_loop3A_348 : i32
        %parallel_loop3A_350 = arith.constant 48 : i32
        %parallel_loop3A_351 = arith.addi %parallel_loop3A_349, %parallel_loop3A_350 : i32
        %parallel_loop3A_352 = arith.index_cast %parallel_loop3A_351 : i32 to index
        %parallel_loop3A_353 = tpu.vector_load %arg10[%parallel_loop3A_352] {strides = array<i32>} : memref<8320xf32, #tpu.memory_space<vmem>>, vector<16xf32>,
        tpu.vector_store %arg10[%parallel_loop3A_352], %parallel_loop3A_347 {strides = array<i32>} : memref<8320xf32, #tpu.memory_space<vmem>>, vector<16xf32>,
      } {sc.loop_unroll_factor = 8 : i64, sc.parallel_access}
      %parallel_loop3A_165 = arith.constant 0 : i32
      %parallel_loop3A_166 = arith.constant 64 : i32
      %parallel_loop3A_167 = arith.constant 1 : i32
      scf.for %parallel_loop3A_184 = %parallel_loop3A_165 to %parallel_loop3A_166 step %parallel_loop3A_167  : i32 {
        %parallel_loop3A_185 = arith.constant 0 : i32
        %parallel_loop3A_186 = arith.addi %parallel_loop3A_185, %parallel_loop3A_184 : i32
        %parallel_loop3A_187 = vector.broadcast %parallel_loop3A_186 : i32 to vector<16xi32>
        %parallel_loop3A_188 = arith.addi %mul3A_20, %parallel_loop3A_187 : vector<16xi32>
        %parallel_loop3A_189 = tpu.vector_load_idx %arg10[%parallel_loop3A_188] : memref<8320xf32, #tpu.memory_space<vmem>>[vector<16xi32>], vector<16xf32>,
        %parallel_loop3A_190 = arith.constant 1 : i32
        %parallel_loop3A_191 = arith.index_cast %parallel_loop3A_190 : i32 to index
        %parallel_loop3A_192 = arith.index_cast %parallel_loop3A_184 : i32 to index
        %parallel_loop3A_193 = arith.constant 0 : index
        %parallel_loop3A_194 = tpu.vector_load %arg11[%parallel_loop3A_191, %parallel_loop3A_192, %parallel_loop3A_193] {strides = array<i32>} : memref<2x64x128xf32, #tpu.memory_space<vmem>>, vector<16xf32>,
        tpu.vector_store %arg11[%parallel_loop3A_191, %parallel_loop3A_192, %parallel_loop3A_193], %parallel_loop3A_189 {strides = array<i32>} : memref<2x64x128xf32, #tpu.memory_space<vmem>>, vector<16xf32>,
        %parallel_loop3A_195 = arith.constant 1040 : i32
        %parallel_loop3A_196 = arith.addi %parallel_loop3A_195, %parallel_loop3A_184 : i32
        %parallel_loop3A_197 = vector.broadcast %parallel_loop3A_196 : i32 to vector<16xi32>
        %parallel_loop3A_198 = arith.addi %mul3A_20, %parallel_loop3A_197 : vector<16xi32>
        %parallel_loop3A_199 = tpu.vector_load_idx %arg10[%parallel_loop3A_198] : memref<8320xf32, #tpu.memory_space<vmem>>[vector<16xi32>], vector<16xf32>,
        %parallel_loop3A_200 = arith.constant 1 : i32
        %parallel_loop3A_201 = arith.index_cast %parallel_loop3A_200 : i32 to index
        %parallel_loop3A_202 = arith.index_cast %parallel_loop3A_184 : i32 to index
        %parallel_loop3A_203 = arith.constant 16 : index
        %parallel_loop3A_204 = tpu.vector_load %arg11[%parallel_loop3A_201, %parallel_loop3A_202, %parallel_loop3A_203] {strides = array<i32>} : memref<2x64x128xf32, #tpu.memory_space<vmem>>, vector<16xf32>,
        tpu.vector_store %arg11[%parallel_loop3A_201, %parallel_loop3A_202, %parallel_loop3A_203], %parallel_loop3A_199 {strides = array<i32>} : memref<2x64x128xf32, #tpu.memory_space<vmem>>, vector<16xf32>,
        %parallel_loop3A_205 = arith.constant 2080 : i32
        %parallel_loop3A_206 = arith.addi %parallel_loop3A_205, %parallel_loop3A_184 : i32
        %parallel_loop3A_207 = vector.broadcast %parallel_loop3A_206 : i32 to vector<16xi32>
        %parallel_loop3A_208 = arith.addi %mul3A_20, %parallel_loop3A_207 : vector<16xi32>
        %parallel_loop3A_209 = tpu.vector_load_idx %arg10[%parallel_loop3A_208] : memref<8320xf32, #tpu.memory_space<vmem>>[vector<16xi32>], vector<16xf32>,
        %parallel_loop3A_210 = arith.constant 1 : i32
        %parallel_loop3A_211 = arith.index_cast %parallel_loop3A_210 : i32 to index
        %parallel_loop3A_212 = arith.index_cast %parallel_loop3A_184 : i32 to index
        %parallel_loop3A_213 = arith.constant 32 : index
        %parallel_loop3A_214 = tpu.vector_load %arg11[%parallel_loop3A_211, %parallel_loop3A_212, %parallel_loop3A_213] {strides = array<i32>} : memref<2x64x128xf32, #tpu.memory_space<vmem>>, vector<16xf32>,
        tpu.vector_store %arg11[%parallel_loop3A_211, %parallel_loop3A_212, %parallel_loop3A_213], %parallel_loop3A_209 {strides = array<i32>} : memref<2x64x128xf32, #tpu.memory_space<vmem>>, vector<16xf32>,
        %parallel_loop3A_215 = arith.constant 3120 : i32
        %parallel_loop3A_216 = arith.addi %parallel_loop3A_215, %parallel_loop3A_184 : i32
        %parallel_loop3A_217 = vector.broadcast %parallel_loop3A_216 : i32 to vector<16xi32>
        %parallel_loop3A_218 = arith.addi %mul3A_20, %parallel_loop3A_217 : vector<16xi32>
        %parallel_loop3A_219 = tpu.vector_load_idx %arg10[%parallel_loop3A_218] : memref<8320xf32, #tpu.memory_space<vmem>>[vector<16xi32>], vector<16xf32>,
        %parallel_loop3A_220 = arith.constant 1 : i32
        %parallel_loop3A_221 = arith.index_cast %parallel_loop3A_220 : i32 to index
        %parallel_loop3A_222 = arith.index_cast %parallel_loop3A_184 : i32 to index
        %parallel_loop3A_223 = arith.constant 48 : index
        %parallel_loop3A_224 = tpu.vector_load %arg11[%parallel_loop3A_221, %parallel_loop3A_222, %parallel_loop3A_223] {strides = array<i32>} : memref<2x64x128xf32, #tpu.memory_space<vmem>>, vector<16xf32>,
        tpu.vector_store %arg11[%parallel_loop3A_221, %parallel_loop3A_222, %parallel_loop3A_223], %parallel_loop3A_219 {strides = array<i32>} : memref<2x64x128xf32, #tpu.memory_space<vmem>>, vector<16xf32>,
        %parallel_loop3A_225 = arith.constant 4160 : i32
        %parallel_loop3A_226 = arith.addi %parallel_loop3A_225, %parallel_loop3A_184 : i32
        %parallel_loop3A_227 = vector.broadcast %parallel_loop3A_226 : i32 to vector<16xi32>
        %parallel_loop3A_228 = arith.addi %mul3A_20, %parallel_loop3A_227 : vector<16xi32>
        %parallel_loop3A_229 = tpu.vector_load_idx %arg10[%parallel_loop3A_228] : memref<8320xf32, #tpu.memory_space<vmem>>[vector<16xi32>], vector<16xf32>,
        %parallel_loop3A_230 = arith.constant 1 : i32
        %parallel_loop3A_231 = arith.index_cast %parallel_loop3A_230 : i32 to index
        %parallel_loop3A_232 = arith.index_cast %parallel_loop3A_184 : i32 to index
        %parallel_loop3A_233 = arith.constant 64 : index
        %parallel_loop3A_234 = tpu.vector_load %arg11[%parallel_loop3A_231, %parallel_loop3A_232, %parallel_loop3A_233] {strides = array<i32>} : memref<2x64x128xf32, #tpu.memory_space<vmem>>, vector<16xf32>,
        tpu.vector_store %arg11[%parallel_loop3A_231, %parallel_loop3A_232, %parallel_loop3A_233], %parallel_loop3A_229 {strides = array<i32>} : memref<2x64x128xf32, #tpu.memory_space<vmem>>, vector<16xf32>,
        %parallel_loop3A_235 = arith.constant 5200 : i32
        %parallel_loop3A_236 = arith.addi %parallel_loop3A_235, %parallel_loop3A_184 : i32
        %parallel_loop3A_237 = vector.broadcast %parallel_loop3A_236 : i32 to vector<16xi32>
        %parallel_loop3A_238 = arith.addi %mul3A_20, %parallel_loop3A_237 : vector<16xi32>
        %parallel_loop3A_239 = tpu.vector_load_idx %arg10[%parallel_loop3A_238] : memref<8320xf32, #tpu.memory_space<vmem>>[vector<16xi32>], vector<16xf32>,
        %parallel_loop3A_240 = arith.constant 1 : i32
        %parallel_loop3A_241 = arith.index_cast %parallel_loop3A_240 : i32 to index
        %parallel_loop3A_242 = arith.index_cast %parallel_loop3A_184 : i32 to index
        %parallel_loop3A_243 = arith.constant 80 : index
        %parallel_loop3A_244 = tpu.vector_load %arg11[%parallel_loop3A_241, %parallel_loop3A_242, %parallel_loop3A_243] {strides = array<i32>} : memref<2x64x128xf32, #tpu.memory_space<vmem>>, vector<16xf32>,
        tpu.vector_store %arg11[%parallel_loop3A_241, %parallel_loop3A_242, %parallel_loop3A_243], %parallel_loop3A_239 {strides = array<i32>} : memref<2x64x128xf32, #tpu.memory_space<vmem>>, vector<16xf32>,
        %parallel_loop3A_245 = arith.constant 6240 : i32
        %parallel_loop3A_246 = arith.addi %parallel_loop3A_245, %parallel_loop3A_184 : i32
        %parallel_loop3A_247 = vector.broadcast %parallel_loop3A_246 : i32 to vector<16xi32>
        %parallel_loop3A_248 = arith.addi %mul3A_20, %parallel_loop3A_247 : vector<16xi32>
        %parallel_loop3A_249 = tpu.vector_load_idx %arg10[%parallel_loop3A_248] : memref<8320xf32, #tpu.memory_space<vmem>>[vector<16xi32>], vector<16xf32>,
        %parallel_loop3A_250 = arith.constant 1 : i32
        %parallel_loop3A_251 = arith.index_cast %parallel_loop3A_250 : i32 to index
        %parallel_loop3A_252 = arith.index_cast %parallel_loop3A_184 : i32 to index
        %parallel_loop3A_253 = arith.constant 96 : index
        %parallel_loop3A_254 = tpu.vector_load %arg11[%parallel_loop3A_251, %parallel_loop3A_252, %parallel_loop3A_253] {strides = array<i32>} : memref<2x64x128xf32, #tpu.memory_space<vmem>>, vector<16xf32>,
        tpu.vector_store %arg11[%parallel_loop3A_251, %parallel_loop3A_252, %parallel_loop3A_253], %parallel_loop3A_249 {strides = array<i32>} : memref<2x64x128xf32, #tpu.memory_space<vmem>>, vector<16xf32>,
        %parallel_loop3A_255 = arith.constant 7280 : i32
        %parallel_loop3A_256 = arith.addi %parallel_loop3A_255, %parallel_loop3A_184 : i32
        %parallel_loop3A_257 = vector.broadcast %parallel_loop3A_256 : i32 to vector<16xi32>
        %parallel_loop3A_258 = arith.addi %mul3A_20, %parallel_loop3A_257 : vector<16xi32>
        %parallel_loop3A_259 = tpu.vector_load_idx %arg10[%parallel_loop3A_258] : memref<8320xf32, #tpu.memory_space<vmem>>[vector<16xi32>], vector<16xf32>,
        %parallel_loop3A_260 = arith.constant 1 : i32
        %parallel_loop3A_261 = arith.index_cast %parallel_loop3A_260 : i32 to index
        %parallel_loop3A_262 = arith.index_cast %parallel_loop3A_184 : i32 to index
        %parallel_loop3A_263 = arith.constant 112 : index
        %parallel_loop3A_264 = tpu.vector_load %arg11[%parallel_loop3A_261, %parallel_loop3A_262, %parallel_loop3A_263] {strides = array<i32>} : memref<2x64x128xf32, #tpu.memory_space<vmem>>, vector<16xf32>,
        tpu.vector_store %arg11[%parallel_loop3A_261, %parallel_loop3A_262, %parallel_loop3A_263], %parallel_loop3A_259 {strides = array<i32>} : memref<2x64x128xf32, #tpu.memory_space<vmem>>, vector<16xf32>,
      } {sc.loop_unroll_factor = 4 : i64, sc.parallel_access}
      %dma_start3A_168 = arith.constant 1 : i32
      %dma_start3A_169 = arith.constant 0 : i32
      %dma_start3A_170 = arith.constant 0 : i32
      %dma_start3A_171 = tpu.memref_slice %arg11[%dma_start3A_168, %dma_start3A_169, %dma_start3A_170] : memref<2x64x128xf32, #tpu.memory_space<vmem>> -> memref<1x64x128xf32, #tpu.memory_space<vmem>>
      %dma_start3A_172 = tpu.memref_squeeze %dma_start3A_171 : memref<1x64x128xf32, #tpu.memory_space<vmem>> -> memref<64x128xf32, #tpu.memory_space<vmem>>
      %dma_start3A_173 = arith.constant 0 : i32
      %dma_start3A_174 = tpu.memref_slice %arg7[%add3A_127, %dma_start3A_173, %mul3A_2] : memref<200x64x4096xf32, #tpu.memory_space<hbm>> -> memref<1x64x128xf32, #tpu.memory_space<hbm>>
      %dma_start3A_175 = tpu.memref_squeeze %dma_start3A_174 : memref<1x64x128xf32, #tpu.memory_space<hbm>> -> memref<64x128xf32, #tpu.memory_space<hbm>>
      %dma_start3A_176 = arith.constant 0 : i32
      %dma_start3A_177 = tpu.memref_slice %arg7[%add3A_127, %dma_start3A_176, %mul3A_2] : memref<200x64x4096xf32, #tpu.memory_space<hbm>> -> memref<1x64x128xf32, #tpu.memory_space<hbm>>
      %dma_start3A_178 = tpu.memref_squeeze %dma_start3A_177 : memref<1x64x128xf32, #tpu.memory_space<hbm>> -> memref<64x128xf32, #tpu.memory_space<hbm>>
      %dma_start3A_179 = arith.constant 0 : i32
      %dma_start3A_180 = arith.constant 0 : i32
      %dma_start3A_181 = tpu.memref_slice %arg11[%dma_start3A_168, %dma_start3A_179, %dma_start3A_180] : memref<2x64x128xf32, #tpu.memory_space<vmem>> -> memref<1x64x128xf32, #tpu.memory_space<vmem>>
      %dma_start3A_182 = tpu.memref_squeeze %dma_start3A_181 : memref<1x64x128xf32, #tpu.memory_space<vmem>> -> memref<64x128xf32, #tpu.memory_space<vmem>>
      tpu.enqueue_dma source(%dma_start3A_182 : memref<64x128xf32, #tpu.memory_space<vmem>>) target(%dma_start3A_178 : memref<64x128xf32, #tpu.memory_space<hbm>>) target_semaphore(%arg18 : memref<!tpu.dma_semaphore, #tpu.memory_space<semaphore_mem>>)
      %scan3A_183 = arith.constant 0 : i32
      scf.yield %scan3A_183 : i32
    }
    %scan3A_38 = arith.constant 100 : i32
    %dma_wait3A = arith.constant 0 : i32
    %dma_wait3A_39 = arith.constant 0 : i32
    %dma_wait3A_40 = arith.constant 0 : i32
    %dma_wait3A_41 = arith.constant 0 : i32
    %dma_wait3A_42 = tpu.memref_slice %arg11[%dma_wait3A, %dma_wait3A_40, %dma_wait3A_41] : memref<2x64x128xf32, #tpu.memory_space<vmem>> -> memref<1x64x128xf32, #tpu.memory_space<vmem>>
    %dma_wait3A_43 = tpu.memref_squeeze %dma_wait3A_42 : memref<1x64x128xf32, #tpu.memory_space<vmem>> -> memref<64x128xf32, #tpu.memory_space<vmem>>
    %dma_wait3A_44 = arith.constant 0 : i32
    %dma_wait3A_45 = tpu.memref_slice %arg7[%dma_wait3A_39, %dma_wait3A_44, %mul3A_2] : memref<200x64x4096xf32, #tpu.memory_space<hbm>> -> memref<1x64x128xf32, #tpu.memory_space<hbm>>
    %dma_wait3A_46 = tpu.memref_squeeze %dma_wait3A_45 : memref<1x64x128xf32, #tpu.memory_space<hbm>> -> memref<64x128xf32, #tpu.memory_space<hbm>>
    %dma_wait3A_47 = arith.constant 0 : i32
    %dma_wait3A_48 = tpu.memref_slice %arg7[%dma_wait3A_39, %dma_wait3A_47, %mul3A_2] : memref<200x64x4096xf32, #tpu.memory_space<hbm>> -> memref<1x64x128xf32, #tpu.memory_space<hbm>>
    %dma_wait3A_49 = tpu.memref_squeeze %dma_wait3A_48 : memref<1x64x128xf32, #tpu.memory_space<hbm>> -> memref<64x128xf32, #tpu.memory_space<hbm>>
    %dma_wait3A_50 = arith.constant 0 : i32
    %dma_wait3A_51 = arith.constant 0 : i32
    %dma_wait3A_52 = tpu.memref_slice %arg11[%dma_wait3A, %dma_wait3A_50, %dma_wait3A_51] : memref<2x64x128xf32, #tpu.memory_space<vmem>> -> memref<1x64x128xf32, #tpu.memory_space<vmem>>
    %dma_wait3A_53 = tpu.memref_squeeze %dma_wait3A_52 : memref<1x64x128xf32, #tpu.memory_space<vmem>> -> memref<64x128xf32, #tpu.memory_space<vmem>>
    tpu.wait_dma2 semaphore(%arg17 : memref<!tpu.dma_semaphore, #tpu.memory_space<semaphore_mem>>) src(%dma_wait3A_53 : memref<64x128xf32, #tpu.memory_space<vmem>>) dst(%dma_wait3A_49 : memref<64x128xf32, #tpu.memory_space<hbm>>)
    %dma_wait3A_54 = arith.constant 1 : i32
    %dma_wait3A_55 = arith.constant 0 : i32
    %dma_wait3A_56 = arith.constant 0 : i32
    %dma_wait3A_57 = arith.constant 0 : i32
    %dma_wait3A_58 = tpu.memref_slice %arg11[%dma_wait3A_54, %dma_wait3A_56, %dma_wait3A_57] : memref<2x64x128xf32, #tpu.memory_space<vmem>> -> memref<1x64x128xf32, #tpu.memory_space<vmem>>
    %dma_wait3A_59 = tpu.memref_squeeze %dma_wait3A_58 : memref<1x64x128xf32, #tpu.memory_space<vmem>> -> memref<64x128xf32, #tpu.memory_space<vmem>>
    %dma_wait3A_60 = arith.constant 0 : i32
    %dma_wait3A_61 = tpu.memref_slice %arg7[%dma_wait3A_55, %dma_wait3A_60, %mul3A_2] : memref<200x64x4096xf32, #tpu.memory_space<hbm>> -> memref<1x64x128xf32, #tpu.memory_space<hbm>>
    %dma_wait3A_62 = tpu.memref_squeeze %dma_wait3A_61 : memref<1x64x128xf32, #tpu.memory_space<hbm>> -> memref<64x128xf32, #tpu.memory_space<hbm>>
    %dma_wait3A_63 = arith.constant 0 : i32
    %dma_wait3A_64 = tpu.memref_slice %arg7[%dma_wait3A_55, %dma_wait3A_63, %mul3A_2] : memref<200x64x4096xf32, #tpu.memory_space<hbm>> -> memref<1x64x128xf32, #tpu.memory_space<hbm>>
    %dma_wait3A_65 = tpu.memref_squeeze %dma_wait3A_64 : memref<1x64x128xf32, #tpu.memory_space<hbm>> -> memref<64x128xf32, #tpu.memory_space<hbm>>
    %dma_wait3A_66 = arith.constant 0 : i32
    %dma_wait3A_67 = arith.constant 0 : i32
    %dma_wait3A_68 = tpu.memref_slice %arg11[%dma_wait3A_54, %dma_wait3A_66, %dma_wait3A_67] : memref<2x64x128xf32, #tpu.memory_space<vmem>> -> memref<1x64x128xf32, #tpu.memory_space<vmem>>
    %dma_wait3A_69 = tpu.memref_squeeze %dma_wait3A_68 : memref<1x64x128xf32, #tpu.memory_space<vmem>> -> memref<64x128xf32, #tpu.memory_space<vmem>>
    tpu.wait_dma2 semaphore(%arg18 : memref<!tpu.dma_semaphore, #tpu.memory_space<semaphore_mem>>) src(%dma_wait3A_69 : memref<64x128xf32, #tpu.memory_space<vmem>>) dst(%dma_wait3A_65 : memref<64x128xf32, #tpu.memory_space<hbm>>)
    return
  }
}

</mosaic_0001>

<sc_bundles>
// kernel: kernel.3.cloned.1.call-start
scs
__scs_entry_jumppad:
0x0: {  	(pc) =	sbr.rel $0x88, $3  }
0x1: {  	(tag) =	ssettag $0x0;
	lr =	simm.s32 $0x1  }
0x2: {  	[smem:$0x3F9C] =	sst lr;
	_ =	strace $0xD0000000  }
0x3: {  	_ = 	snop  }
0x4: {  	_ = 	snop  }
0x5: {  	_ = 	snop  }
0x6: {  	_ = 	snop  }
0x7: {  	_ = 	snop  }
__scs_overlays_trampoline_lowered:
0x8: {  	[smem:$0x3FAB] =	sst s0  }
0x9: {  	[smem:$0x3FAC] =	sst s1  }
0xa: {  	[smem:$0x3FAD] =	sst s2  }
0xb: {  	[smem:$0x3FAE] =	sst s3  }
0xc: {  	[smem:$0x3FAF] =	sst s4  }
0xd: {  	[smem:$0x3FB0] =	sst s5  }
0xe: {  	[smem:$0x3FB1] =	sst s6  }
0xf: {  	[smem:$0x3FB2] =	sst s7  }
0x10: {  	[smem:$0x3FB3] =	sst s8  }
0x11: {  	[smem:$0x3FB4] =	sst s9;
	s0 =	simm.s32 @!p0 $0x0  }
0x12: {  	s1 =	sld [smem:$0x3F9A];
	s0 =	simm.s32 @p0 $0x1  }
0x13: {  	[smem:$0x3FB5] =	sst s0;
	s0 =	simm.s32 @!p1 $0x0  }
0x14: {  	s2 =	sld [smem:$0x3F99];
	s0 =	simm.s32 @p1 $0x1  }
0x15: {  	[smem:$0x3FB6] =	sst s0;
	s0 =	simm.s32 @!p2 $0x0  }
0x16: {  	s3 =	sld [smem:$0x3FDB];
	s0 =	simm.s32 @p2 $0x1  }
0x17: {  	s4 =	simm.s32 $0x1BF5;
	[smem:$0x3FB8] =	sst s0  }
0x18: {  	s0 =	sld [smem:$0x3F9B];
	_ =	swait.ge [sflag:s4], $0x0  }
0x19: {  	s7 =	sld [smem:$0x3F9C]  }
0x1a: {  	s8 =	sadd.s32 $0xFFFFE003, lr  }
0x1b: {  	s9 =	sadd.s32 $0xFFFFFEF7, lr;
	s5 =	simm.s32 $0xFFFFFFFF;
	p2 =	slt.u32 s8, $0xFFFFF086  }
0x1c: {  	p1 =	slt.u32 s9, $0xF7A;
	s5 =	simm.s32 @!p2 $0x0  }
0x1d: {  	s5 =	simm.s32 @p1 $0x1;
	p0 =	seq.s32 s7, s2  }
0x1e: {  	s7 =	smul.u32 @!p0 $0xF7A, s2;
	p2 =	seq.s32 @!p0 s5, $0x0  }
0x1f: {  	s9 =	smul.u32 $0xF7A, s1;
	s8 =	simm.s32 @!p0 $0x1BF5;
	p2 =	por !p2, p0  }
0x20: {  	[sflag:s8] =	ssyncset.s32 @!p0 $0xFFFFF086;
	s6 =	sadd.s32 @!p0 s3, s7;
	s7 =	simm.s32 @!p0 $0x108  }
0x21: {  	s3 =	sadd.s32 s3, s9;
	s6 =	sadd.s32 @!p0 $0x88, s6;
	s7 =	simm.s32 @p2 $0x1082  }
0x22: {  	[simem:s7], [sflag:s8] =	dma.local @!p0 [hbm:s6], $0xF7A  }
0x23: {  	s9 =	sor.u32 $0xD0000000, s2;
	s6 =	simm.s32 $0x108;
	_ =	swait.ge @!p0 [sflag:s8], $0x0  }
0x24: {  	s3 =	sadd.s32 $0x88, s3;
	s6 =	simm.s32 @!p1 $0x1082;
	[sflag:s4] =	ssyncset.s32 $0xFFFFF086  }
0x25: {  	[simem:s6], [sflag:s4] =	dma.local [hbm:s3], $0xF7A  }
0x26: {  	[smem:$0x3F9C] =	sst s1;
	(tag) =	ssettag s2;
	_ =	strace s9  }
0x27: {  	s1 =	sld [smem:$0x3FAC]  }
0x28: {  	s2 =	sld [smem:$0x3FAD]  }
0x29: {  	s4 =	sld [smem:$0x3FAF]  }
0x2a: {  	p0 =	seq.s32 s5, $0x0;
	s5 =	sld [smem:$0x3FB0]  }
0x2b: {  	s6 =	sld [smem:$0x3FB1]  }
0x2c: {  	s7 =	sld [smem:$0x3FB2]  }
0x2d: {  	s3 =	simm.s32 $0x108;
	s8 =	sld [smem:$0x3FB3]  }
0x2e: {  	s3 =	simm.s32 @!p0 $0x1082;
	s9 =	sld [smem:$0x3FB4]  }
0x2f: {  	lr =	sadd.s32 s0, s3;
	s0 =	sld [smem:$0x3FAB]  }
0x30: {  	s3 =	sld [smem:$0x3FAE]  }
0x31: {  	[smem:$0x3FB7] =	sst s10  }
0x32: {  	s10 =	sld [smem:$0x3FB5];
	_ =	sdelay $0x3  }
0x33: {  	p0 =	seq.s32 s10, $0x1;
	s10 =	sld [smem:$0x3FB7];
	_ =	sdelay $0x3  }
0x34: {  	[smem:$0x3FB7] =	sst s10  }
0x35: {  	s10 =	sld [smem:$0x3FB6];
	_ =	sdelay $0x3  }
0x36: {  	p1 =	seq.s32 s10, $0x1;
	s10 =	sld [smem:$0x3FB7];
	_ =	sdelay $0x3  }
0x37: {  	[smem:$0x3FB7] =	sst s10  }
0x38: {  	s10 =	sld [smem:$0x3FB8]  }
0x39: {  	_ = 	snop;
	(pc) =	sbr.ind lr, $3  }
0x3a: {  	_ = 	snop  }
0x3b: {  	_ = 	snop  }
0x3c: {  	p2 =	seq.s32 s10, $0x1;
	s10 =	sld [smem:$0x3FB7]  }
0x3d: {  	_ =	shalt  }
0x3e: {  	_ =	shalt  }
0x3f: {  	_ =	shalt  }
0x40: {  	_ =	shalt  }
0x41: {  	_ =	shalt  }
0x42: {  	_ =	shalt  }
0x43: {  	_ =	shalt  }
0x44: {  	_ =	shalt  }
0x45: {  	_ =	shalt  }
0x46: {  	_ =	shalt  }
0x47: {  	_ =	shalt  }
0x48: {  	_ =	shalt  }
0x49: {  	_ =	shalt  }
0x4a: {  	_ =	shalt  }
0x4b: {  	_ =	shalt  }
0x4c: {  	_ =	shalt  }
0x4d: {  	_ =	shalt  }
0x4e: {  	_ =	shalt  }
0x4f: {  	_ =	shalt  }
0x50: {  	_ =	shalt  }
0x51: {  	_ =	shalt  }
0x52: {  	_ =	shalt  }
0x53: {  	_ =	shalt  }
0x54: {  	_ =	shalt  }
0x55: {  	_ =	shalt  }
0x56: {  	_ =	shalt  }
0x57: {  	_ =	shalt  }
0x58: {  	_ =	shalt  }
0x59: {  	_ =	shalt  }
0x5a: {  	_ =	shalt  }
0x5b: {  	_ =	shalt  }
0x5c: {  	_ =	shalt  }
0x5d: {  	_ =	shalt  }
0x5e: {  	_ =	shalt  }
0x5f: {  	_ =	shalt  }
0x60: {  	_ =	shalt  }
0x61: {  	_ =	shalt  }
0x62: {  	_ =	shalt  }
0x63: {  	_ =	shalt  }
0x64: {  	_ =	shalt  }
0x65: {  	_ =	shalt  }
0x66: {  	_ =	shalt  }
0x67: {  	_ =	shalt  }
0x68: {  	_ =	shalt  }
0x69: {  	_ =	shalt  }
0x6a: {  	_ =	shalt  }
0x6b: {  	_ =	shalt  }
0x6c: {  	_ =	shalt  }
0x6d: {  	_ =	shalt  }
0x6e: {  	_ =	shalt  }
0x6f: {  	_ =	shalt  }
0x70: {  	_ =	shalt  }
0x71: {  	_ =	shalt  }
0x72: {  	_ =	shalt  }
0x73: {  	_ =	shalt  }
0x74: {  	_ =	shalt  }
0x75: {  	_ =	shalt  }
0x76: {  	_ =	shalt  }
0x77: {  	_ =	shalt  }
0x78: {  	_ =	shalt  }
0x79: {  	_ =	shalt  }
0x7a: {  	_ =	shalt  }
0x7b: {  	_ =	shalt  }
0x7c: {  	_ =	shalt  }
0x7d: {  	_ =	shalt  }
0x7e: {  	_ =	shalt  }
0x7f: {  	_ =	shalt  }
0x80: {  	_ =	shalt  }
0x81: {  	_ =	shalt  }
0x82: {  	_ =	shalt  }
0x83: {  	_ =	shalt  }
0x84: {  	_ =	shalt  }
0x85: {  	_ =	shalt  }
0x86: {  	_ =	shalt  }
0x87: {  	_ =	shalt  }
.Lfunc_end0:
.L_simem_size_0:
called_computation_lowered:
.L_overlay_start_0:
0x88: {  	s2 =	sld [smem:$0x3FD9]  }
0x89: {  	s3 =	sld [smem:$0x3FFE];
	_ =	sdelay $0x1  }
0x8a: {  	s1 =	srdreg.scid  }
0x8b: {  	s0 =	sand.u32 $0x1, s1  }
0x8c: {  	s17 =	sshll.u32 s0, $0xA;
	s2 =	sadd.s32 s3, s2  }
0x8d: {  	s2 =	sadd.s32 s2, s17  }
0x8e: {  	[smem:$0x3FC3] =	sst s2  }
0x8f: {  	_ = 	snop  }
0x90: {  	s2 =	sld [smem:$0x3FC9]  }
0x91: {  	s18 =	sld [smem:$0x3FC6]  }
0x92: {  	s4 =	sld [smem:$0x3FC5]  }
0x93: {  	s5 =	sld [smem:$0x3FD0];
	(tm) =	ssettm $0x1  }
0x94: {  	s6 =	sld [smem:$0x3FFB];
	_ =	sdelay $0x3  }
0x95: {  	_ =	strace s6  }
0x96: {  	s6 =	sld [smem:$0x3FFC];
	_ =	sdelay $0x3  }
0x97: {  	_ =	strace s6  }
0x98: {  	s6 =	sld [smem:$0x3FFD];
	_ =	sdelay $0x3  }
0x99: {  	_ =	strace s6  }
0x9a: {  	_ =	strace $0x8FFFFFFF  }
0x9b: {  	s19 =	sld [smem:$0x3FDB];
	_ =	sdelay $0x1  }
0x9c: {  	s7 =	simm.s32 $_scs_section_size  }
0x9d: {  	s8 =	simm.s32 $_size__tile_overlayer_lowered;
	s9 =	simm.s32 $_tile_overlayer_lowered  }
0x9e: {  	s22 =	simm.s32 $0x1BFF;
	s21 =	sshll.u32 s9, $0x1;
	s6 =	sadd.s32 s7, s19  }
0x9f: {  	s10 =	simm.s32 $0x0;
	s20 =	sshll.u32 s8, $0x1;
	s8 =	sadd.s32 s21, s6  }
0xa0: {  	[timem:s10], [sflag:s22] =	dma.local [hbm:s8], s20  }
0xa1: {  	_ =	swait.ge [sflag:s22], s20  }
0xa2: {  	s7 =	ssub.s32 $0x0, s20;
	[sflag:s22] =	ssyncset.done $0x0  }
0xa3: {  	[sflag:s22] =	ssyncadd.s32 s7;
	_ =	sdelay $0x1  }
0xa4: {  	s23 =	simm.s32 $0x1B8B  }
0xa5: {  	_ =	swait.ge [sflag:s23], $0x1  }
0xa6: {  	[sflag:s23] =	ssyncset.done $0x0  }
0xa7: {  	s25 =	simm.s32 $0x1B8E;
	s24 =	sld [smem:$0x3FFE];
	[sflag:s23] =	ssyncadd.s32 $0xFFFFFFFF  }
0xa8: {  	s26 =	simm.s32 $execute0_lowered;
	[smem:$0x3FD2] =	sst s25  }
0xa9: {  	s8 =	sshll.u32 s26, $0x1;
	_ =	strace $0x80000046;
	[dreg:$0x1] =	wrdreg $0xFFFFFFFF  }
0xaa: {  	s28 =	simm.s32 $_size_execute0_lowered;
	s6 =	sadd.s32 s6, s8;
	[dreg:$0x0] =	wrdreg $0x0  }
0xab: {  	s8 =	sshll.u32 s28, $0x1;
	[dreg:$0x2] =	wrdreg s6  }
0xac: {  	[dreg:$0x3] =	wrdreg s8  }
0xad: {  	[dreg:$0x4] =	wrdreg $0xC0  }
0xae: {  	_ =	task [dreg:s10], $0x5FFFF  }
0xaf: {  	[dreg:$0x1] =	wrdreg $0xFFFFFFFF  }
0xb0: {  	[dreg:$0x0] =	wrdreg $0x60  }
0xb1: {  	[dreg:$0x2] =	wrdreg s2  }
0xb2: {  	[dreg:$0x3] =	wrdreg s24  }
0xb3: {  	[dreg:$0x4] =	wrdreg s18  }
0xb4: {  	[dreg:$0x5] =	wrdreg s4  }
0xb5: {  	[dreg:$0x6] =	wrdreg s5  }
0xb6: {  	[dreg:$0x7] =	wrdreg $0x9  }
0xb7: {  	_ =	task.clear_ibuf [dreg:s10], $0x8FFFF;
	_ =	strace $0x90000046  }
0xb8: {  	s29 =	simm.s32 $0x9;
	_ =	strace $0x80000048  }
0xb9: {  	_ =	swait.ge [sflag:s29], $0x1  }
0xba: {  	[sflag:s29] =	ssyncadd.s32 $0xFFFFFFFF  }
0xbb: {  	_ =	strace $0x90000048  }
0xbc: {  	_ =	sfence  }
0xbd: {  	s30 =	sld [smem:$0x0];
	_ =	sdelay $0x2  }
0xbe: {  	s31 =	sshll.u32 s1, $0xD;
	s1 =	sshrl.u32 s1, $0x2  }
0xbf: {  	s3 =	sand.u32 $0x4000, s31;
	s1 =	sadd.s32 s1, s30  }
0xc0: {  	s0 =	sor.u32 s3, s0;
	s1 =	sshll.u32 s1, $0x11  }
0xc1: {  	s0 =	sor.u32 s1, s0  }
0xc2: {  	s0 =	sadd.s32 $0x8F2B, s0  }
0xc3: {  	[sflag:s0] =	ssyncadd.remote.s32 $0x1  }
0xc4: {  	_ =	sfence.sel $0xFFFF  }
0xc5: {  	[dreg:$0x0] =	wrdreg $0xFFFFFFFF;
	(pc) =	sbr.abs _section_cstart, $3  }
0xc6: {  	[dreg:$0x1] =	wrdreg $0xFFFFFFFF  }
0xc7: {  	_ =	task.clear_ibuf [dreg:s10], $0x2FFFF;
	_ =	strace $0x9FFFFFFF  }
0xc8: {  	(tm) =	ssettm $0x7FFFFFFF  }
0xc9: {  	_ =	shalt  }
tec
execute0_lowered:
.L_overlay_start_1:
0x0: {  	(tag) =	ssettag $0x1  }
0x1: {  	v0 =	vimm.s32 $0xFEDCBA98;
	v1 =	vimm.s32 $0x76543210  }
0x2: {  	v2 =	vimm.s32 $0xBA98FEDC;
	v3 =	vimm.s32 $0x32107654;
	v4 =	vimm.s32 $0xDCFE98BA  }
0x3: {  	s1 =	rddreg [dreg:$0x0];
	v5 =	vimm.s32 $0x54761032;
	v6 =	vimm.s32 $0xEFCDAB89;
	v7 =	vimm.s32 $0x67452301  }
0x4: {  	s0 =	rddreg [dreg:$0x1];
	v63 =	vlaneseq.u32;
	v0 =	vunpack.c.l.s4.s8 v0;
	v1 =	vunpack.c.l.s4.s8 v1  }
0x5: {  	s4 =	rddreg [dreg:$0x4];
	s6 =	simm.s32 $0x0;
	v2 =	vunpack.c.l.s4.s8 v2;
	v3 =	vunpack.c.l.s4.s8 v3;
	v4 =	vunpack.c.l.s4.s8 v4  }
0x6: {  	s2 =	srdreg.scid;
	s3 =	stileid.u32;
	s13 =	simm.s32 $0x5;
	v5 =	vunpack.c.l.s4.s8 v5;
	v6 =	vunpack.c.l.s4.s8 v6;
	v7 =	vunpack.c.l.s4.s8 v7  }
0x7: {  	s16 =	simm.s32 $0x80;
	s17 =	simm.s32 $0x100;
	s18 =	simm.s32 $0x4100;
	v25 =	vmul.u32 $0x41, v63;
	v0 =	vunpack.c.0.s8.s32 v0;
	v2 =	vunpack.c.0.s8.s32 v2  }
0x8: {  	s19 =	simm.s32 $0x1;
	s20 =	simm.s32 $0x8100;
	s21 =	simm.s32 $0x400;
	v3 =	vunpack.c.0.s8.s32 v3;
	v4 =	vunpack.c.0.s8.s32 v4;
	v1 =	vunpack.c.0.s8.s32 v1  }
0x9: {  	s22 =	simm.s32 $0x8000;
	s23 =	simm.s32 $0xA180;
	s24 =	simm.s32 $0x2;
	v5 =	vunpack.c.0.s8.s32 v5;
	v6 =	vunpack.c.0.s8.s32 v6;
	v0 =	vand.u32 $0xF, v0  }
0xa: {  	s25 =	simm.s32 $0xC180;
	s26 =	simm.s32 $0x3;
	[smem:$0x7FF] =	sst s6;
	v7 =	vunpack.c.0.s8.s32 v7;
	v2 =	vcombine.low v3, v2;
	v61 =	vcombine.low v0, v1  }
0xb: {  	s28 =	simm.s32 $0x4;
	s2 =	sand.u32 $0x1, s2;
	_ =	strace $0x80000047;
	[tilespmem:$0x1FFF0] =	vst v25;
	v3 =	vcombine.low v5, v4  }
0xc: {  	s3 =	sshll.u32 s3, $0xB;
	s5 =	sshll.u32 s2, $0xA;
	s2 =	ssub.s32 $0x2, s2;
	v59 =	vcombine.low v7, v6;
	v0 =	vand.u32 $0xF, v2;
	[tilespmem:$0x1FFB0] =	vst v61  }
0xd: {  	s29 =	simm.s32 $0x0;
	s8 =	sor.u32 s5, s3;
	s30 =	sshrl.u32 s2, $0x1;
	v1 =	vand.u32 $0xF, v3;
	[tilespmem:$0x1FFC0] =	vst v0  }
0xe: {  	s7 =	sadd.s32 $0x1200, s0;
	s5 =	sshrl.u32 s8, $0x3;
	s31 =	ssub.s32 s2, s30;
	v2 =	vand.u32 $0xF, v59;
	[tilespmem:$0x1FFD0] =	vst v1  }
0xf: {  	s9 =	sadd.s32 $0x400, s0;
	s10 =	sadd.s32 s1, s5;
	s11 =	smax.u32 s31, $0x1;
	[tilespmem:$0x1FFE0] =	vst v2  }
.LBB2_1:
0x10: {  	s0 =	simm.s32 $0xE180  }
0x11: {  	[tilespmem:s0], [sflag:$0x5] =	stream.linear.gather [hbm4b:s9+s6], $0x6400, $0x38;
	[tilespmem:$0x14680] =	vst v63  }
0x12: {  	_ =	swait.ge [sflag:s13], $0x6400  }
0x13: {  	[sflag:s13] =	ssyncset.done $0x0  }
0x14: {  	[sflag:s13] =	ssyncadd.s32 $0xFFFF9C00  }
0x15: {  	s2 =	simm.s32 $0x14580;
	s14 =	rddreg [dreg:$0x2]  }
0x16: {  	[tilespmem:s2], [sflag:$0x5] =	stream.linear.gather [hbm4b:s14+s6], $0x80, $0x38;
	[tilespmem:$0x14680] =	vst v63  }
0x17: {  	_ =	swait.ge [sflag:s13], $0x80  }
0x18: {  	[sflag:s13] =	ssyncset.done $0x0  }
0x19: {  	[sflag:s13] =	ssyncadd.s32 $0xFFFFFF80  }
0x1a: {  	s31 =	simm.s32 $0x14600;
	s15 =	rddreg [dreg:$0x3]  }
0x1b: {  	[tilespmem:s31], [sflag:$0x5] =	stream.linear.gather [hbm4b:s15+s6], $0x80, $0x38;
	[tilespmem:$0x14680] =	vst v63  }
0x1c: {  	_ =	swait.ge [sflag:s13], $0x80  }
0x1d: {  	[sflag:s13] =	ssyncset.done $0x0  }
0x1e: {  	[sflag:s13] =	ssyncadd.s32 $0xFFFFFF80  }
0x1f: {  	v3 =	vld [tilespmem:$0x145A0];
	_ =	sdelay $0x4  }
0x20: {  	[tilespmem:$0x1FF30] =	vst v3;
	v3 =	vld [tilespmem:$0x14600];
	_ =	sdelay $0x4  }
0x21: {  	[tilespmem:$0x1FF40] =	vst v3;
	v3 =	vld [tilespmem:$0x14610];
	_ =	sdelay $0x4  }
0x22: {  	[tilespmem:$0x1FF50] =	vst v3;
	v3 =	vld [tilespmem:$0x14620];
	_ =	sdelay $0x4  }
0x23: {  	[tilespmem:$0x1FF60] =	vst v3;
	v3 =	vld [tilespmem:$0x14630];
	_ =	sdelay $0x1  }
0x24: {  	v43 =	vld [tilespmem:$0x14580]  }
0x25: {  	v16 =	vld [tilespmem:$0x14590]  }
0x26: {  	v7 =	vld [tilespmem:$0x145B0];
	[tilespmem:s6], [sflag:$0x5] =	stream.linear.gather [hbm4b:s10+s6], $0x80, $0x38  }
0x27: {  	[tilespmem:$0x1FF70] =	vst v3  }
0x28: {  	_ =	swait.ge [sflag:s13], $0x80  }
0x29: {  	[tilespmem:$0x1FF80] =	vst v43  }
0x2a: {  	[sflag:s13] =	ssyncset.done $0x0;
	[tilespmem:$0x1FF90] =	vst v16  }
0x2b: {  	s30 =	simm.s32 $0x0;
	[tilespmem:$0x1FFA0] =	vst v7;
	[sflag:s13] =	ssyncadd.s32 $0xFFFFFF80  }
0x2c: {  	[tilespmem:s17], [sflag:$0x1] =	stream.indirect.gather [hbm4b:s7+s16], $0x80, s6, s16, $0xb8;
	[tilespmem:$0x14680] =	vst v63  }
.LBB2_2:
0x2d: {  	s0 =	sshll.u32 s30, $0x8;
	s2 =	sshll.u32 s30, $0xD  }
0x2e: {  	s3 =	sand.u32 $0x300, s0;
	s2 =	sand.u32 $0xF8000, s2  }
0x2f: {  	s2 =	sor.u32 s2, s3  }
0x30: {  	s2 =	sor.u32 s8, s2  }
0x31: {  	s2 =	sshrl.u32 s2, $0x3  }
0x32: {  	s2 =	sadd.s32 s2, s1  }
0x33: {  	s2 =	sadd.s32 $0x10, s2  }
0x34: {  	[tilespmem:s16], [sflag:$0x5] =	stream.linear.gather [hbm4b:s2+s6], $0x80, $0x38;
	[tilespmem:$0x14680] =	vst v63  }
0x35: {  	_ =	swait.ge [sflag:s13], $0x80  }
0x36: {  	p0 =	seq.s32 s30, $0x0;
	[sflag:s13] =	ssyncset.done $0x0  }
0x37: {  	s2 =	simm.s32 @!p0 $0x3;
	[sflag:s13] =	ssyncadd.s32 $0xFFFFFF80  }
0x38: {  	[tilespmem:s18], [sflag:$0x2] =	stream.indirect.gather [hbm4b:s7+s16], $0x80, s16, s16, $0xb8;
	[tilespmem:$0x14680] =	vst v63  }
0x39: {  	_ =	swait.ge @!p0 [sflag:s2], $0x2000  }
0x3a: {  	[sflag:s2] =	ssyncset.done @!p0 $0x0  }
0x3b: {  	[sflag:s2] =	ssyncadd.s32 @!p0 $0xFFFFE000  }
0x3c: {  	_ =	swait.ge [sflag:s19], $0x4000  }
0x3d: {  	[sflag:s19] =	ssyncset.done $0x0  }
0x3e: {  	[sflag:s19] =	ssyncadd.s32 $0xFFFFC000  }
0x3f: {  	v3 =	vld [tilespmem:s0+$0xE180]  }
0x40: {  	v4 =	vld [tilespmem:s0+$0xE190]  }
0x41: {  	v6 =	vld [tilespmem:s0+$0xE1A0]  }
0x42: {  	s15 =	simm.s32 $0x300;
	v8 =	vld [tilespmem:s0+$0xE1B0]  }
0x43: {  	v5 =	vld [tilespmem:s15+$0x180]  }
0x44: {  	v17 =	vld [tilespmem:s15+$0x190]  }
0x45: {  	v20 =	vld [tilespmem:s15+$0x1A0]  }
0x46: {  	v21 =	vld [tilespmem:s15+$0x1B0]  }
0x47: {  	v23 =	vld [tilespmem:s15+$0xFFFFFE30]  }
0x48: {  	v28 =	vld [tilespmem:s15+$0xFFFFFE80]  }
0x49: {  	v30 =	vld [tilespmem:s15+$0xFFFFFE90]  }
0x4a: {  	v35 =	vld [tilespmem:s15+$0xFFFFFF00]  }
0x4b: {  	v14 =	vadd.f32 v5, v3  }
0x4c: {  	v38 =	vld [tilespmem:s15+$0xFFFFFF20];
	v13 =	vadd.f32 v17, v4;
	v12 =	vadd.f32 v20, v6  }
0x4d: {  	v41 =	vld [tilespmem:s15+$0x20];
	v15 =	vadd.f32 v21, v8;
	v32 =	vadd.f32 v23, v8  }
0x4e: {  	v33 =	vadd.f32 v28, v3;
	v36 =	vadd.f32 v30, v4  }
0x4f: {  	v22 =	vld [tilespmem:s15+$0xFFFFFE10];
	v5 =	vadd.f32 v35, v3;
	v21 =	vadd.f32 v13, v14  }
0x50: {  	v20 =	vld [tilespmem:s15+$0xFFFFFE20];
	v24 =	vadd.f32 v15, v12;
	v25 =	vmul.f32 v14, v14;
	v26 =	vmul.f32 v13, v13  }
0x51: {  	v23 =	vld [tilespmem:s15+$0xFFFFFF80];
	v17 =	vadd.f32 v38, v6;
	v27 =	vmul.f32 v12, v12;
	v29 =	vmul.f32 v15, v15  }
0x52: {  	v37 =	vld [tilespmem:s15+$0xFFFFFF10];
	v41 =	vadd.f32 v41, v6;
	v21 =	vadd.f32 v24, v21  }
0x53: {  	v39 =	vld [tilespmem:s15+$0x0];
	v54 =	vmul.f32 v33, v33;
	v25 =	vadd.f32 v26, v25;
	v26 =	vadd.f32 v29, v27  }
0x54: {  	v55 =	vadd.f32 v36, v33;
	v56 =	vmul.f32 v36, v36;
	v24 =	vld [tilespmem:s15+$0xFFFFFEA0];
	v27 =	vadd.f32 v22, v4  }
0x55: {  	v29 =	vld [tilespmem:s15+$0xFFFFFEB0];
	v31 =	vadd.f32 v20, v6;
	v25 =	vadd.f32 v26, v25;
	v26 =	vperm.xlane v21, v61  }
0x56: {  	v52 =	vmul.f32 v32, v32;
	v54 =	vadd.f32 v56, v54;
	v20 =	vld [tilespmem:s15+$0xFFFFFF30];
	v19 =	vadd.f32 v23, v3  }
0x57: {  	v51 =	vmul.f32 v31, v31;
	v53 =	vadd.f32 v32, v31;
	v21 =	vadd.f32 v21, v26  }
0x58: {  	v9 =	vmovc v61;
	v30 =	vld [tilespmem:s15+$0xFFFFFF90];
	v22 =	vperm.xlane v25, v61;
	v61 =	vadd.f32 v37, v4;
	v37 =	vadd.f32 v39, v3  }
0x59: {  	v49 =	vld [tilespmem:s15+$0xFFFFFFB0];
	v56 =	vmul.f32 v41, v41;
	v34 =	vadd.f32 v24, v6;
	v51 =	vadd.f32 v52, v51  }
0x5a: {  	v26 =	vperm.xlane v21, v0;
	v25 =	vadd.f32 v22, v25;
	v22 =	vadd.f32 v29, v8;
	v29 =	vld [tilespmem:s15+$0xFFFFFFA0]  }
0x5b: {  	v50 =	vmul.f32 v27, v27;
	v18 =	vadd.f32 v20, v8;
	v20 =	vld [tilespmem:s15+$0x10];
	v59 =	vadd.f32 v61, v5  }
0x5c: {  	v52 =	vmul.f32 v37, v37;
	v26 =	vadd.f32 v21, v26;
	v24 =	vperm.xlane v25, v0  }
0x5d: {  	v42 =	vld [tilespmem:s15+$0x30];
	v58 =	vmul.f32 v34, v34;
	v21 =	vadd.f32 v30, v4;
	[tilespmem:$0x1FED0] =	vst v22;
	v57 =	vadd.f32 v22, v34  }
0x5e: {  	v10 =	vmovc v0;
	v30 =	vadd.f32 v49, v8;
	v0 =	vld [tilespmem:s15+$0x80];
	v60 =	vperm.xlane v26, v1;
	v40 =	vadd.f32 v24, v25  }
0x5f: {  	v25 =	vmul.f32 v17, v17;
	v24 =	vmul.f32 v19, v19;
	v35 =	vadd.f32 v29, v6;
	v29 =	vld [tilespmem:s15+$0x90];
	[tilespmem:$0x1FEE0] =	vst v5  }
0x60: {  	v11 =	vmovc v1;
	v55 =	vadd.f32 v57, v55;
	v38 =	vadd.f32 v20, v4;
	v63 =	vperm.xlane v40, v1;
	v45 =	vld [tilespmem:s15+$0xA0]  }
0x61: {  	v62 =	vadd.f32 v26, v60;
	v60 =	vmul.f32 v22, v22;
	v47 =	vld [tilespmem:s15+$0xB0];
	[tilespmem:$0x1FEF0] =	vst v17;
	v1 =	vadd.f32 v18, v17  }
0x62: {  	[tilespmem:$0x1FF00] =	vst v18;
	v22 =	vmul.f32 v18, v18;
	v57 =	vmul.f32 v38, v38;
	v40 =	vadd.f32 v63, v40  }
0x63: {  	v48 =	vld [tilespmem:s15+$0x100];
	v44 =	vperm.xlane v62, v2;
	v39 =	vadd.f32 v0, v3;
	v58 =	vadd.f32 v60, v58  }
0x64: {  	v20 =	vmul.f32 v30, v30;
	v49 =	vld [tilespmem:s15+$0x110];
	v59 =	vadd.f32 v1, v59;
	v22 =	vadd.f32 v22, v25  }
0x65: {  	v26 =	vmul.f32 v61, v61;
	v63 =	vld [tilespmem:s15+$0xFFFFFE00];
	[tilespmem:$0x1FF10] =	vst v19;
	v52 =	vadd.f32 v57, v52;
	v44 =	vadd.f32 v62, v44  }
0x66: {  	[tilespmem:$0x1FF20] =	vst v21;
	v46 =	vperm.xlane v40, v2;
	v0 =	vadd.f32 v29, v4;
	v29 =	vadd.f32 v21, v19  }
0x67: {  	v23 =	vld [tilespmem:s15+$0x120];
	v62 =	vmul.f32 v5, v5;
	v54 =	vadd.f32 v58, v54;
	v45 =	vadd.f32 v45, v6  }
0x68: {  	v28 =	vmul.f32 $1.562500000e-02, v44;
	v44 =	vadd.f32 v46, v40;
	v40 =	vadd.f32 v42, v8  }
0x69: {  	v21 =	vmul.f32 v21, v21;
	v46 =	vadd.f32 v47, v8;
	v47 =	vadd.f32 v30, v35  }
0x6a: {  	v1 =	vadd.f32 v0, v39;
	v26 =	vadd.f32 v26, v62;
	v62 =	vmul.f32 v39, v39  }
0x6b: {  	v21 =	vadd.f32 v21, v24;
	v42 =	vmul.f32 $1.562500000e-02, v44;
	v44 =	vmul.f32 v28, v28  }
0x6c: {  	v25 =	vmul.f32 v0, v0;
	v23 =	vadd.f32 v23, v6;
	v29 =	vadd.f32 v47, v29  }
0x6d: {  	v18 =	vld [tilespmem:s15+$0x130];
	v60 =	vmul.f32 v40, v40;
	v22 =	vadd.f32 v22, v26;
	v44 =	vsub.f32 v42, v44  }
0x6e: {  	v24 =	vmul.f32 v45, v45;
	v25 =	vadd.f32 v25, v62;
	v42 =	vadd.f32 v48, v3  }
0x6f: {  	v56 =	vadd.f32 v60, v56;
	v58 =	vperm.xlane v22, v9;
	v48 =	vadd.f32 $9.999999960e-13, v44  }
0x70: {  	v44 =	vadd.f32 v49, v4;
	v49 =	vadd.f32 v63, v3;
	v63 =	vmul.f32 v35, v35  }
0x71: {  	v57 =	vmul.f32 v42, v42;
	v22 =	vadd.f32 v58, v22;
	v5 =	vshra.s32 v48, $0x1  }
0x72: {  	[tilespmem:$0x1FEA0] =	vst v3;
	v3 =	vmovc v27;
	v48 =	vmul.f32 $5.000000000e-01, v48;
	v19 =	vadd.f32 v27, v49;
	v27 =	vadd.f32 v18, v8  }
0x73: {  	v18 =	vmul.f32 v49, v49;
	v47 =	vadd.f32 v44, v42;
	v20 =	vadd.f32 v20, v63  }
0x74: {  	v63 =	vmul.f32 v46, v46;
	v60 =	vmul.f32 v44, v44;
	v19 =	vadd.f32 v53, v19  }
0x75: {  	v5 =	vsub.s32 $0x5F3759DF, v5;
	v53 =	vadd.f32 v38, v37;
	v18 =	vadd.f32 v50, v18  }
0x76: {  	v17 =	vmul.f32 v5, v48;
	v50 =	vadd.f32 v40, v41;
	v24 =	vadd.f32 v63, v24  }
0x77: {  	v62 =	vmul.f32 v27, v27;
	v57 =	vadd.f32 v60, v57;
	v20 =	vadd.f32 v20, v21  }
0x78: {  	v21 =	vadd.f32 v56, v52;
	v17 =	vmul.f32 v5, v17;
	v50 =	vadd.f32 v50, v53  }
0x79: {  	v60 =	vperm.xlane v59, v9;
	v53 =	vadd.f32 v27, v23;
	v18 =	vadd.f32 v51, v18  }
0x7a: {  	v63 =	vperm.xlane v19, v9;
	v24 =	vadd.f32 v24, v25;
	v17 =	vsub.f32 $1.500000000e+00, v17  }
0x7b: {  	v47 =	vadd.f32 v53, v47;
	v53 =	vperm.xlane v55, v9;
	v51 =	vperm.xlane v50, v9  }
0x7c: {  	v19 =	vadd.f32 v19, v63;
	v25 =	vperm.xlane v18, v9;
	v5 =	vmul.f32 v5, v17  }
0x7d: {  	v17 =	vadd.f32 v46, v45;
	v52 =	vperm.xlane v47, v9;
	v53 =	vadd.f32 v55, v53  }
0x7e: {  	v55 =	vperm.xlane v54, v9;
	v50 =	vadd.f32 v50, v51;
	v51 =	vperm.xlane v21, v9  }
0x7f: {  	v17 =	vadd.f32 v17, v1;
	v1 =	vmul.f32 v23, v23;
	v48 =	vmul.f32 v5, v48  }
0x80: {  	v18 =	vadd.f32 v25, v18;
	v47 =	vadd.f32 v47, v52;
	v52 =	vperm.xlane v19, v10  }
0x81: {  	v54 =	vadd.f32 v55, v54;
	v48 =	vmul.f32 v48, v5;
	v1 =	vadd.f32 v62, v1  }
0x82: {  	v21 =	vadd.f32 v51, v21;
	v62 =	vperm.xlane v29, v9;
	v26 =	vperm.xlane v17, v9  }
0x83: {  	v19 =	vadd.f32 v19, v52;
	v52 =	vperm.xlane v18, v10;
	v56 =	vadd.f32 v1, v57  }
0x84: {  	v57 =	vadd.f32 v59, v60;
	v29 =	vadd.f32 v29, v62;
	v59 =	vperm.xlane v20, v9  }
0x85: {  	v17 =	vadd.f32 v17, v26;
	v26 =	vperm.xlane v24, v9;
	v60 =	vperm.xlane v53, v10  }
0x86: {  	v48 =	vsub.f32 $1.500000000e+00, v48;
	v62 =	vperm.xlane v50, v10;
	v25 =	vperm.xlane v56, v9  }
0x87: {  	v18 =	vadd.f32 v52, v18;
	v9 =	vperm.xlane v57, v10;
	v58 =	vperm.xlane v29, v10  }
0x88: {  	v20 =	vadd.f32 v59, v20;
	v63 =	vperm.xlane v17, v10;
	v24 =	vadd.f32 v26, v24  }
0x89: {  	v26 =	vperm.xlane v47, v10;
	v53 =	vadd.f32 v53, v60;
	v50 =	vadd.f32 v50, v62  }
0x8a: {  	v59 =	vperm.xlane v21, v10;
	v60 =	vperm.xlane v19, v11;
	v25 =	vadd.f32 v25, v56  }
0x8b: {  	v56 =	vperm.xlane v54, v10;
	v55 =	vadd.f32 v57, v9;
	v9 =	vperm.xlane v22, v10  }
0x8c: {  	v29 =	vadd.f32 v29, v58;
	v58 =	vperm.xlane v20, v10;
	v17 =	vadd.f32 v17, v63  }
0x8d: {  	v51 =	vperm.xlane v24, v10;
	v26 =	vadd.f32 v47, v26;
	v52 =	vperm.xlane v53, v11  }
0x8e: {  	v21 =	vadd.f32 v59, v21;
	v19 =	vadd.f32 v19, v60;
	v60 =	vperm.xlane v18, v11  }
0x8f: {  	v47 =	vperm.xlane v25, v10;
	v54 =	vadd.f32 v56, v54;
	v56 =	vperm.xlane v55, v11  }
0x90: {  	v22 =	vadd.f32 v9, v22;
	v9 =	vperm.xlane v29, v11;
	v20 =	vadd.f32 v58, v20  }
0x91: {  	v10 =	vperm.xlane v50, v11;
	v59 =	vperm.xlane v17, v11;
	v24 =	vadd.f32 v51, v24  }
0x92: {  	v51 =	vperm.xlane v26, v11;
	v18 =	vadd.f32 v60, v18;
	v25 =	vadd.f32 v47, v25  }
0x93: {  	v47 =	vadd.f32 v53, v52;
	v52 =	vperm.xlane v54, v11;
	v53 =	vadd.f32 v55, v56  }
0x94: {  	v55 =	vperm.xlane v22, v11;
	v29 =	vadd.f32 v29, v9;
	v9 =	vperm.xlane v20, v11  }
0x95: {  	v50 =	vadd.f32 v50, v10;
	v10 =	vperm.xlane v21, v11;
	v17 =	vadd.f32 v17, v59  }
0x96: {  	v58 =	vperm.xlane v24, v11;
	v26 =	vadd.f32 v26, v51;
	v51 =	vperm.xlane v25, v11  }
0x97: {  	v11 =	vperm.xlane v19, v2;
	v60 =	vperm.xlane v47, v2;
	v52 =	vadd.f32 v52, v54  }
0x98: {  	v62 =	vperm.xlane v53, v2;
	v22 =	vadd.f32 v55, v22;
	v63 =	vperm.xlane v29, v2  }
0x99: {  	v20 =	vadd.f32 v9, v20;
	v9 =	vperm.xlane v50, v2;
	v21 =	vadd.f32 v10, v21  }
0x9a: {  	v10 =	vperm.xlane v17, v2;
	v24 =	vadd.f32 v58, v24;
	v58 =	vperm.xlane v26, v2  }
0x9b: {  	v19 =	vadd.f32 v19, v11;
	v25 =	vadd.f32 v51, v25;
	v11 =	vperm.xlane v18, v2  }
0x9c: {  	v47 =	vadd.f32 v47, v60;
	v60 =	vperm.xlane v52, v2;
	v53 =	vadd.f32 v53, v62  }
0x9d: {  	v62 =	vperm.xlane v22, v2;
	v29 =	vadd.f32 v29, v63;
	v63 =	vperm.xlane v20, v2  }
0x9e: {  	v50 =	vadd.f32 v50, v9;
	v9 =	vperm.xlane v21, v2;
	v17 =	vadd.f32 v17, v10  }
0x9f: {  	v10 =	vperm.xlane v24, v2;
	v26 =	vadd.f32 v26, v58;
	v19 =	vmul.f32 $1.562500000e-02, v19  }
0xa0: {  	v18 =	vadd.f32 v11, v18;
	v11 =	vperm.xlane v25, v2;
	v47 =	vmul.f32 $1.562500000e-02, v47  }
0xa1: {  	v52 =	vadd.f32 v60, v52;
	v53 =	vmul.f32 $1.562500000e-02, v53;
	v29 =	vmul.f32 $1.562500000e-02, v29  }
0xa2: {  	v22 =	vadd.f32 v62, v22;
	v54 =	vmul.f32 $1.562500000e-02, v50;
	v51 =	vmul.f32 $1.562500000e-02, v17  }
0xa3: {  	v17 =	vadd.f32 v9, v21;
	v18 =	vmul.f32 $1.562500000e-02, v18;
	v21 =	vmul.f32 v19, v19  }
0xa4: {  	v20 =	vadd.f32 v63, v20;
	v57 =	vmul.f32 $1.562500000e-02, v52;
	v59 =	vmul.f32 v47, v47  }
0xa5: {  	v24 =	vadd.f32 v10, v24;
	v22 =	vmul.f32 $1.562500000e-02, v22;
	v60 =	vmul.f32 v53, v53  }
0xa6: {  	v25 =	vadd.f32 v11, v25;
	v20 =	vmul.f32 $1.562500000e-02, v20;
	v17 =	vmul.f32 $1.562500000e-02, v17  }
0xa7: {  	v63 =	vmul.f32 v54, v54;
	v18 =	vsub.f32 v18, v21;
	v21 =	vmul.f32 v29, v29  }
0xa8: {  	v52 =	vmul.f32 $1.562500000e-02, v26;
	v62 =	vsub.f32 v57, v59;
	v22 =	vsub.f32 v22, v60  }
0xa9: {  	v20 =	vsub.f32 v20, v21;
	v21 =	vmul.f32 $1.562500000e-02, v24;
	v24 =	vmul.f32 v51, v51  }
0xaa: {  	v50 =	vmul.f32 v48, v5;
	v17 =	vsub.f32 v17, v63;
	v22 =	vadd.f32 $9.999999960e-13, v22  }
0xab: {  	v25 =	vmul.f32 $1.562500000e-02, v25;
	v26 =	vmul.f32 v52, v52;
	v5 =	vsub.f32 v21, v24  }
0xac: {  	v21 =	vadd.f32 $9.999999960e-13, v62;
	v48 =	vshra.s32 v22, $0x1;
	v22 =	vmul.f32 $5.000000000e-01, v22  }
0xad: {  	v18 =	vadd.f32 $9.999999960e-13, v18;
	v24 =	vsub.f32 v25, v26;
	v48 =	vsub.s32 $0x5F3759DF, v48  }
0xae: {  	v26 =	vshra.s32 v21, $0x1;
	v21 =	vmul.f32 $5.000000000e-01, v21;
	v1 =	vmul.f32 v48, v22  }
0xaf: {  	v17 =	vadd.f32 $9.999999960e-13, v17;
	v25 =	vshra.s32 v18, $0x1;
	v26 =	vsub.s32 $0x5F3759DF, v26  }
0xb0: {  	v20 =	vadd.f32 $9.999999960e-13, v20;
	v10 =	vmul.f32 v26, v21;
	v1 =	vmul.f32 v48, v1  }
0xb1: {  	v18 =	vmul.f32 $5.000000000e-01, v18;
	v56 =	vshra.s32 v17, $0x1;
	v17 =	vmul.f32 $5.000000000e-01, v17  }
0xb2: {  	v56 =	vsub.s32 $0x5F3759DF, v56;
	v59 =	vmul.f32 v26, v10;
	v1 =	vsub.f32 $1.500000000e+00, v1  }
0xb3: {  	v25 =	vsub.s32 $0x5F3759DF, v25;
	v5 =	vadd.f32 $9.999999960e-13, v5;
	v63 =	vmul.f32 v56, v17  }
0xb4: {  	v24 =	vadd.f32 $9.999999960e-13, v24;
	v59 =	vsub.f32 $1.500000000e+00, v59;
	v48 =	vmul.f32 v48, v1;
	v1 =	vld [tilespmem:$0x1FED0]  }
0xb5: {  	v55 =	vshra.s32 v20, $0x1;
	v20 =	vmul.f32 $5.000000000e-01, v20;
	v63 =	vmul.f32 v56, v63  }
0xb6: {  	v57 =	vmul.f32 v25, v18;
	v55 =	vsub.s32 $0x5F3759DF, v55;
	v26 =	vmul.f32 v26, v59  }
0xb7: {  	v9 =	vshra.s32 v5, $0x1;
	v5 =	vmul.f32 $5.000000000e-01, v5;
	v63 =	vsub.f32 $1.500000000e+00, v63  }
0xb8: {  	v11 =	vshra.s32 v24, $0x1;
	v57 =	vmul.f32 v25, v57;
	v21 =	vmul.f32 v26, v21  }
0xb9: {  	v24 =	vmul.f32 $5.000000000e-01, v24;
	v56 =	vmul.f32 v56, v63;
	v63 =	vsub.f32 v1, v47;
	v1 =	vld [tilespmem:$0x1FEE0]  }
0xba: {  	v62 =	vmul.f32 v55, v20;
	v21 =	vmul.f32 v21, v26  }
0xbb: {  	v58 =	vsub.s32 $0x5F3759DF, v9;
	v9 =	vsub.s32 $0x5F3759DF, v11;
	v57 =	vsub.f32 $1.500000000e+00, v57  }
0xbc: {  	v10 =	vmul.f32 v58, v5;
	v62 =	vmul.f32 v55, v62;
	v21 =	vsub.f32 $1.500000000e+00, v21  }
0xbd: {  	v49 =	vsub.f32 v49, v19;
	v11 =	vmul.f32 v9, v24;
	v25 =	vmul.f32 v25, v57  }
0xbe: {  	v62 =	vsub.f32 $1.500000000e+00, v62;
	v21 =	vmul.f32 v21, v26;
	v26 =	vsub.f32 v1, v53;
	v1 =	vld [tilespmem:$0x1FEF0]  }
0xbf: {  	v31 =	vsub.f32 v31, v19;
	v60 =	vmul.f32 v58, v10;
	v18 =	vmul.f32 v25, v18  }
0xc0: {  	v35 =	vsub.f32 v35, v29;
	v59 =	vmul.f32 v9, v11;
	v55 =	vmul.f32 v55, v62  }
0xc1: {  	v60 =	vsub.f32 $1.500000000e+00, v60;
	v22 =	vmul.f32 v48, v22;
	v17 =	vmul.f32 v56, v17  }
0xc2: {  	v62 =	vsub.f32 v34, v47;
	v18 =	vmul.f32 v18, v25;
	v59 =	vsub.f32 $1.500000000e+00, v59  }
0xc3: {  	v58 =	vmul.f32 v58, v60;
	v20 =	vmul.f32 v55, v20;
	v10 =	vsub.f32 v1, v53;
	v1 =	vld [tilespmem:$0x1FF00]  }
0xc4: {  	v60 =	vsub.f32 v36, v47;
	v22 =	vmul.f32 v22, v48;
	v17 =	vmul.f32 v17, v56  }
0xc5: {  	v18 =	vsub.f32 $1.500000000e+00, v18;
	v57 =	vmul.f32 v9, v59;
	v59 =	vsub.f32 v3, v19  }
0xc6: {  	v19 =	vsub.f32 v32, v19;
	v5 =	vmul.f32 v58, v5;
	v22 =	vsub.f32 $1.500000000e+00, v22  }
0xc7: {  	v20 =	vmul.f32 v20, v55;
	v17 =	vsub.f32 $1.500000000e+00, v17;
	v9 =	vsub.f32 v61, v53  }
0xc8: {  	v18 =	vmul.f32 v18, v25;
	v24 =	vmul.f32 v57, v24;
	v11 =	vsub.f32 v1, v53;
	v1 =	vld [tilespmem:$0x1FF10]  }
0xc9: {  	v5 =	vmul.f32 v5, v58;
	v20 =	vsub.f32 $1.500000000e+00, v20;
	v22 =	vmul.f32 v22, v48  }
0xca: {  	v61 =	vsub.f32 v41, v54;
	v17 =	vmul.f32 v17, v56;
	v24 =	vmul.f32 v24, v57  }
0xcb: {  	v25 =	vsub.f32 v33, v47;
	v20 =	vmul.f32 v20, v55;
	v49 =	vmul.f32 v18, v49  }
0xcc: {  	v5 =	vsub.f32 $1.500000000e+00, v5;
	v55 =	vmul.f32 v18, v31;
	v36 =	vmul.f32 v22, v9  }
0xcd: {  	v53 =	vmul.f32 v18, v59;
	v18 =	vmul.f32 v18, v19;
	v19 =	vsub.f32 v1, v29;
	v1 =	vld [tilespmem:$0x1FF20]  }
0xce: {  	v24 =	vsub.f32 $1.500000000e+00, v24;
	v5 =	vmul.f32 v5, v58;
	v56 =	vmul.f32 v21, v25  }
0xcf: {  	v25 =	vsub.f32 v30, v29;
	v33 =	vmul.f32 v21, v63;
	v30 =	vsub.f32 v38, v54  }
0xd0: {  	v63 =	vsub.f32 v45, v51;
	v45 =	vmul.f32 v20, v35;
	v24 =	vmul.f32 v24, v57  }
0xd1: {  	v9 =	vsub.f32 v23, v52;
	v48 =	vmul.f32 v17, v30;
	v38 =	vmul.f32 v22, v10  }
0xd2: {  	v19 =	vmul.f32 v20, v19;
	v31 =	vsub.f32 v1, v29;
	v29 =	vmul.f32 v21, v60  }
0xd3: {  	v60 =	vmul.f32 v21, v62;
	v21 =	vsub.f32 v37, v54;
	v37 =	vmul.f32 v22, v26  }
0xd4: {  	v26 =	vsub.f32 v40, v54;
	v40 =	vmul.f32 v22, v11;
	v22 =	vsub.f32 v39, v51  }
0xd5: {  	v62 =	vsub.f32 v0, v51;
	v11 =	vsub.f32 v27, v52;
	v27 =	vmul.f32 v5, v63  }
0xd6: {  	v0 =	vmul.f32 v20, v31;
	v31 =	vsub.f32 v46, v51;
	v46 =	vmul.f32 v20, v25  }
0xd7: {  	v30 =	vsub.f32 v44, v52;
	v47 =	vmul.f32 v17, v21;
	v51 =	vmul.f32 v17, v61  }
0xd8: {  	v20 =	vsub.f32 v15, v28;
	v17 =	vmul.f32 v17, v26;
	v10 =	vmul.f32 v5, v22  }
0xd9: {  	v21 =	vsub.f32 v42, v52;
	v23 =	vmul.f32 v5, v62;
	v22 =	vmul.f32 v24, v30  }
0xda: {  	v25 =	vmul.f32 v5, v31;
	v5 =	vmul.f32 v50, v20;
	v20 =	vsub.f32 v14, v28  }
0xdb: {  	v54 =	vld [tilespmem:$0x1FF70];
	v26 =	vmul.f32 v24, v21;
	v14 =	vsub.f32 v13, v28;
	v28 =	vsub.f32 v12, v28  }
0xdc: {  	v44 =	vmul.f32 v5, v7;
	v21 =	vmul.f32 v50, v20  }
0xdd: {  	v30 =	vmul.f32 v50, v14;
	v5 =	vmul.f32 v50, v28;
	v50 =	vld [tilespmem:$0x1FF40];
	_ =	sdelay $0x1  }
0xde: {  	[tilespmem:$0x1FE90] =	vst v4  }
0xdf: {  	[tilespmem:$0x1FEB0] =	vst v6;
	v20 =	vmul.f32 v49, v43;
	v28 =	vadd.f32 v44, v54  }
0xe0: {  	s5 =	simm.s32 $0x8204;
	[tilespmem:$0x1FEC0] =	vst v8  }
0xe1: {  	v49 =	vld [tilespmem:$0x1FF30];
	[tilespmem:s5+$0xF3] =	vst v28;
	v20 =	vadd.f32 v20, v50  }
0xe2: {  	v34 =	vmul.f32 v48, v16;
	v59 =	vmul.f32 v56, v43;
	v52 =	vld [tilespmem:$0x1FF50]  }
0xe3: {  	v57 =	vmul.f32 v53, v16;
	v18 =	vmul.f32 v18, v7;
	[tilespmem:s5+$0xFFFFFEFC] =	vst v20  }
0xe4: {  	v35 =	vmul.f32 v19, v43;
	v29 =	vmul.f32 v29, v16;
	v53 =	vld [tilespmem:$0x1FF60]  }
0xe5: {  	v61 =	vmul.f32 v33, v7;
	v62 =	vmul.f32 v37, v43;
	v18 =	vadd.f32 v18, v54  }
0xe6: {  	v31 =	vmul.f32 v24, v9;
	v24 =	vmul.f32 v24, v11;
	v63 =	vadd.f32 v59, v50  }
0xe7: {  	v33 =	vmul.f32 v0, v16;
	v58 =	vmul.f32 v55, v49;
	[tilespmem:s5+$0xFFFFFF2C] =	vst v18;
	v28 =	vadd.f32 v57, v52  }
0xe8: {  	v6 =	vmul.f32 v17, v7;
	v32 =	vmul.f32 v60, v49;
	[tilespmem:s5+$0xFFFFFF3D] =	vst v63;
	v18 =	vadd.f32 v29, v52  }
0xe9: {  	v4 =	vmul.f32 v10, v43;
	v37 =	vmul.f32 v38, v49;
	[tilespmem:s5+$0xFFFFFF0C] =	vst v28;
	v60 =	vadd.f32 v58, v53  }
0xea: {  	v3 =	vmul.f32 v51, v49;
	v20 =	vmul.f32 v36, v16;
	[tilespmem:s5+$0xFFFFFF4D] =	vst v18;
	v19 =	vadd.f32 v32, v53  }
0xeb: {  	s31 =	simm.s32 $0xA280;
	s12 =	simm.s32 $0x700;
	v38 =	vadd.f32 v61, v54;
	v36 =	vmul.f32 v40, v7;
	v29 =	vmul.f32 v47, v43;
	[tilespmem:s5+$0xFFFFFF1C] =	vst v60  }
0xec: {  	s3 =	simm.s32 $0x0;
	s2 =	simm.s32 $0x8204;
	s0 =	sshll.u32 s30, $0x1;
	v39 =	vadd.f32 v62, v50;
	v28 =	vmul.f32 v45, v49;
	v32 =	vmul.f32 v46, v7;
	[tilespmem:s5+$0xFFFFFF5D] =	vst v19  }
.LBB2_3:
0xed: {  	[tilespmem:$0x1FDE0] =	vst v4  }
0xee: {  	[tilespmem:$0x1FDD0] =	vst v6  }
0xef: {  	v0 =	vmul.f32 v23, v16;
	[tilespmem:$0x1FDC0] =	vst v3  }
0xf0: {  	[tilespmem:s5+$0xFFFFFF6D] =	vst v38  }
0xf1: {  	[tilespmem:$0x1FDF0] =	vst v0;
	v0 =	vmul.f32 v27, v49  }
0xf2: {  	v40 =	vld [tilespmem:s12+$0x180];
	v36 =	vadd.f32 v36, v54;
	[tilespmem:s5+$0xFFFFFF7E] =	vst v39  }
0xf3: {  	v23 =	vld [tilespmem:s12+$0x190];
	[tilespmem:$0x1FE00] =	vst v0;
	v0 =	vmul.f32 v25, v7  }
0xf4: {  	v51 =	vld [tilespmem:s12+$0x1A0];
	v48 =	vadd.f32 v20, v52;
	[tilespmem:s5+$0xFFFFFFAE] =	vst v36  }
0xf5: {  	v55 =	vld [tilespmem:s12+$0x1B0];
	[tilespmem:$0x1FE10] =	vst v0;
	v0 =	vmul.f32 v26, v43  }
0xf6: {  	v8 =	vld [tilespmem:$0x1FEB0];
	v37 =	vadd.f32 v37, v53;
	[tilespmem:s5+$0xFFFFFF8E] =	vst v48  }
0xf7: {  	v3 =	vld [tilespmem:$0x1FE90];
	[tilespmem:$0x1FE20] =	vst v0;
	v0 =	vmul.f32 v22, v16  }
0xf8: {  	v28 =	vadd.f32 v28, v53;
	v6 =	vld [tilespmem:$0x1FEC0];
	[tilespmem:s5+$0xFFFFFF9E] =	vst v37  }
0xf9: {  	v59 =	vld [tilespmem:s12+$0xFFFFFE80];
	[tilespmem:$0x1FE30] =	vst v0;
	v0 =	vmul.f32 v31, v49  }
0xfa: {  	v33 =	vadd.f32 v33, v52;
	v11 =	vld [tilespmem:s12+$0xFFFFFEA0];
	[tilespmem:s5+$0xFFFFFFDF] =	vst v28  }
0xfb: {  	v28 =	vld [tilespmem:s12+$0xFFFFFE90];
	[tilespmem:$0x1FE40] =	vst v0;
	v0 =	vmul.f32 v24, v7  }
0xfc: {  	v56 =	vadd.f32 v32, v54;
	[tilespmem:s5+$0xFFFFFFCF] =	vst v33;
	v2 =	vadd.f32 v51, v8;
	v7 =	vld [tilespmem:$0x1FEA0]  }
0xfd: {  	v14 =	vld [tilespmem:s12+$0xFFFFFF00];
	v63 =	vadd.f32 v55, v6;
	[tilespmem:$0x1FE50] =	vst v0;
	v0 =	vmul.f32 v21, v43  }
0xfe: {  	v29 =	vadd.f32 v29, v50;
	v58 =	vadd.f32 v34, v52;
	[tilespmem:s5+$0xFFFFFFEF] =	vst v56;
	v39 =	vmul.f32 v2, v2;
	v21 =	vld [tilespmem:s12+$0xFFFFFE10]  }
0xff: {  	v57 =	vld [tilespmem:s12+$0xFFFFFE30];
	v56 =	vadd.f32 v11, v8;
	v32 =	vmul.f32 v63, v63;
	[tilespmem:$0x1FE60] =	vst v0;
	v0 =	vmul.f32 v30, v16  }
0x100: {  	[tilespmem:s5+$0x0] =	vst v29;
	v29 =	vld [tilespmem:s12+$0xFFFFFEB0];
	v55 =	vadd.f32 v28, v3;
	v31 =	vadd.f32 v35, v50  }
0x101: {  	v50 =	vld [tilespmem:s12+$0xFFFFFF10];
	v51 =	vadd.f32 v32, v39;
	v1 =	vadd.f32 v40, v7;
	[tilespmem:$0x1FE70] =	vst v0;
	v0 =	vmul.f32 v5, v49  }
0x102: {  	[tilespmem:$0x1FDB0] =	vst v2;
	v59 =	vadd.f32 v59, v7;
	v4 =	vadd.f32 v14, v7;
	v5 =	vld [tilespmem:s12+$0xFFFFFE20]  }
0x103: {  	v61 =	vld [tilespmem:$0x1FFB0];
	v53 =	vadd.f32 v21, v3;
	[tilespmem:$0x1FE80] =	vst v0;
	v0 =	vadd.f32 v23, v3  }
0x104: {  	v28 =	vld [tilespmem:s12+$0xFFFFFF30];
	[tilespmem:s5+$0xFFFFFFBF] =	vst v31;
	v12 =	vmul.f32 v1, v1;
	v40 =	vadd.f32 v55, v59;
	v23 =	vadd.f32 v63, v2  }
0x105: {  	v42 =	vld [tilespmem:s12+$0xFFFFFF20];
	[tilespmem:$0x1FD90] =	vst v1;
	v60 =	vmul.f32 v59, v59;
	v2 =	vadd.f32 v29, v6;
	v21 =	vadd.f32 v0, v1  }
0x106: {  	v29 =	vld [tilespmem:s12+$0xFFFFFF90];
	[tilespmem:$0x1FDA0] =	vst v0;
	v13 =	vmul.f32 v0, v0;
	v1 =	vadd.f32 v57, v6;
	v0 =	vadd.f32 v50, v3  }
0x107: {  	v10 =	vld [tilespmem:s12+$0xFFFFFFA0];
	v48 =	vmul.f32 v53, v53;
	v32 =	vadd.f32 v2, v56;
	v5 =	vadd.f32 v5, v8  }
0x108: {  	v57 =	vld [tilespmem:s12+$0xFFFFFF80];
	v39 =	vmul.f32 v2, v2;
	v41 =	vadd.f32 v23, v21;
	v37 =	vadd.f32 v13, v12  }
0x109: {  	v50 =	vld [tilespmem:s12+$0xA0];
	v44 =	vmul.f32 v1, v1;
	v13 =	vadd.f32 v28, v6;
	v34 =	vadd.f32 v0, v4  }
0x10a: {  	[tilespmem:s5+$0x10] =	vst v58;
	v52 =	vld [tilespmem:s12+$0xFFFFFFB0];
	v26 =	vmul.f32 v0, v0;
	v32 =	vadd.f32 v32, v40;
	v31 =	vadd.f32 v1, v5  }
0x10b: {  	v28 =	vld [tilespmem:s12+$0x0];
	v47 =	vmul.f32 v5, v5;
	[tilespmem:$0x1FCC0] =	vst v5;
	v5 =	vadd.f32 v42, v8;
	v14 =	vadd.f32 v29, v3  }
0x10c: {  	v42 =	vadd.f32 v10, v8;
	v58 =	vadd.f32 v51, v37;
	v9 =	vperm.xlane v41, v61  }
0x10d: {  	[tilespmem:$0x1FCD0] =	vst v1;
	v1 =	vld [tilespmem:$0x1FFC0];
	v51 =	vmul.f32 v55, v55;
	v15 =	vadd.f32 v57, v7;
	v25 =	vadd.f32 v13, v5  }
0x10e: {  	v29 =	vld [tilespmem:s12+$0x20];
	v23 =	vmul.f32 v13, v13;
	v49 =	vadd.f32 v50, v8;
	v44 =	vadd.f32 v44, v47  }
0x10f: {  	v38 =	vld [tilespmem:s12+$0x80];
	v11 =	vadd.f32 v41, v9;
	v43 =	vperm.xlane v58, v61;
	v9 =	vadd.f32 v52, v6  }
0x110: {  	v54 =	vld [tilespmem:s12+$0x10];
	v19 =	vmul.f32 v14, v14;
	v51 =	vadd.f32 v51, v60;
	v10 =	vadd.f32 v28, v7  }
0x111: {  	[tilespmem:$0x1FCE0] =	vst v2;
	v2 =	vld [tilespmem:$0x1FFD0];
	v41 =	vmul.f32 v56, v56;
	v21 =	vadd.f32 v14, v15;
	v35 =	vadd.f32 v43, v58  }
0x112: {  	v28 =	vld [tilespmem:s12+$0x90];
	v22 =	vmul.f32 v15, v15;
	v25 =	vadd.f32 v25, v34;
	v45 =	vperm.xlane v11, v1  }
0x113: {  	v34 =	vperm.xlane v32, v61;
	v58 =	vld [tilespmem:s12+$0x30];
	v37 =	vadd.f32 v29, v8;
	v57 =	vperm.xlane v35, v1  }
0x114: {  	v29 =	vld [tilespmem:s12+$0xB0];
	v20 =	vadd.f32 v9, v42;
	v18 =	vmul.f32 v9, v9;
	v36 =	vadd.f32 v11, v45  }
0x115: {  	[tilespmem:$0x1FCF0] =	vst v4;
	v39 =	vadd.f32 v39, v41;
	v62 =	vadd.f32 v57, v35;
	v35 =	vmul.f32 v4, v4;
	v4 =	vld [tilespmem:$0x1FFE0]  }
0x116: {  	v43 =	vld [tilespmem:s12+$0x100];
	v30 =	vmul.f32 v10, v10;
	v19 =	vadd.f32 v19, v22;
	v46 =	vperm.xlane v36, v2  }
0x117: {  	v22 =	vperm.xlane v25, v61;
	v11 =	vadd.f32 v54, v3;
	v45 =	vadd.f32 v38, v7  }
0x118: {  	[tilespmem:$0x1FD00] =	vst v0;
	v0 =	vld [tilespmem:s12+$0x130];
	v20 =	vadd.f32 v20, v21;
	v52 =	vadd.f32 v36, v46;
	v33 =	vperm.xlane v62, v2  }
0x119: {  	[tilespmem:$0x1FD30] =	vst v15;
	v15 =	vmul.f32 v37, v37;
	v16 =	vadd.f32 v11, v10;
	v12 =	vadd.f32 v58, v6  }
0x11a: {  	v50 =	vadd.f32 v29, v6;
	v58 =	vadd.f32 v33, v62;
	v57 =	vperm.xlane v52, v4  }
0x11b: {  	[tilespmem:$0x1FD20] =	vst v13;
	v17 =	vmul.f32 v11, v11;
	v54 =	vadd.f32 v43, v7;
	v46 =	vadd.f32 v28, v3;
	v28 =	vld [tilespmem:s12+$0x120]  }
0x11c: {  	[tilespmem:$0x1FD10] =	vst v5;
	v33 =	vmul.f32 v5, v5;
	v62 =	vld [tilespmem:s12+$0x110];
	v13 =	vperm.xlane v58, v4;
	v57 =	vadd.f32 v52, v57  }
0x11d: {  	[tilespmem:$0x1FD40] =	vst v14;
	v14 =	vmul.f32 v45, v45;
	v36 =	vadd.f32 v0, v6;
	v26 =	vadd.f32 v26, v35;
	v5 =	vld [tilespmem:s12+$0xFFFFFE00]  }
0x11e: {  	v23 =	vadd.f32 v23, v33;
	v29 =	vadd.f32 v13, v58;
	v38 =	vmul.f32 $1.562500000e-02, v57  }
0x11f: {  	v17 =	vadd.f32 v17, v30;
	v6 =	vmul.f32 v46, v46;
	v47 =	vmul.f32 v36, v36  }
0x120: {  	v23 =	vadd.f32 v23, v26;
	v29 =	vmul.f32 $1.562500000e-02, v29;
	v43 =	vmul.f32 v38, v38  }
0x121: {  	v58 =	vmul.f32 v42, v42;
	v52 =	vadd.f32 v62, v3;
	v57 =	vadd.f32 v28, v8  }
0x122: {  	v62 =	vadd.f32 v5, v7;
	v7 =	vmul.f32 v12, v12;
	v29 =	vsub.f32 v29, v43  }
0x123: {  	v28 =	vadd.f32 v46, v45;
	v5 =	vmul.f32 v49, v49;
	v18 =	vadd.f32 v18, v58  }
0x124: {  	[tilespmem:$0x1FD50] =	vst v9;
	v3 =	vmul.f32 v50, v50;
	v58 =	vadd.f32 v25, v22;
	v29 =	vadd.f32 $9.999999960e-13, v29  }
0x125: {  	[tilespmem:$0x1FD60] =	vst v10;
	v9 =	vadd.f32 v53, v62;
	v8 =	vmul.f32 v62, v62;
	v27 =	vadd.f32 v52, v54  }
0x126: {  	[tilespmem:$0x1FD70] =	vst v11;
	v11 =	vadd.f32 v36, v57;
	v10 =	vshra.s32 v29, $0x1;
	v29 =	vmul.f32 $5.000000000e-01, v29  }
0x127: {  	v7 =	vadd.f32 v7, v15;
	v18 =	vadd.f32 v18, v19;
	v10 =	vsub.s32 $0x5F3759DF, v10  }
0x128: {  	v33 =	vperm.xlane v58, v1;
	v43 =	vadd.f32 v12, v37;
	v0 =	vmul.f32 v10, v29  }
0x129: {  	[tilespmem:$0x1FD80] =	vst v12;
	v12 =	vadd.f32 v50, v49;
	v9 =	vadd.f32 v31, v9;
	v31 =	vmul.f32 v54, v54  }
0x12a: {  	v13 =	vadd.f32 v48, v8;
	v7 =	vadd.f32 v7, v17;
	v0 =	vmul.f32 v10, v0  }
0x12b: {  	v8 =	vmul.f32 v57, v57;
	v12 =	vadd.f32 v12, v28;
	v28 =	vadd.f32 v3, v5  }
0x12c: {  	v48 =	vmul.f32 v52, v52;
	v5 =	vadd.f32 v11, v27;
	v0 =	vsub.f32 $1.500000000e+00, v0  }
0x12d: {  	v24 =	vperm.xlane v9, v61;
	v27 =	vadd.f32 v47, v8;
	v8 =	vadd.f32 v39, v51  }
0x12e: {  	v16 =	vadd.f32 v43, v16;
	v41 =	vperm.xlane v12, v61;
	v0 =	vmul.f32 v10, v0  }
0x12f: {  	v43 =	vadd.f32 v48, v31;
	v48 =	vadd.f32 v32, v34;
	v51 =	vperm.xlane v8, v61  }
0x130: {  	v12 =	vadd.f32 v12, v41;
	v21 =	vmul.f32 v0, v29;
	v29 =	vadd.f32 v6, v14  }
0x131: {  	v8 =	vadd.f32 v51, v8;
	v10 =	vadd.f32 v58, v33;
	v6 =	vperm.xlane v16, v61  }
0x132: {  	v15 =	vmul.f32 v21, v0;
	v21 =	vperm.xlane v20, v61;
	v26 =	vadd.f32 v28, v29  }
0x133: {  	v28 =	vadd.f32 v9, v24;
	v6 =	vadd.f32 v16, v6;
	v16 =	vperm.xlane v7, v61  }
0x134: {  	v24 =	vadd.f32 v27, v43;
	v3 =	vsub.f32 $1.500000000e+00, v15;
	v15 =	vperm.xlane v5, v61  }
0x135: {  	v17 =	vadd.f32 v20, v21;
	v32 =	vperm.xlane v26, v61;
	v7 =	vadd.f32 v16, v7  }
0x136: {  	v47 =	vld [tilespmem:$0x1FFA0];
	v16 =	vperm.xlane v12, v1;
	v60 =	vmul.f32 v3, v0;
	v0 =	vsub.f32 v63, v38  }
0x137: {  	v3 =	vadd.f32 v44, v13;
	v63 =	vperm.xlane v23, v61;
	v5 =	vadd.f32 v5, v15  }
0x138: {  	v15 =	vperm.xlane v24, v61;
	v21 =	vperm.xlane v17, v1;
	v12 =	vadd.f32 v12, v16  }
0x139: {  	v0 =	vmul.f32 v60, v0;
	v19 =	vperm.xlane v3, v61;
	v13 =	vadd.f32 v63, v23  }
0x13a: {  	v20 =	vld [tilespmem:$0x1FF70];
	v23 =	vadd.f32 v32, v26;
	v34 =	vperm.xlane v5, v1;
	v22 =	vadd.f32 v15, v24  }
0x13b: {  	v15 =	vperm.xlane v8, v1;
	v17 =	vadd.f32 v17, v21;
	v0 =	vmul.f32 v0, v47  }
0x13c: {  	v3 =	vadd.f32 v19, v3;
	v19 =	vperm.xlane v48, v1;
	v35 =	vperm.xlane v13, v1  }
0x13d: {  	v16 =	vperm.xlane v23, v1;
	v5 =	vadd.f32 v5, v34;
	v39 =	vperm.xlane v22, v1  }
0x13e: {  	v8 =	vadd.f32 v15, v8;
	v15 =	vperm.xlane v10, v2;
	v40 =	vperm.xlane v17, v2  }
0x13f: {  	v0 =	vadd.f32 v0, v20;
	v20 =	vperm.xlane v18, v61;
	v9 =	vadd.f32 v48, v19  }
0x140: {  	v24 =	vperm.xlane v3, v1;
	v11 =	vadd.f32 v35, v13;
	v23 =	vadd.f32 v16, v23  }
0x141: {  	s5 =	sadd.s32 $0x208, s5;
	v16 =	vperm.xlane v5, v2;
	v41 =	vperm.xlane v8, v2;
	v10 =	vadd.f32 v10, v15  }
0x142: {  	v13 =	vadd.f32 v17, v40;
	[tilespmem:s5+$0xF3] =	vst v0;
	v0 =	vperm.xlane v28, v1;
	v18 =	vadd.f32 v20, v18  }
0x143: {  	v20 =	vperm.xlane v6, v1;
	v3 =	vadd.f32 v24, v3;
	v24 =	vperm.xlane v9, v2  }
0x144: {  	v43 =	vperm.xlane v11, v2;
	v5 =	vadd.f32 v5, v16;
	v8 =	vadd.f32 v41, v8  }
0x145: {  	v44 =	vperm.xlane v10, v4;
	v0 =	vadd.f32 v28, v0;
	v19 =	vperm.xlane v18, v1  }
0x146: {  	v6 =	vadd.f32 v6, v20;
	v20 =	vperm.xlane v7, v1;
	v1 =	vadd.f32 v39, v22  }
0x147: {  	v47 =	vperm.xlane v13, v4;
	v22 =	vadd.f32 v9, v24;
	v11 =	vadd.f32 v43, v11  }
0x148: {  	v9 =	vadd.f32 v10, v44;
	v21 =	vperm.xlane v0, v2;
	v18 =	vadd.f32 v19, v18  }
0x149: {  	v19 =	vperm.xlane v6, v2;
	v7 =	vadd.f32 v20, v7;
	v20 =	vperm.xlane v12, v2  }
0x14a: {  	v13 =	vadd.f32 v13, v47;
	v16 =	vperm.xlane v1, v2;
	v48 =	vperm.xlane v11, v4  }
0x14b: {  	v28 =	vmul.f32 $1.562500000e-02, v9;
	v0 =	vadd.f32 v0, v21;
	v21 =	vperm.xlane v3, v2  }
0x14c: {  	v15 =	vperm.xlane v18, v2;
	v6 =	vadd.f32 v6, v19;
	v17 =	vperm.xlane v7, v2  }
0x14d: {  	v12 =	vadd.f32 v12, v20;
	v19 =	vperm.xlane v23, v2;
	v1 =	vadd.f32 v16, v1  }
0x14e: {  	v58 =	vadd.f32 v48, v11;
	v33 =	vmul.f32 v28, v28;
	v20 =	vperm.xlane v0, v4  }
0x14f: {  	v3 =	vadd.f32 v21, v3;
	v21 =	vperm.xlane v22, v4;
	v15 =	vadd.f32 v15, v18  }
0x150: {  	v18 =	vperm.xlane v6, v4;
	v7 =	vadd.f32 v17, v7;
	v17 =	vperm.xlane v12, v4  }
0x151: {  	v2 =	vadd.f32 v19, v23;
	v19 =	vperm.xlane v5, v4;
	v23 =	vmul.f32 $1.562500000e-02, v13  }
0x152: {  	v0 =	vadd.f32 v0, v20;
	v16 =	vperm.xlane v3, v4;
	v21 =	vadd.f32 v22, v21  }
0x153: {  	v20 =	vperm.xlane v8, v4;
	v51 =	vperm.xlane v15, v4;
	v6 =	vadd.f32 v6, v18  }
0x154: {  	v18 =	vperm.xlane v7, v4;
	v12 =	vadd.f32 v12, v17;
	v17 =	vperm.xlane v2, v4  }
0x155: {  	v19 =	vadd.f32 v5, v19;
	v34 =	vmul.f32 v23, v23;
	v0 =	vmul.f32 $1.562500000e-02, v0  }
0x156: {  	v3 =	vadd.f32 v16, v3;
	v16 =	vperm.xlane v1, v4;
	v4 =	vmul.f32 $1.562500000e-02, v21  }
0x157: {  	v8 =	vadd.f32 v20, v8;
	v14 =	vadd.f32 v51, v15;
	v21 =	vmul.f32 $1.562500000e-02, v6  }
0x158: {  	v6 =	vadd.f32 v18, v7;
	v5 =	vmul.f32 $1.562500000e-02, v12;
	v63 =	vmul.f32 $1.562500000e-02, v19  }
0x159: {  	v2 =	vadd.f32 v17, v2;
	v3 =	vmul.f32 $1.562500000e-02, v3;
	v7 =	vmul.f32 v0, v0  }
0x15a: {  	v18 =	vld [tilespmem:$0x1FCC0];
	v1 =	vadd.f32 v16, v1;
	v8 =	vmul.f32 $1.562500000e-02, v8;
	v32 =	vmul.f32 v4, v4  }
0x15b: {  	v22 =	vld [tilespmem:$0x1FCD0];
	v62 =	vsub.f32 v62, v0;
	v10 =	vmul.f32 $1.562500000e-02, v14;
	v6 =	vmul.f32 $1.562500000e-02, v6  }
0x15c: {  	v31 =	vsub.f32 v53, v0;
	v35 =	vmul.f32 v21, v21;
	v2 =	vmul.f32 $1.562500000e-02, v2  }
0x15d: {  	v39 =	vmul.f32 v5, v5;
	v3 =	vsub.f32 v3, v7;
	v8 =	vsub.f32 v8, v32  }
0x15e: {  	v7 =	vmul.f32 $1.562500000e-02, v58;
	v10 =	vsub.f32 v10, v34;
	v6 =	vsub.f32 v6, v35  }
0x15f: {  	v40 =	vmul.f32 v63, v63;
	v2 =	vsub.f32 v2, v39;
	v18 =	vsub.f32 v18, v0  }
0x160: {  	v1 =	vmul.f32 $1.562500000e-02, v1;
	v0 =	vsub.f32 v22, v0;
	v7 =	vsub.f32 v7, v33  }
0x161: {  	v3 =	vadd.f32 $9.999999960e-13, v3;
	v8 =	vadd.f32 $9.999999960e-13, v8  }
0x162: {  	v1 =	vsub.f32 v1, v40;
	v10 =	vadd.f32 $9.999999960e-13, v10  }
0x163: {  	v6 =	vadd.f32 $9.999999960e-13, v6;
	v2 =	vadd.f32 $9.999999960e-13, v2  }
0x164: {  	v41 =	vshra.s32 v3, $0x1;
	v7 =	vadd.f32 $9.999999960e-13, v7;
	v3 =	vmul.f32 $5.000000000e-01, v3  }
0x165: {  	v43 =	vshra.s32 v8, $0x1;
	v8 =	vmul.f32 $5.000000000e-01, v8;
	v1 =	vadd.f32 $9.999999960e-13, v1  }
0x166: {  	v47 =	vshra.s32 v10, $0x1;
	v10 =	vmul.f32 $5.000000000e-01, v10;
	v48 =	vshra.s32 v6, $0x1  }
0x167: {  	v6 =	vmul.f32 $5.000000000e-01, v6;
	v15 =	vshra.s32 v2, $0x1;
	v2 =	vmul.f32 $5.000000000e-01, v2  }
0x168: {  	v9 =	vsub.s32 $0x5F3759DF, v41;
	v11 =	vsub.s32 $0x5F3759DF, v43;
	v13 =	vsub.s32 $0x5F3759DF, v47  }
0x169: {  	v14 =	vsub.s32 $0x5F3759DF, v48;
	v44 =	vshra.s32 v7, $0x1;
	v7 =	vmul.f32 $5.000000000e-01, v7  }
0x16a: {  	v16 =	vshra.s32 v1, $0x1;
	v1 =	vmul.f32 $5.000000000e-01, v1;
	v17 =	vmul.f32 v9, v3  }
0x16b: {  	v15 =	vsub.s32 $0x5F3759DF, v15;
	v19 =	vmul.f32 v11, v8;
	v22 =	vmul.f32 v13, v10  }
0x16c: {  	v24 =	vmul.f32 v14, v6;
	v26 =	vmul.f32 v15, v2;
	v12 =	vsub.s32 $0x5F3759DF, v44  }
0x16d: {  	v16 =	vsub.s32 $0x5F3759DF, v16;
	v20 =	vmul.f32 v12, v7;
	v17 =	vmul.f32 v9, v17  }
0x16e: {  	v27 =	vmul.f32 v16, v1;
	v19 =	vmul.f32 v11, v19  }
0x16f: {  	v22 =	vmul.f32 v13, v22;
	v24 =	vmul.f32 v14, v24;
	v17 =	vsub.f32 $1.500000000e+00, v17  }
0x170: {  	v26 =	vmul.f32 v15, v26;
	v20 =	vmul.f32 v12, v20;
	v19 =	vsub.f32 $1.500000000e+00, v19  }
0x171: {  	v25 =	vsub.f32 v59, v4;
	v27 =	vmul.f32 v16, v27;
	v9 =	vmul.f32 v9, v17  }
0x172: {  	v17 =	vsub.f32 $1.500000000e+00, v22;
	v11 =	vmul.f32 v11, v19;
	v19 =	vsub.f32 $1.500000000e+00, v26;
	v26 =	vld [tilespmem:$0x1FCE0]  }
0x173: {  	v22 =	vsub.f32 $1.500000000e+00, v24;
	v24 =	vsub.f32 $1.500000000e+00, v27  }
0x174: {  	v29 =	vsub.f32 v55, v4;
	v55 =	vld [tilespmem:$0x1FD50];
	v20 =	vsub.f32 $1.500000000e+00, v20;
	v13 =	vmul.f32 v13, v17  }
0x175: {  	v30 =	vsub.f32 v56, v4;
	v14 =	vmul.f32 v14, v22;
	v16 =	vmul.f32 v16, v24;
	v24 =	vld [tilespmem:$0x1FD30]  }
0x176: {  	v32 =	vsub.f32 v54, v63;
	v12 =	vmul.f32 v12, v20;
	v17 =	vld [tilespmem:$0x1FCF0];
	v3 =	vmul.f32 v9, v3  }
0x177: {  	v10 =	vmul.f32 v13, v10;
	v6 =	vmul.f32 v14, v6;
	v4 =	vsub.f32 v26, v4;
	v26 =	vld [tilespmem:$0x1FD40]  }
0x178: {  	v34 =	vsub.f32 v57, v63;
	v15 =	vmul.f32 v15, v19;
	v19 =	vld [tilespmem:$0x1FD00];
	v3 =	vmul.f32 v3, v9  }
0x179: {  	v27 =	vsub.f32 v42, v23;
	v20 =	vld [tilespmem:$0x1FD10];
	v10 =	vmul.f32 v10, v13;
	v6 =	vmul.f32 v6, v14  }
0x17a: {  	v22 =	vld [tilespmem:$0x1FD20];
	v3 =	vsub.f32 $1.500000000e+00, v3;
	v24 =	vsub.f32 v24, v23  }
0x17b: {  	v8 =	vmul.f32 v11, v8;
	v51 =	vsub.f32 $1.500000000e+00, v10;
	v6 =	vsub.f32 $1.500000000e+00, v6  }
0x17c: {  	v7 =	vmul.f32 v12, v7;
	v10 =	vsub.f32 v55, v23;
	v26 =	vsub.f32 v26, v23;
	v23 =	vld [tilespmem:$0x1FD90]  }
0x17d: {  	v1 =	vmul.f32 v16, v1;
	v17 =	vsub.f32 v17, v28;
	v3 =	vmul.f32 v3, v9  }
0x17e: {  	v19 =	vsub.f32 v19, v28;
	v20 =	vsub.f32 v20, v28;
	v6 =	vmul.f32 v6, v14  }
0x17f: {  	v22 =	vsub.f32 v22, v28;
	v14 =	vmul.f32 v3, v62;
	v28 =	vmul.f32 v3, v31  }
0x180: {  	v18 =	vmul.f32 v3, v18;
	v0 =	vmul.f32 v3, v0;
	v3 =	vsub.f32 v52, v63  }
0x181: {  	v2 =	vmul.f32 v15, v2;
	v62 =	vsub.f32 v36, v63;
	v63 =	vsub.f32 v23, v38;
	v23 =	vld [tilespmem:$0x1FDA0]  }
0x182: {  	v8 =	vmul.f32 v8, v11;
	v1 =	vmul.f32 v1, v16  }
0x183: {  	v7 =	vmul.f32 v7, v12;
	v2 =	vmul.f32 v2, v15  }
0x184: {  	v56 =	vld [tilespmem:$0x1FD60];
	v8 =	vsub.f32 $1.500000000e+00, v8;
	v1 =	vsub.f32 $1.500000000e+00, v1  }
0x185: {  	v58 =	vld [tilespmem:$0x1FD70];
	v7 =	vsub.f32 $1.500000000e+00, v7;
	v2 =	vsub.f32 $1.500000000e+00, v2  }
0x186: {  	v1 =	vmul.f32 v1, v16;
	v16 =	vsub.f32 v45, v5;
	v45 =	vsub.f32 v23, v38;
	v23 =	vld [tilespmem:$0x1FDB0]  }
0x187: {  	v8 =	vmul.f32 v8, v11;
	v2 =	vmul.f32 v2, v15;
	v15 =	vld [tilespmem:$0x1FD80]  }
0x188: {  	v59 =	vsub.f32 v37, v21;
	v7 =	vmul.f32 v7, v12;
	v9 =	vmul.f32 v51, v13  }
0x189: {  	v53 =	vld [tilespmem:$0x1FF60];
	v11 =	vsub.f32 v56, v21;
	v61 =	vmul.f32 v8, v25;
	v29 =	vmul.f32 v8, v29  }
0x18a: {  	v54 =	vld [tilespmem:$0x1FF70];
	v12 =	vsub.f32 v58, v21;
	v4 =	vmul.f32 v8, v4;
	v17 =	vmul.f32 v7, v17  }
0x18b: {  	v19 =	vmul.f32 v7, v19;
	v47 =	vmul.f32 v7, v20;
	v38 =	vsub.f32 v23, v38;
	v23 =	vld [tilespmem:$0x1FDD0]  }
0x18c: {  	v15 =	vsub.f32 v15, v21;
	v21 =	vsub.f32 v46, v5;
	v46 =	vmul.f32 v8, v30;
	v8 =	vld [tilespmem:$0x1FDC0]  }
0x18d: {  	v31 =	vsub.f32 v49, v5;
	v7 =	vmul.f32 v7, v22;
	v55 =	vmul.f32 v9, v27  }
0x18e: {  	v56 =	vmul.f32 v6, v11;
	v57 =	vmul.f32 v6, v12  }
0x18f: {  	v13 =	vmul.f32 v6, v59;
	v27 =	vmul.f32 v2, v31  }
0x190: {  	v22 =	vmul.f32 v1, v3;
	v3 =	vld [tilespmem:$0x1FE50];
	v5 =	vsub.f32 v50, v5;
	v23 =	vadd.f32 v23, v54  }
0x191: {  	v50 =	vld [tilespmem:$0x1FF40];
	v6 =	vmul.f32 v6, v15;
	v15 =	vmul.f32 v2, v16;
	v8 =	vadd.f32 v8, v53  }
0x192: {  	v25 =	vmul.f32 v2, v5;
	[tilespmem:s2+$0x30] =	vst v23;
	v23 =	vmul.f32 v2, v21;
	v2 =	vld [tilespmem:$0x1FE40]  }
0x193: {  	[tilespmem:s2+$0x20] =	vst v8;
	v8 =	vld [tilespmem:$0x1FDE0];
	_ =	sdelay $0x2  }
0x194: {  	v3 =	vadd.f32 v3, v54  }
0x195: {  	v52 =	vld [tilespmem:$0x1FF50];
	v2 =	vadd.f32 v2, v53  }
0x196: {  	[tilespmem:s2+$0xB2] =	vst v3;
	v3 =	vld [tilespmem:$0x1FF80];
	v8 =	vadd.f32 v8, v50  }
0x197: {  	[tilespmem:s2+$0xA2] =	vst v2;
	v2 =	vld [tilespmem:$0x1FE70]  }
0x198: {  	[tilespmem:s2+$0x41] =	vst v8;
	v8 =	vld [tilespmem:$0x1FE00]  }
0x199: {  	v49 =	vld [tilespmem:$0x1FF30]  }
0x19a: {  	v48 =	vmul.f32 v9, v24;
	v51 =	vmul.f32 v9, v26  }
0x19b: {  	v26 =	vmul.f32 v1, v32;
	v31 =	vmul.f32 v1, v34  }
0x19c: {  	v58 =	vld [tilespmem:$0x1FE10];
	v24 =	vmul.f32 v1, v62;
	v3 =	vmul.f32 v14, v3;
	v2 =	vadd.f32 v2, v52  }
0x19d: {  	v1 =	vld [tilespmem:$0x1FE60];
	v30 =	vmul.f32 v60, v45;
	v5 =	vmul.f32 v60, v38;
	v8 =	vadd.f32 v8, v53  }
0x19e: {  	v20 =	vld [tilespmem:$0x1FDF0];
	v21 =	vmul.f32 v60, v63;
	v60 =	vmul.f32 v18, v49;
	[tilespmem:s2+$0xD3] =	vst v2;
	v2 =	vadd.f32 v3, v50  }
0x19f: {  	v59 =	vld [tilespmem:$0x1FE30];
	[tilespmem:s2+$0x61] =	vst v8  }
0x1a0: {  	v8 =	vld [tilespmem:$0x1FE20];
	[tilespmem:s5+$0xFFFFFEFC] =	vst v2;
	v2 =	vadd.f32 v60, v53  }
0x1a1: {  	v3 =	vld [tilespmem:$0x1FFA0]  }
0x1a2: {  	v1 =	vadd.f32 v1, v50;
	[tilespmem:s5+$0xFFFFFF1C] =	vst v2;
	v2 =	vld [tilespmem:$0x1FFA0]  }
0x1a3: {  	v16 =	vld [tilespmem:$0x1FF90]  }
0x1a4: {  	[tilespmem:s2+$0xC3] =	vst v1;
	v1 =	vld [tilespmem:$0x1FE80]  }
0x1a5: {  	v62 =	vld [tilespmem:$0x1FFA0]  }
0x1a6: {  	v12 =	vadd.f32 v58, v54;
	v0 =	vmul.f32 v0, v3;
	v3 =	vld [tilespmem:$0x1FF80]  }
0x1a7: {  	v8 =	vadd.f32 v8, v50;
	v36 =	vmul.f32 v7, v2;
	v2 =	vld [tilespmem:$0x1FF80]  }
0x1a8: {  	v9 =	vmul.f32 v9, v10;
	v20 =	vadd.f32 v20, v52;
	[tilespmem:s2+$0x71] =	vst v12  }
0x1a9: {  	v43 =	vld [tilespmem:$0x1FF80];
	v37 =	vmul.f32 v47, v49;
	v1 =	vadd.f32 v1, v53;
	[tilespmem:s2+$0x82] =	vst v8;
	v8 =	vmul.f32 v28, v16  }
0x1aa: {  	v12 =	vadd.f32 v59, v52;
	v4 =	vmul.f32 v4, v62;
	[tilespmem:s2+$0x51] =	vst v20;
	v20 =	vmul.f32 v19, v16;
	v63 =	vld [tilespmem:$0x1FF80]  }
0x1ab: {  	s3 =	sadd.s32 $0x8, s3;
	v33 =	vmul.f32 v51, v16;
	[tilespmem:s2+$0xE3] =	vst v1;
	v1 =	vadd.f32 v8, v52;
	v7 =	vld [tilespmem:$0x1FFA0];
	v3 =	vmul.f32 v61, v3  }
0x1ac: {  	p1 =	slt.u32 s3, $0x78;
	[tilespmem:s2+$0x92] =	vst v12;
	v8 =	vmul.f32 v29, v16;
	v0 =	vadd.f32 v0, v54;
	v35 =	vmul.f32 v48, v2;
	v2 =	vld [tilespmem:$0x1FFA0]  }
.Ltmp0:
0x1ad: {  	v34 =	vmul.f32 v57, v16;
	[tilespmem:s5+$0xFFFFFF0C] =	vst v1;
	v61 =	vmul.f32 v46, v49;
	v1 =	vadd.f32 v3, v50;
	(pc) =	sbr.rel @p1 .LBB2_3-.Ltmp0, $4  }
0x1ae: {  	v38 =	vadd.f32 v4, v54;
	v4 =	vmul.f32 v15, v43;
	[tilespmem:s5+$0xFFFFFF2C] =	vst v0;
	v0 =	vadd.f32 v8, v52  }
0x1af: {  	v12 =	vmul.f32 v17, v63;
	v28 =	vmul.f32 v55, v49;
	[tilespmem:s5+$0xFFFFFF3D] =	vst v1;
	v1 =	vadd.f32 v61, v53  }
0x1b0: {  	v29 =	vmul.f32 v56, v43;
	[tilespmem:s5+$0xFFFFFF4D] =	vst v0;
	v3 =	vmul.f32 v13, v49  }
0x1b1: {  	s14 =	simm.s32 $0x0;
	s12 =	sadd.s32 $0x400, s12;
	v39 =	vadd.f32 v12, v50;
	s2 =	smov.u32 s5;
	v6 =	vmul.f32 v6, v7;
	[tilespmem:s5+$0xFFFFFF5D] =	vst v1;
	v32 =	vmul.f32 v9, v2  }
0x1b2: {  	[tilespmem:s5+$0xFFFFFF6D] =	vst v38;
	v0 =	vadd.f32 v20, v52  }
0x1b3: {  	v1 =	vadd.f32 v37, v53;
	[tilespmem:s5+$0xFFFFFF7E] =	vst v39  }
0x1b4: {  	v55 =	vadd.f32 v36, v54;
	[tilespmem:s5+$0xFFFFFF8E] =	vst v0  }
0x1b5: {  	v56 =	vadd.f32 v35, v50;
	[tilespmem:s5+$0xFFFFFF9E] =	vst v1  }
0x1b6: {  	v57 =	vadd.f32 v33, v52;
	[tilespmem:s5+$0xFFFFFFAE] =	vst v55  }
0x1b7: {  	v58 =	vadd.f32 v28, v53;
	[tilespmem:s5+$0xFFFFFFBF] =	vst v56  }
0x1b8: {  	v59 =	vadd.f32 v29, v50;
	[tilespmem:s5+$0xFFFFFFCF] =	vst v57  }
0x1b9: {  	v60 =	vadd.f32 v34, v52;
	[tilespmem:s5+$0xFFFFFFDF] =	vst v58  }
0x1ba: {  	v8 =	vadd.f32 v4, v50;
	[tilespmem:s5+$0x0] =	vst v59  }
0x1bb: {  	v2 =	vadd.f32 v32, v54;
	[tilespmem:s5+$0x10] =	vst v60  }
0x1bc: {  	v61 =	vadd.f32 v3, v53;
	v62 =	vmul.f32 v23, v16;
	[tilespmem:s2+$0x41] =	vst v8  }
0x1bd: {  	v3 =	vmul.f32 v27, v49;
	v63 =	vadd.f32 v6, v54;
	[tilespmem:s5+$0xFFFFFFEF] =	vst v2  }
0x1be: {  	v4 =	vmul.f32 v25, v7;
	v9 =	vadd.f32 v62, v52;
	[tilespmem:s2+$0x20] =	vst v61  }
0x1bf: {  	v10 =	vmul.f32 v26, v43;
	v11 =	vadd.f32 v3, v53;
	[tilespmem:s2+$0x30] =	vst v63  }
0x1c0: {  	v3 =	vmul.f32 v22, v16;
	v28 =	vadd.f32 v4, v54;
	[tilespmem:s2+$0x51] =	vst v9  }
0x1c1: {  	v4 =	vmul.f32 v31, v49;
	v29 =	vadd.f32 v10, v50;
	[tilespmem:s2+$0x61] =	vst v11  }
0x1c2: {  	[tilespmem:s2+$0x71] =	vst v28;
	v32 =	vadd.f32 v3, v52  }
0x1c3: {  	[tilespmem:s2+$0x82] =	vst v29;
	v33 =	vadd.f32 v4, v53  }
0x1c4: {  	[tilespmem:s2+$0x92] =	vst v32  }
0x1c5: {  	[tilespmem:s2+$0xA2] =	vst v33  }
0x1c6: {  	v25 =	vld [tilespmem:$0x1FFF0];
	_ =	sdelay $0x1  }
0x1c7: {  	v31 =	vmul.f32 v24, v7  }
0x1c8: {  	v35 =	vmul.f32 v5, v49;
	v3 =	vmul.f32 v21, v43  }
0x1c9: {  	s3 =	simm.s32 $0x3;
	v4 =	vmul.f32 v30, v16;
	v34 =	vadd.f32 v31, v54  }
0x1ca: {  	s15 =	simm.s32 $0x1;
	v38 =	vadd.f32 v35, v53;
	v36 =	vadd.f32 v3, v50;
	v3 =	vadd.s32 s3, v25  }
0x1cb: {  	v37 =	vadd.f32 v4, v52;
	[tilespmem:s2+$0xB2] =	vst v34;
	v4 =	vadd.s32 s15, v25  }
0x1cc: {  	s12 =	simm.s32 $0x2;
	[tilespmem:s2+$0xE3] =	vst v38  }
0x1cd: {  	[tilespmem:s2+$0xC3] =	vst v36;
	v39 =	vadd.s32 s12, v25  }
0x1ce: {  	[tilespmem:s2+$0xD3] =	vst v37;
	v40 =	vadd.s32 s14, v25  }
0x1cf: {  	s14 =	simm.s32 $0x413;
	v1 =	vld.idx.msk [tilespmem:v3+s20+$0x0], $0xffff  }
0x1d0: {  	s15 =	simm.s32 $0x411;
	v3 =	vld.idx.msk [tilespmem:v4+s20+$0x0], $0xffff;
	v4 =	vadd.s32 s14, v25  }
0x1d1: {  	v5 =	vadd.s32 s15, v25  }
0x1d2: {  	s5 =	simm.s32 $0x412;
	v2 =	vld.idx.msk [tilespmem:v39+s20+$0x0], $0xffff  }
0x1d3: {  	v6 =	vadd.s32 s5, v25;
	s12 =	simm.s32 $0x410;
	v0 =	vld.idx.msk [tilespmem:v40+s20+$0x0], $0xffff  }
0x1d4: {  	v7 =	vadd.s32 s12, v25;
	[tilespmem:s31+$0x80] =	vst v1  }
0x1d5: {  	s14 =	simm.s32 $0x823;
	[tilespmem:s31+$0xFFFFFF80] =	vst v3;
	v1 =	vld.idx.msk [tilespmem:v4+s20+$0x0], $0xffff  }
0x1d6: {  	s15 =	simm.s32 $0x821;
	v41 =	vadd.s32 s14, v25;
	v3 =	vld.idx.msk [tilespmem:v5+s20+$0x0], $0xffff  }
0x1d7: {  	[tilespmem:s31+$0x0] =	vst v2;
	v5 =	vadd.s32 s15, v25  }
0x1d8: {  	s3 =	simm.s32 $0x822;
	[tilespmem:s31+$0xFFFFFF00] =	vst v0;
	v4 =	vld.idx.msk [tilespmem:v6+s20+$0x0], $0xffff  }
0x1d9: {  	s5 =	simm.s32 $0x820;
	v42 =	vadd.s32 s3, v25;
	v6 =	vld.idx.msk [tilespmem:v7+s20+$0x0], $0xffff  }
0x1da: {  	s3 =	simm.s32 $0x8;
	v7 =	vadd.s32 s5, v25;
	[tilespmem:s31+$0x90] =	vst v1  }
0x1db: {  	s12 =	simm.s32 $0xC33;
	v11 =	vadd.s32 s3, v25;
	[tilespmem:s31+$0xFFFFFF90] =	vst v3;
	v1 =	vld.idx.msk [tilespmem:v41+s20+$0x0], $0xffff  }
0x1dc: {  	s14 =	simm.s32 $0xC31;
	v3 =	vadd.s32 s12, v25;
	v43 =	vld.idx.msk [tilespmem:v5+s20+$0x0], $0xffff  }
0x1dd: {  	s2 =	simm.s32 $0x4;
	[tilespmem:s31+$0x10] =	vst v4;
	v4 =	vadd.s32 s14, v25  }
0x1de: {  	s15 =	simm.s32 $0xC32;
	[tilespmem:s31+$0xFFFFFF10] =	vst v6;
	v6 =	vadd.s32 s2, v25;
	v0 =	vld.idx.msk [tilespmem:v42+s20+$0x0], $0xffff  }
0x1df: {  	s5 =	simm.s32 $0xC30;
	s12 =	simm.s32 $0x5;
	v5 =	vadd.s32 s15, v25;
	v7 =	vld.idx.msk [tilespmem:v7+s20+$0x0], $0xffff  }
0x1e0: {  	v13 =	vld.idx.msk [tilespmem:v11+s20+$0x0], $0xffff;
	v8 =	vadd.s32 s5, v25;
	v44 =	vadd.s32 s12, v25;
	s12 =	simm.s32 $0x7;
	[tilespmem:s31+$0xA0] =	vst v1  }
0x1e1: {  	v9 =	vadd.s32 s12, v25;
	[tilespmem:s31+$0xFFFFFFA0] =	vst v43;
	v45 =	vld.idx.msk [tilespmem:v3+s20+$0x0], $0xffff  }
0x1e2: {  	s14 =	simm.s32 $0x1043;
	v3 =	vld.idx.msk [tilespmem:v4+s20+$0x0], $0xffff  }
0x1e3: {  	s15 =	simm.s32 $0x1041;
	v46 =	vadd.s32 s14, v25;
	v6 =	vld.idx.msk [tilespmem:v6+s20+$0x0], $0xffff;
	[tilespmem:s31+$0x20] =	vst v0  }
0x1e4: {  	s5 =	simm.s32 $0x1042;
	[tilespmem:s31+$0xFFFFFF20] =	vst v7;
	v4 =	vld.idx.msk [tilespmem:v5+s20+$0x0], $0xffff;
	v5 =	vadd.s32 s15, v25  }
0x1e5: {  	s14 =	simm.s32 $0x1040;
	v7 =	vadd.s32 s5, v25;
	v8 =	vld.idx.msk [tilespmem:v8+s20+$0x0], $0xffff  }
0x1e6: {  	v47 =	vadd.s32 s14, v25;
	s15 =	simm.s32 $0x6;
	v48 =	vld.idx.msk [tilespmem:v9+s20+$0x0], $0xffff;
	[tilespmem:s31+$0xB0] =	vst v45  }
0x1e7: {  	v1 =	vld.idx.msk [tilespmem:v44+s20+$0x0], $0xffff;
	[tilespmem:s31+$0xFFFFFFB0] =	vst v3;
	v3 =	vadd.s32 s15, v25;
	s15 =	simm.s32 $0x417  }
0x1e8: {  	s12 =	simm.s32 $0x1451;
	s5 =	simm.s32 $0x1453;
	v0 =	vld.idx.msk [tilespmem:v46+s20+$0x0], $0xffff;
	v12 =	vadd.s32 s15, v25  }
0x1e9: {  	v10 =	vadd.s32 s12, v25;
	s12 =	simm.s32 $0x415;
	[tilespmem:s31+$0x30] =	vst v4;
	v4 =	vadd.s32 s5, v25;
	v5 =	vld.idx.msk [tilespmem:v5+s20+$0x0], $0xffff  }
0x1ea: {  	v50 =	vadd.s32 s12, v25;
	[tilespmem:s31+$0xFFFFFF30] =	vst v8;
	s5 =	simm.s32 $0xA480;
	v7 =	vld.idx.msk [tilespmem:v7+s20+$0x0], $0xffff  }
0x1eb: {  	s14 =	simm.s32 $0x1452;
	v2 =	vld.idx.msk [tilespmem:v47+s20+$0x0], $0xffff;
	[tilespmem:s5+$0x80] =	vst v48  }
0x1ec: {  	v49 =	vadd.s32 s14, v25;
	s14 =	simm.s32 $0x1863;
	s15 =	simm.s32 $0x414;
	[tilespmem:s5+$0xFFFFFF80] =	vst v1;
	v3 =	vld.idx.msk [tilespmem:v3+s20+$0x0], $0xffff  }
0x1ed: {  	s12 =	simm.s32 $0x416;
	v51 =	vadd.s32 s14, v25;
	s14 =	simm.s32 $0x1450;
	v52 =	vadd.s32 s15, v25;
	[tilespmem:s31+$0xC0] =	vst v0;
	v53 =	vld.idx.msk [tilespmem:v12+s20+$0x0], $0xffff  }
0x1ee: {  	v54 =	vadd.s32 s14, v25;
	s14 =	simm.s32 $0x827;
	[tilespmem:s31+$0xFFFFFFC0] =	vst v5;
	v5 =	vadd.s32 s12, v25;
	v4 =	vld.idx.msk [tilespmem:v4+s20+$0x0], $0xffff  }
0x1ef: {  	[tilespmem:s5+$0xFFFFFF00] =	vst v6;
	v0 =	vld.idx.msk [tilespmem:v50+s20+$0x0], $0xffff;
	v12 =	vadd.s32 s14, v25  }
0x1f0: {  	[tilespmem:s31+$0x40] =	vst v7;
	v10 =	vld.idx.msk [tilespmem:v10+s20+$0x0], $0xffff  }
0x1f1: {  	s15 =	simm.s32 $0x1861;
	v7 =	vld.idx.msk [tilespmem:v49+s20+$0x0], $0xffff;
	[tilespmem:s5+$0x0] =	vst v3  }
0x1f2: {  	v55 =	vld.idx.msk [tilespmem:v52+s20+$0x0], $0xffff;
	v3 =	vadd.s32 s15, v25;
	s15 =	simm.s32 $0x825;
	[tilespmem:s5+$0x90] =	vst v53  }
0x1f3: {  	v5 =	vld.idx.msk [tilespmem:v5+s20+$0x0], $0xffff;
	[tilespmem:s31+$0xD0] =	vst v4;
	v4 =	vadd.s32 s15, v25;
	s15 =	simm.s32 $0x826  }
0x1f4: {  	s12 =	simm.s32 $0xC37;
	v60 =	vld.idx.msk [tilespmem:v12+s20+$0x0], $0xffff;
	v56 =	vadd.s32 s15, v25  }
0x1f5: {  	[tilespmem:s31+$0xFFFFFF40] =	vst v2;
	s14 =	simm.s32 $0x1C73;
	v12 =	vadd.s32 s12, v25;
	v6 =	vld.idx.msk [tilespmem:v51+s20+$0x0], $0xffff  }
0x1f6: {  	v2 =	vld.idx.msk [tilespmem:v54+s20+$0x0], $0xffff;
	v57 =	vadd.s32 s14, v25;
	[tilespmem:s31+$0xFFFFFFD0] =	vst v10;
	s15 =	simm.s32 $0x824  }
0x1f7: {  	s14 =	simm.s32 $0x1862;
	[tilespmem:s5+$0xFFFFFF90] =	vst v0;
	v58 =	vadd.s32 s15, v25;
	v59 =	vld.idx.msk [tilespmem:v3+s20+$0x0], $0xffff  }
0x1f8: {  	s15 =	simm.s32 $0x1860;
	v3 =	vadd.s32 s14, v25;
	s14 =	simm.s32 $0xC36;
	[tilespmem:s5+$0x10] =	vst v5;
	v4 =	vld.idx.msk [tilespmem:v4+s20+$0x0], $0xffff  }
0x1f9: {  	v5 =	vadd.s32 s15, v25;
	v61 =	vadd.s32 s14, v25;
	s14 =	simm.s32 $0x1C71;
	[tilespmem:s5+$0xA0] =	vst v60;
	v11 =	vld.idx.msk [tilespmem:v56+s20+$0x0], $0xffff  }
0x1fa: {  	s15 =	simm.s32 $0xC35;
	v63 =	vadd.s32 s14, v25;
	[tilespmem:s31+$0xE0] =	vst v6;
	v17 =	vld.idx.msk [tilespmem:v12+s20+$0x0], $0xffff  }
0x1fb: {  	[tilespmem:s5+$0xFFFFFF10] =	vst v55;
	v6 =	vadd.s32 s15, v25;
	v8 =	vld.idx.msk [tilespmem:v57+s20+$0x0], $0xffff  }
0x1fc: {  	[tilespmem:s31+$0x50] =	vst v7;
	s15 =	simm.s32 $0x9;
	v9 =	vld.idx.msk [tilespmem:v58+s20+$0x0], $0xffff  }
0x1fd: {  	[tilespmem:s31+$0xFFFFFF50] =	vst v2;
	v7 =	vadd.s32 s15, v25;
	s15 =	simm.s32 $0xC34;
	v62 =	vld.idx.msk [tilespmem:v3+s20+$0x0], $0xffff  }
0x1fe: {  	v3 =	vadd.s32 s15, v25;
	s15 =	simm.s32 $0x1C72;
	[tilespmem:s31+$0xFFFFFFE0] =	vst v59;
	v14 =	vld.idx.msk [tilespmem:v5+s20+$0x0], $0xffff  }
0x1ff: {  	s14 =	simm.s32 $0x1047;
	v21 =	vadd.s32 s15, v25;
	[tilespmem:s5+$0xFFFFFFA0] =	vst v4;
	v20 =	vld.idx.msk [tilespmem:v63+s20+$0x0], $0xffff  }
0x200: {  	v22 =	vadd.s32 s14, v25;
	s15 =	simm.s32 $0x1045;
	v15 =	vld.idx.msk [tilespmem:v6+s20+$0x0], $0xffff;
	[tilespmem:s5+$0x20] =	vst v11  }
0x201: {  	s14 =	simm.s32 $0x1046;
	v23 =	vadd.s32 s15, v25;
	v16 =	vld.idx.msk [tilespmem:v61+s20+$0x0], $0xffff;
	[tilespmem:s31+$0xF0] =	vst v8  }
0x202: {  	v24 =	vadd.s32 s14, v25;
	s15 =	simm.s32 $0x1C70;
	v5 =	vld.idx.msk [tilespmem:v7+s20+$0x0], $0xffff;
	[tilespmem:s5+$0xFFFFFF20] =	vst v9  }
0x203: {  	s12 =	simm.s32 $0xC;
	s14 =	simm.s32 $0xB;
	v18 =	vadd.s32 s15, v25;
	v19 =	vld.idx.msk [tilespmem:v3+s20+$0x0], $0xffff;
	[tilespmem:s31+$0x60] =	vst v62  }
.LBB2_5:
0x204: {  	p1 =	slt.u32 s12, $0x3C;
	v0 =	vadd.s32 s14, v25;
	s14 =	sadd.s32 $0x1040, s2;
	[tilespmem:s5+$0xB0] =	vst v17;
	v1 =	vld.idx.msk [tilespmem:v21+s20+$0x0], $0xffff  }
0x205: {  	s15 =	sadd.s32 $0x2, s3;
	v2 =	vadd.s32 s14, v25;
	[tilespmem:s5+$0xFFFFFFB0] =	vst v15;
	v3 =	vld.idx.msk [tilespmem:v22+s20+$0x0], $0xffff  }
0x206: {  	v4 =	vadd.s32 s15, v25;
	s14 =	sadd.s32 $0x1453, s2;
	v6 =	vld.idx.msk [tilespmem:v23+s20+$0x0], $0xffff;
	[tilespmem:s5+$0x30] =	vst v16  }
0x207: {  	s15 =	sadd.s32 $0x1451, s2;
	v8 =	vadd.s32 s14, v25;
	v7 =	vld.idx.msk [tilespmem:v24+s20+$0x0], $0xffff;
	[tilespmem:s31+$0xFFFFFF60] =	vst v14  }
0x208: {  	v9 =	vadd.s32 s15, v25;
	s14 =	sadd.s32 $0x1452, s2;
	[tilespmem:s5+$0xFFFFFF30] =	vst v19;
	v10 =	vld.idx.msk [tilespmem:v18+s20+$0x0], $0xffff  }
0x209: {  	v11 =	vadd.s32 s14, v25;
	v0 =	vld.idx.msk [tilespmem:v0+s20+$0x0], $0xffff;
	[tilespmem:s31+$0xFFFFFFF0] =	vst v20  }
0x20a: {  	v12 =	vadd.s32 s12, v25;
	s14 =	sadd.s32 $0x413, s3;
	v2 =	vld.idx.msk [tilespmem:v2+s20+$0x0], $0xffff;
	[tilespmem:s31+$0x70] =	vst v1  }
0x20b: {  	s15 =	sadd.s32 $0x411, s3;
	v1 =	vld.idx.msk [tilespmem:v4+s20+$0x0], $0xffff;
	v4 =	vadd.s32 s14, v25;
	[tilespmem:s5+$0xC0] =	vst v3  }
0x20c: {  	v3 =	vadd.s32 s15, v25;
	s14 =	sadd.s32 $0x412, s3;
	[tilespmem:s5+$0xFFFFFFC0] =	vst v6;
	v6 =	vld.idx.msk [tilespmem:v8+s20+$0x0], $0xffff  }
0x20d: {  	v8 =	vadd.s32 s14, v25;
	s14 =	sadd.s32 $0x1863, s2;
	v9 =	vld.idx.msk [tilespmem:v9+s20+$0x0], $0xffff;
	[tilespmem:s5+$0x40] =	vst v7  }
0x20e: {  	s15 =	sadd.s32 $0x410, s3;
	v7 =	vld.idx.msk [tilespmem:v11+s20+$0x0], $0xffff;
	v11 =	vadd.s32 s14, v25;
	[tilespmem:s31+$0xFFFFFF70] =	vst v10;
	s31 =	smov.u32 s5;
	s5 =	sadd.s32 $0x200, s5  }
0x20f: {  	s14 =	sadd.s32 $0x1450, s2;
	v10 =	vld.idx.msk [tilespmem:v12+s20+$0x0], $0xffff;
	v12 =	vadd.s32 s15, v25;
	[tilespmem:s5+$0x80] =	vst v0  }
0x210: {  	[tilespmem:s5+$0xFFFFFF80] =	vst v5;
	v0 =	vld.idx.msk [tilespmem:v4+s20+$0x0], $0xffff;
	v4 =	vadd.s32 s14, v25;
	s14 =	sadd.s32 $0x1861, s2  }
0x211: {  	s15 =	sadd.s32 $0x823, s3;
	v3 =	vld.idx.msk [tilespmem:v3+s20+$0x0], $0xffff;
	[tilespmem:s5+$0x0] =	vst v1;
	v1 =	vadd.s32 s14, v25  }
0x212: {  	s14 =	sadd.s32 $0x821, s3;
	v5 =	vld.idx.msk [tilespmem:v8+s20+$0x0], $0xffff;
	v8 =	vadd.s32 s15, v25;
	[tilespmem:s31+$0xD0] =	vst v6  }
0x213: {  	v6 =	vadd.s32 s14, v25;
	s14 =	sadd.s32 $0x822, s3;
	[tilespmem:s5+$0xFFFFFF00] =	vst v13;
	v11 =	vld.idx.msk [tilespmem:v11+s20+$0x0], $0xffff  }
0x214: {  	v14 =	vadd.s32 s14, v25;
	s14 =	sadd.s32 $0x1C73, s2;
	v12 =	vld.idx.msk [tilespmem:v12+s20+$0x0], $0xffff;
	[tilespmem:s31+$0xFFFFFF40] =	vst v2  }
0x215: {  	s15 =	sadd.s32 $0x820, s3;
	v13 =	vmov v10;
	v2 =	vld.idx.msk [tilespmem:v4+s20+$0x0], $0xffff;
	[tilespmem:s31+$0xFFFFFFD0] =	vst v9;
	v4 =	vadd.s32 s14, v25  }
0x216: {  	v9 =	vadd.s32 s15, v25;
	s14 =	sadd.s32 $0x1862, s2;
	[tilespmem:s5+$0x90] =	vst v0;
	v0 =	vld.idx.msk [tilespmem:v1+s20+$0x0], $0xffff  }
0x217: {  	s15 =	sadd.s32 $0x1860, s2;
	[tilespmem:s5+$0xFFFFFF90] =	vst v3;
	v1 =	vld.idx.msk [tilespmem:v8+s20+$0x0], $0xffff;
	v3 =	vadd.s32 s14, v25  }
0x218: {  	s14 =	sadd.s32 $0xC33, s3;
	v6 =	vld.idx.msk [tilespmem:v6+s20+$0x0], $0xffff;
	[tilespmem:s5+$0x10] =	vst v5;
	v5 =	vadd.s32 s15, v25  }
0x219: {  	s15 =	sadd.s32 $0xC31, s3;
	v10 =	vadd.s32 s14, v25;
	v8 =	vld.idx.msk [tilespmem:v14+s20+$0x0], $0xffff;
	[tilespmem:s31+$0xE0] =	vst v11  }
0x21a: {  	s14 =	sadd.s32 $0xC32, s3;
	v11 =	vadd.s32 s15, v25;
	[tilespmem:s5+$0xFFFFFF10] =	vst v12;
	v4 =	vld.idx.msk [tilespmem:v4+s20+$0x0], $0xffff  }
0x21b: {  	s15 =	sadd.s32 $0x1, s12;
	v12 =	vadd.s32 s14, v25;
	v9 =	vld.idx.msk [tilespmem:v9+s20+$0x0], $0xffff;
	[tilespmem:s31+$0x50] =	vst v7  }
0x21c: {  	s14 =	sadd.s32 $0xC30, s3;
	v7 =	vadd.s32 s15, v25;
	[tilespmem:s31+$0xFFFFFF50] =	vst v2;
	v2 =	vld.idx.msk [tilespmem:v3+s20+$0x0], $0xffff  }
0x21d: {  	v3 =	vadd.s32 s14, v25;
	s14 =	sadd.s32 $0x1C71, s2;
	[tilespmem:s5+$0xA0] =	vst v1;
	v14 =	vld.idx.msk [tilespmem:v5+s20+$0x0], $0xffff  }
0x21e: {  	v1 =	vadd.s32 s14, v25;
	s14 =	sadd.s32 $0x1C72, s2;
	[tilespmem:s5+$0xFFFFFFA0] =	vst v6;
	v17 =	vld.idx.msk [tilespmem:v10+s20+$0x0], $0xffff  }
.Ltmp1:
0x21f: {  	s15 =	sadd.s32 $0x1043, s3;
	v21 =	vadd.s32 s14, v25;
	v15 =	vld.idx.msk [tilespmem:v11+s20+$0x0], $0xffff;
	[tilespmem:s5+$0x20] =	vst v8;
	(pc) =	sbr.rel @p1 .LBB2_5-.Ltmp1, $4  }
0x220: {  	v22 =	vadd.s32 s15, v25;
	s14 =	sadd.s32 $0x1041, s3;
	v16 =	vld.idx.msk [tilespmem:v12+s20+$0x0], $0xffff;
	[tilespmem:s31+$0xF0] =	vst v4  }
0x221: {  	v23 =	vadd.s32 s14, v25;
	s14 =	sadd.s32 $0x1042, s3;
	v5 =	vld.idx.msk [tilespmem:v7+s20+$0x0], $0xffff;
	[tilespmem:s5+$0xFFFFFF20] =	vst v9  }
0x222: {  	s15 =	sadd.s32 $0x1C70, s2;
	s2 =	smov.u32 s3;
	s3 =	smov.u32 s12;
	v24 =	vadd.s32 s14, v25;
	v19 =	vld.idx.msk [tilespmem:v3+s20+$0x0], $0xffff;
	[tilespmem:s31+$0xFFFFFFE0] =	vst v0  }
0x223: {  	v18 =	vadd.s32 s15, v25;
	s12 =	sadd.s32 $0x4, s12;
	s14 =	sadd.s32 $0x3, s3;
	v20 =	vld.idx.msk [tilespmem:v1+s20+$0x0], $0xffff;
	[tilespmem:s31+$0x60] =	vst v2  }
0x224: {  	_ =	sdelay $0x2  }
0x225: {  	v0 =	vadd.s32 s14, v25;
	[tilespmem:s5+$0xB0] =	vst v17  }
0x226: {  	v1 =	vld.idx.msk [tilespmem:v21+s20+$0x0], $0xffff;
	s12 =	sadd.s32 $0x2, s3;
	[tilespmem:s5+$0xFFFFFFB0] =	vst v15  }
0x227: {  	[tilespmem:s31+$0xFFFFFF60] =	vst v14;
	v2 =	vld.idx.msk [tilespmem:v22+s20+$0x0], $0xffff;
	v3 =	vadd.s32 s12, v25  }
0x228: {  	[tilespmem:s5+$0x30] =	vst v16;
	v4 =	vld.idx.msk [tilespmem:v23+s20+$0x0], $0xffff;
	s12 =	sadd.s32 $0x200, s5  }
0x229: {  	s15 =	sadd.s32 $0x1453, s2;
	v6 =	vld.idx.msk [tilespmem:v24+s20+$0x0], $0xffff;
	[tilespmem:s12+$0xFFFFFF80] =	vst v5  }
0x22a: {  	s14 =	sadd.s32 $0x413, s3;
	v7 =	vadd.s32 s15, v25;
	[tilespmem:s12+$0xFFFFFF00] =	vst v13;
	v0 =	vld.idx.msk [tilespmem:v0+s20+$0x0], $0xffff  }
0x22b: {  	s15 =	sadd.s32 $0x411, s3;
	[tilespmem:s31+$0x70] =	vst v1;
	v1 =	vadd.s32 s14, v25  }
0x22c: {  	v3 =	vld.idx.msk [tilespmem:v3+s20+$0x0], $0xffff;
	[tilespmem:s5+$0xC0] =	vst v2;
	v2 =	vadd.s32 s15, v25;
	s15 =	sadd.s32 $0x412, s3  }
0x22d: {  	s14 =	sadd.s32 $0x410, s3;
	[tilespmem:s5+$0xFFFFFFC0] =	vst v4;
	v4 =	vadd.s32 s15, v25  }
0x22e: {  	v8 =	vld.idx.msk [tilespmem:v18+s20+$0x0], $0xffff;
	s15 =	sadd.s32 $0x1040, s2;
	[tilespmem:s5+$0x40] =	vst v6;
	v6 =	vadd.s32 s14, v25  }
0x22f: {  	v7 =	vld.idx.msk [tilespmem:v7+s20+$0x0], $0xffff;
	v9 =	vadd.s32 s15, v25;
	s15 =	sadd.s32 $0x1451, s2;
	[tilespmem:s12+$0x80] =	vst v0  }
0x230: {  	[tilespmem:s5+$0xFFFFFF30] =	vst v19;
	v0 =	vadd.s32 s15, v25;
	s15 =	sadd.s32 $0x823, s3;
	v1 =	vld.idx.msk [tilespmem:v1+s20+$0x0], $0xffff  }
0x231: {  	v2 =	vld.idx.msk [tilespmem:v2+s20+$0x0], $0xffff;
	[tilespmem:s12+$0x0] =	vst v3;
	v3 =	vadd.s32 s15, v25;
	s15 =	sadd.s32 $0x821, s3  }
0x232: {  	[tilespmem:s31+$0xFFFFFFF0] =	vst v20;
	v4 =	vld.idx.msk [tilespmem:v4+s20+$0x0], $0xffff;
	v5 =	vadd.s32 s15, v25;
	s15 =	sadd.s32 $0x822, s3  }
0x233: {  	[tilespmem:s31+$0xFFFFFF70] =	vst v8;
	s14 =	sadd.s32 $0x820, s3;
	v6 =	vld.idx.msk [tilespmem:v6+s20+$0x0], $0xffff;
	v8 =	vadd.s32 s15, v25  }
0x234: {  	[tilespmem:s5+$0xD0] =	vst v7;
	v7 =	vadd.s32 s14, v25;
	v9 =	vld.idx.msk [tilespmem:v9+s20+$0x0], $0xffff;
	s15 =	sadd.s32 $0x1863, s2  }
0x235: {  	s14 =	sadd.s32 $0x1452, s2;
	v10 =	vadd.s32 s15, v25;
	v0 =	vld.idx.msk [tilespmem:v0+s20+$0x0], $0xffff;
	[tilespmem:s12+$0x90] =	vst v1  }
0x236: {  	v1 =	vadd.s32 s14, v25;
	[tilespmem:s12+$0xFFFFFF90] =	vst v2;
	s14 =	sadd.s32 $0xC33, s3;
	v2 =	vld.idx.msk [tilespmem:v3+s20+$0x0], $0xffff  }
0x237: {  	s15 =	sadd.s32 $0xC31, s3;
	v3 =	vld.idx.msk [tilespmem:v5+s20+$0x0], $0xffff;
	[tilespmem:s12+$0x10] =	vst v4;
	v4 =	vadd.s32 s14, v25  }
0x238: {  	[tilespmem:s12+$0xFFFFFF10] =	vst v6;
	v6 =	vadd.s32 s15, v25;
	s15 =	sadd.s32 $0xC32, s3;
	v5 =	vld.idx.msk [tilespmem:v8+s20+$0x0], $0xffff  }
0x239: {  	s14 =	sadd.s32 $0xC30, s3;
	[tilespmem:s5+$0xFFFFFF40] =	vst v9;
	v7 =	vld.idx.msk [tilespmem:v7+s20+$0x0], $0xffff;
	v8 =	vadd.s32 s15, v25  }
0x23a: {  	s15 =	sadd.s32 $0x1450, s2;
	v46 =	vld.idx.msk [tilespmem:v10+s20+$0x0], $0xffff;
	[tilespmem:s5+$0xFFFFFFD0] =	vst v0;
	v0 =	vadd.s32 s14, v25  }
0x23b: {  	v47 =	vadd.s32 s15, v25;
	s15 =	sadd.s32 $0x1C73, s2;
	v1 =	vld.idx.msk [tilespmem:v1+s20+$0x0], $0xffff;
	[tilespmem:s12+$0xA0] =	vst v2  }
0x23c: {  	s14 =	sadd.s32 $0x1043, s3;
	v2 =	vadd.s32 s15, v25;
	[tilespmem:s12+$0xFFFFFFA0] =	vst v3;
	v3 =	vld.idx.msk [tilespmem:v4+s20+$0x0], $0xffff  }
0x23d: {  	s15 =	sadd.s32 $0x1041, s3;
	v4 =	vld.idx.msk [tilespmem:v6+s20+$0x0], $0xffff;
	[tilespmem:s12+$0x20] =	vst v5;
	v5 =	vadd.s32 s14, v25  }
0x23e: {  	[tilespmem:s12+$0xFFFFFF20] =	vst v7;
	v7 =	vadd.s32 s15, v25;
	s15 =	sadd.s32 $0x1042, s3;
	v6 =	vld.idx.msk [tilespmem:v8+s20+$0x0], $0xffff  }
0x23f: {  	s14 =	sadd.s32 $0x1040, s3;
	[tilespmem:s5+$0xE0] =	vst v46;
	v8 =	vadd.s32 s15, v25;
	v0 =	vld.idx.msk [tilespmem:v0+s20+$0x0], $0xffff  }
0x240: {  	s15 =	sadd.s32 $0x1861, s2;
	v48 =	vld.idx.msk [tilespmem:v47+s20+$0x0], $0xffff;
	[tilespmem:s5+$0x50] =	vst v1;
	v1 =	vadd.s32 s14, v25  }
0x241: {  	v49 =	vadd.s32 s15, v25;
	s15 =	sadd.s32 $0x1862, s2;
	v2 =	vld.idx.msk [tilespmem:v2+s20+$0x0], $0xffff;
	[tilespmem:s12+$0xB0] =	vst v3  }
0x242: {  	s14 =	sadd.s32 $0x1453, s3;
	v3 =	vadd.s32 s15, v25;
	[tilespmem:s12+$0xFFFFFFB0] =	vst v4;
	v4 =	vld.idx.msk [tilespmem:v5+s20+$0x0], $0xffff  }
0x243: {  	s15 =	sadd.s32 $0x1451, s3;
	v5 =	vld.idx.msk [tilespmem:v7+s20+$0x0], $0xffff;
	[tilespmem:s12+$0x30] =	vst v6;
	v6 =	vadd.s32 s14, v25  }
0x244: {  	v7 =	vld.idx.msk [tilespmem:v8+s20+$0x0], $0xffff;
	[tilespmem:s12+$0xFFFFFF30] =	vst v0;
	v0 =	vadd.s32 s15, v25;
	s15 =	sadd.s32 $0x1452, s3  }
0x245: {  	[tilespmem:s5+$0xFFFFFF50] =	vst v48;
	s14 =	sadd.s32 $0x1450, s3;
	v8 =	vadd.s32 s15, v25;
	v1 =	vld.idx.msk [tilespmem:v1+s20+$0x0], $0xffff  }
0x246: {  	v50 =	vld.idx.msk [tilespmem:v49+s20+$0x0], $0xffff;
	s15 =	sadd.s32 $0x1860, s2;
	[tilespmem:s5+$0xF0] =	vst v2;
	v2 =	vadd.s32 s14, v25  }
0x247: {  	v51 =	vadd.s32 s15, v25;
	s15 =	sadd.s32 $0x1C71, s2;
	v3 =	vld.idx.msk [tilespmem:v3+s20+$0x0], $0xffff;
	[tilespmem:s12+$0xC0] =	vst v4  }
0x248: {  	v4 =	vadd.s32 s15, v25;
	[tilespmem:s12+$0xFFFFFFC0] =	vst v5;
	s15 =	sadd.s32 $0x1863, s3;
	v5 =	vld.idx.msk [tilespmem:v6+s20+$0x0], $0xffff  }
0x249: {  	v0 =	vld.idx.msk [tilespmem:v0+s20+$0x0], $0xffff;
	[tilespmem:s12+$0x40] =	vst v7;
	v6 =	vadd.s32 s15, v25;
	s15 =	sadd.s32 $0x1861, s3  }
0x24a: {  	s14 =	sadd.s32 $0x1862, s3;
	v7 =	vld.idx.msk [tilespmem:v8+s20+$0x0], $0xffff;
	v8 =	vadd.s32 s15, v25;
	[tilespmem:s12+$0xFFFFFF40] =	vst v1  }
0x24b: {  	[tilespmem:s5+$0xFFFFFFE0] =	vst v50;
	s15 =	sadd.s32 $0x1860, s3;
	v1 =	vld.idx.msk [tilespmem:v2+s20+$0x0], $0xffff;
	v2 =	vadd.s32 s14, v25  }
0x24c: {  	v52 =	vld.idx.msk [tilespmem:v51+s20+$0x0], $0xffff;
	s14 =	sadd.s32 $0x1C72, s2;
	[tilespmem:s5+$0x60] =	vst v3;
	v3 =	vadd.s32 s15, v25  }
0x24d: {  	v53 =	vadd.s32 s14, v25;
	s14 =	sadd.s32 $0x1C70, s2;
	v4 =	vld.idx.msk [tilespmem:v4+s20+$0x0], $0xffff;
	[tilespmem:s12+$0xD0] =	vst v5  }
0x24e: {  	s15 =	sadd.s32 $0x1C73, s3;
	v5 =	vadd.s32 s14, v25;
	[tilespmem:s12+$0xFFFFFFD0] =	vst v0;
	v6 =	vld.idx.msk [tilespmem:v6+s20+$0x0], $0xffff  }
0x24f: {  	v0 =	vadd.s32 s15, v25;
	s14 =	sadd.s32 $0x1C71, s3;
	v8 =	vld.idx.msk [tilespmem:v8+s20+$0x0], $0xffff;
	[tilespmem:s12+$0x50] =	vst v7  }
0x250: {  	s15 =	sadd.s32 $0x1C72, s3;
	[tilespmem:s12+$0xFFFFFF50] =	vst v1;
	v1 =	vld.idx.msk [tilespmem:v2+s20+$0x0], $0xffff;
	v2 =	vadd.s32 s14, v25  }
0x251: {  	s3 =	sadd.s32 $0x1C70, s3;
	v7 =	vadd.s32 s15, v25;
	[tilespmem:s5+$0xFFFFFF60] =	vst v52;
	v3 =	vld.idx.msk [tilespmem:v3+s20+$0x0], $0xffff  }
0x252: {  	v54 =	vld.idx.msk [tilespmem:v53+s20+$0x0], $0xffff;
	[tilespmem:s5+$0xFFFFFFF0] =	vst v4;
	v4 =	vadd.s32 s3, v25  }
0x253: {  	v5 =	vld.idx.msk [tilespmem:v5+s20+$0x0], $0xffff;
	[tilespmem:s12+$0xE0] =	vst v6  }
0x254: {  	[tilespmem:s12+$0xFFFFFFE0] =	vst v8;
	v0 =	vld.idx.msk [tilespmem:v0+s20+$0x0], $0xffff  }
0x255: {  	v2 =	vld.idx.msk [tilespmem:v2+s20+$0x0], $0xffff;
	[tilespmem:s12+$0x60] =	vst v1  }
0x256: {  	v1 =	vld.idx.msk [tilespmem:v7+s20+$0x0], $0xffff;
	[tilespmem:s12+$0xFFFFFF60] =	vst v3  }
0x257: {  	[tilespmem:s5+$0x70] =	vst v54;
	v3 =	vld.idx.msk [tilespmem:v4+s20+$0x0], $0xffff  }
0x258: {  	[tilespmem:s5+$0xFFFFFF70] =	vst v5  }
0x259: {  	s5 =	sshll.u32 s30, $0x13;
	[tilespmem:s12+$0xF0] =	vst v0  }
0x25a: {  	s31 =	sor.u32 $0x1, s0;
	s2 =	sor.u32 s8, s5;
	[tilespmem:s12+$0xFFFFFFF0] =	vst v2  }
0x25b: {  	p1 =	sgt.u32 s31, $0xC6;
	s2 =	sshrl.u32 s2, $0x3;
	[tilespmem:s12+$0x70] =	vst v1  }
0x25c: {  	s0 =	sadd.s32 @!p1 $0x2, s0;
	s2 =	sadd.s32 s4, s2;
	[tilespmem:s12+$0xFFFFFF70] =	vst v3  }
0x25d: {  	[hbm4b:s2+s21] =	stream.strided.scatter [tilespmem:s23], [sflag:$0x3], $0x2000, s22, s21, $0x38;
	[tilespmem:$0x14680] =	vst v63  }
0x25e: {  	s2 =	sshll.u32 @!p1 s0, $0x7;
	s0 =	sshll.u32 @!p1 s0, $0xC  }
0x25f: {  	s2 =	sand.u32 @!p1 $0x300, s2;
	s0 =	sand.u32 @!p1 $0x1F8000, s0  }
0x260: {  	s0 =	sor.u32 @!p1 s0, s2  }
0x261: {  	s0 =	sor.u32 @!p1 s8, s0  }
0x262: {  	s0 =	sshrl.u32 @!p1 s0, $0x3  }
0x263: {  	s2 =	simm.s32 @!p1 $0x0;
	s0 =	sadd.s32 @!p1 s1, s0  }
0x264: {  	[tilespmem:s2], [sflag:$0x5] =	stream.linear.gather @!p1 [hbm4b:s0+s2], $0x80, $0x38;
	[tilespmem:$0x14680] =	vst v63  }
0x265: {  	s0 =	simm.s32 @!p1 $0x5  }
0x266: {  	_ =	swait.ge @!p1 [sflag:s0], $0x80  }
0x267: {  	[sflag:s0] =	ssyncset.done @!p1 $0x0  }
0x268: {  	s3 =	simm.s32 @!p1 $0x100;
	[sflag:s0] =	ssyncadd.s32 @!p1 $0xFFFFFF80;
	s0 =	simm.s32 @!p1 $0x80  }
0x269: {  	[tilespmem:s3], [sflag:$0x1] =	stream.indirect.gather @!p1 [hbm4b:s7+s0], $0x80, s2, s0, $0xb8;
	[tilespmem:$0x14680] =	vst v63  }
0x26a: {  	s0 =	simm.s32 @!p0 $0x4  }
0x26b: {  	_ =	swait.ge @!p0 [sflag:s0], $0x2000  }
0x26c: {  	[sflag:s0] =	ssyncset.done @!p0 $0x0  }
0x26d: {  	[sflag:s0] =	ssyncadd.s32 @!p0 $0xFFFFE000  }
0x26e: {  	_ =	swait.ge [sflag:s24], $0x4000  }
0x26f: {  	s14 =	sshll.u32 s31, $0x7;
	[sflag:s24] =	ssyncset.done $0x0  }
0x270: {  	s0 =	sand.u32 $0x3FFFFF80, s14;
	[sflag:s24] =	ssyncadd.s32 $0xFFFFC000  }
0x271: {  	v49 =	vld [tilespmem:s0+$0xE180]  }
0x272: {  	v61 =	vld [tilespmem:s0+$0xE190]  }
0x273: {  	s15 =	simm.s32 $0x44B0;
	v62 =	vld [tilespmem:s0+$0xE1A0]  }
0x274: {  	v2 =	vld [tilespmem:s15+$0xFFFFFFF0]  }
0x275: {  	v63 =	vld [tilespmem:s0+$0xE1B0]  }
0x276: {  	v0 =	vld [tilespmem:s15+$0xFFFFFFD0]  }
0x277: {  	v1 =	vld [tilespmem:s15+$0xFFFFFFE0]  }
0x278: {  	v3 =	vld [tilespmem:s15+$0x0]  }
0x279: {  	v41 =	vld [tilespmem:$0x1FFB0];
	v5 =	vadd.f32 v2, v62  }
0x27a: {  	v44 =	vld [tilespmem:$0x1FFC0]  }
0x27b: {  	v19 =	vadd.f32 v0, v49;
	v0 =	vld [tilespmem:s15+$0xFFFFFC60];
	[tilespmem:$0x1FCB0] =	vst v5  }
0x27c: {  	v18 =	vadd.f32 v1, v61;
	v1 =	vld [tilespmem:s15+$0xFFFFFC70]  }
0x27d: {  	v17 =	vadd.f32 v3, v63;
	v3 =	vld [tilespmem:s15+$0xFFFFFC80]  }
0x27e: {  	v2 =	vadd.f32 v18, v19;
	v8 =	vld [tilespmem:s15+$0xFFFFFCD0]  }
0x27f: {  	v4 =	vadd.f32 v17, v5;
	v6 =	vmul.f32 v19, v19;
	v7 =	vmul.f32 v18, v18;
	v11 =	vld [tilespmem:s15+$0xFFFFFCE0]  }
0x280: {  	v55 =	vmul.f32 v5, v5;
	v56 =	vmul.f32 v17, v17;
	v57 =	vld [tilespmem:s15+$0xFFFFFD00]  }
0x281: {  	v58 =	vld [tilespmem:s15+$0xFFFFFD50];
	v2 =	vadd.f32 v4, v2  }
0x282: {  	v12 =	vld [tilespmem:s15+$0xFFFFFD70];
	v6 =	vadd.f32 v7, v6;
	v7 =	vadd.f32 v56, v55  }
0x283: {  	v59 =	vld [tilespmem:s15+$0xFFFFFDF0]  }
0x284: {  	v39 =	vld [tilespmem:s15+$0xFFFFFE70];
	v6 =	vadd.f32 v7, v6;
	v7 =	vperm.xlane v2, v41  }
0x285: {  	v5 =	vld [tilespmem:s15+$0xFFFFFED0];
	v27 =	vadd.f32 v0, v61  }
0x286: {  	v14 =	vld [tilespmem:s15+$0xFFFFFEF0];
	v2 =	vadd.f32 v2, v7;
	v31 =	vadd.f32 v1, v62  }
0x287: {  	v4 =	vld [tilespmem:s15+$0xFFFFFCF0];
	v32 =	vadd.f32 v3, v63;
	v33 =	vadd.f32 v8, v49  }
0x288: {  	v0 =	vld [tilespmem:s15+$0xFFFFFD60];
	v36 =	vadd.f32 v11, v61;
	v28 =	vadd.f32 v57, v63  }
0x289: {  	v22 =	vadd.f32 v58, v49;
	v24 =	vadd.f32 v12, v62  }
0x28a: {  	v7 =	vperm.xlane v6, v41;
	v35 =	vadd.f32 v59, v62;
	v53 =	vadd.f32 v39, v62  }
0x28b: {  	v1 =	vmul.f32 v27, v27;
	v39 =	vadd.f32 v5, v49;
	v15 =	vadd.f32 v14, v62  }
0x28c: {  	v3 =	vld [tilespmem:s15+$0xFFFFFD80];
	v34 =	vadd.f32 v4, v62;
	v20 =	vperm.xlane v2, v44;
	v6 =	vadd.f32 v7, v6  }
0x28d: {  	v8 =	vld [tilespmem:s15+$0xFFFFFDD0];
	v7 =	vmul.f32 v31, v31;
	v29 =	vmul.f32 v32, v32;
	v21 =	vadd.f32 v0, v61  }
0x28e: {  	v45 =	vld [tilespmem:$0x1FFD0];
	v10 =	vadd.f32 v32, v31;
	v11 =	vmul.f32 v33, v33;
	v43 =	vmul.f32 v36, v36  }
0x28f: {  	v12 =	vadd.f32 v36, v33;
	v51 =	vmul.f32 v28, v28;
	v55 =	vmul.f32 v24, v24  }
0x290: {  	v46 =	vld [tilespmem:$0x1FFE0];
	v50 =	vmul.f32 v34, v34;
	v2 =	vadd.f32 v2, v20;
	v9 =	vadd.f32 v21, v22  }
0x291: {  	v4 =	vld [tilespmem:s15+$0xFFFFFDE0];
	v60 =	vperm.xlane v6, v44;
	v7 =	vadd.f32 v29, v7;
	v11 =	vadd.f32 v43, v11  }
0x292: {  	v0 =	vld [tilespmem:s15+$0xFFFFFE00];
	v42 =	vmul.f32 v21, v21;
	v25 =	vadd.f32 v3, v63;
	v26 =	vadd.f32 v8, v49  }
0x293: {  	v3 =	vld [tilespmem:s15+$0xFFFFFE60];
	v8 =	vadd.f32 v28, v34;
	v23 =	vperm.xlane v2, v45;
	v6 =	vadd.f32 v60, v6  }
0x294: {  	v51 =	vadd.f32 v51, v50;
	v52 =	vadd.f32 v25, v24;
	v57 =	vmul.f32 v25, v25  }
0x295: {  	v20 =	vld [tilespmem:s15+$0xFFFFFE50];
	v8 =	vadd.f32 v8, v12;
	v2 =	vadd.f32 v2, v23;
	v30 =	vperm.xlane v6, v45  }
0x296: {  	v59 =	vmul.f32 v26, v26;
	v23 =	vadd.f32 v4, v61;
	v4 =	vld [tilespmem:s15+$0xFFFFFE80];
	v9 =	vadd.f32 v52, v9  }
0x297: {  	v37 =	vperm.xlane v2, v46;
	v6 =	vadd.f32 v30, v6;
	v30 =	vadd.f32 v0, v63;
	v0 =	vld [tilespmem:s15+$0xFFFFFEE0]  }
0x298: {  	v55 =	vadd.f32 v57, v55;
	v38 =	vadd.f32 v3, v61;
	v3 =	vld [tilespmem:s15+$0xFFFFFF00];
	v60 =	vmul.f32 v23, v23  }
0x299: {  	v54 =	vadd.f32 v23, v26;
	v2 =	vadd.f32 v2, v37;
	v40 =	vperm.xlane v6, v46  }
0x29a: {  	v47 =	vld [tilespmem:s15+$0xFFFFFF50];
	v37 =	vadd.f32 v20, v49;
	v12 =	vmul.f32 v38, v38;
	v59 =	vadd.f32 v60, v59  }
0x29b: {  	v48 =	vld [tilespmem:s15+$0xFFFFFC50];
	v20 =	vmul.f32 $1.562500000e-02, v2;
	v2 =	vadd.f32 v40, v6;
	v6 =	vmul.f32 v22, v22  }
0x29c: {  	v56 =	vld [tilespmem:s15+$0xFFFFFF70];
	v40 =	vadd.f32 v4, v63;
	v29 =	vmul.f32 v37, v37;
	v5 =	vadd.f32 v0, v61  }
0x29d: {  	v58 =	vld [tilespmem:s15+$0xFFFFFF80];
	v16 =	vadd.f32 v3, v63;
	v3 =	vadd.f32 v30, v35;
	v2 =	vmul.f32 $1.562500000e-02, v2  }
0x29e: {  	v13 =	vmul.f32 v20, v20;
	v6 =	vadd.f32 v42, v6;
	v12 =	vadd.f32 v12, v29  }
0x29f: {  	v43 =	vmul.f32 v53, v53;
	v4 =	vld [tilespmem:s15+$0xFFFFFF60];
	v17 =	vsub.f32 v17, v20;
	v52 =	vadd.f32 v5, v39  }
0x2a0: {  	v0 =	vmul.f32 v40, v40;
	v3 =	vadd.f32 v3, v54;
	v2 =	vsub.f32 v2, v13  }
0x2a1: {  	[tilespmem:$0x1FC80] =	vst v49;
	v42 =	vmul.f32 v39, v39;
	v13 =	vadd.f32 v47, v49;
	v49 =	vadd.f32 v48, v49  }
0x2a2: {  	v57 =	vmul.f32 v5, v5;
	v47 =	vadd.f32 v56, v62;
	v48 =	vadd.f32 v58, v63  }
0x2a3: {  	v60 =	vmul.f32 v15, v15;
	v0 =	vadd.f32 v0, v43;
	v6 =	vadd.f32 v55, v6  }
0x2a4: {  	[tilespmem:$0x1FCA0] =	vst v63;
	v63 =	vmul.f32 v30, v30;
	v14 =	vadd.f32 v4, v61;
	v57 =	vadd.f32 v57, v42  }
0x2a5: {  	v4 =	vmul.f32 v35, v35;
	v2 =	vadd.f32 $9.999999960e-13, v2;
	v56 =	vadd.f32 v27, v49  }
0x2a6: {  	v58 =	vmul.f32 v49, v49;
	v29 =	vmul.f32 v13, v13;
	v0 =	vadd.f32 v0, v12  }
0x2a7: {  	v42 =	vmul.f32 v48, v48;
	v54 =	vadd.f32 v14, v13;
	v4 =	vadd.f32 v63, v4  }
0x2a8: {  	[tilespmem:$0x1FC70] =	vst v61;
	v43 =	vmul.f32 v14, v14;
	v63 =	vperm.xlane v3, v41;
	v61 =	vshra.s32 v2, $0x1  }
0x2a9: {  	v2 =	vmul.f32 $5.000000000e-01, v2;
	v10 =	vadd.f32 v10, v56;
	v56 =	vadd.f32 v38, v37  }
0x2aa: {  	v1 =	vadd.f32 v1, v58;
	v58 =	vadd.f32 v40, v53;
	v61 =	vsub.s32 $0x5F3759DF, v61  }
0x2ab: {  	[tilespmem:$0x1FC90] =	vst v62;
	v29 =	vadd.f32 v43, v29;
	v4 =	vadd.f32 v4, v59;
	v62 =	vmul.f32 v61, v2  }
0x2ac: {  	v43 =	vperm.xlane v9, v41;
	v56 =	vadd.f32 v58, v56;
	v58 =	vadd.f32 v48, v47  }
0x2ad: {  	v3 =	vadd.f32 v3, v63;
	v1 =	vadd.f32 v7, v1;
	v62 =	vmul.f32 v61, v62  }
0x2ae: {  	v7 =	vadd.f32 v51, v11;
	v54 =	vadd.f32 v58, v54;
	v58 =	vperm.xlane v8, v41  }
0x2af: {  	v9 =	vadd.f32 v9, v43;
	v55 =	vperm.xlane v1, v41;
	v62 =	vsub.f32 $1.500000000e+00, v62  }
0x2b0: {  	v12 =	vperm.xlane v54, v41;
	v8 =	vadd.f32 v8, v58;
	v58 =	vperm.xlane v4, v41  }
0x2b1: {  	v1 =	vadd.f32 v55, v1;
	v50 =	vmul.f32 v61, v62;
	v61 =	vadd.f32 v16, v15  }
0x2b2: {  	v62 =	vmul.f32 v16, v16;
	v12 =	vadd.f32 v54, v12;
	v63 =	vperm.xlane v8, v44  }
0x2b3: {  	v52 =	vadd.f32 v61, v52;
	v61 =	vmul.f32 v47, v47;
	v2 =	vmul.f32 v50, v2  }
0x2b4: {  	v4 =	vadd.f32 v58, v4;
	v60 =	vadd.f32 v62, v60;
	v62 =	vperm.xlane v10, v41  }
0x2b5: {  	v8 =	vadd.f32 v8, v63;
	v2 =	vmul.f32 v2, v50;
	v61 =	vadd.f32 v42, v61  }
0x2b6: {  	v11 =	vperm.xlane v52, v41;
	v51 =	vadd.f32 v60, v57;
	v10 =	vadd.f32 v10, v62  }
0x2b7: {  	v60 =	vperm.xlane v7, v41;
	v62 =	vperm.xlane v0, v41;
	v42 =	vsub.f32 $1.500000000e+00, v2  }
0x2b8: {  	v2 =	vperm.xlane v56, v41;
	v29 =	vadd.f32 v61, v29;
	v61 =	vperm.xlane v6, v41  }
0x2b9: {  	v11 =	vadd.f32 v52, v11;
	v52 =	vperm.xlane v51, v41;
	v54 =	vperm.xlane v10, v44  }
0x2ba: {  	v7 =	vadd.f32 v60, v7;
	v60 =	vperm.xlane v9, v44;
	v0 =	vadd.f32 v62, v0  }
0x2bb: {  	v2 =	vadd.f32 v56, v2;
	v55 =	vperm.xlane v29, v41;
	v6 =	vadd.f32 v61, v6  }
0x2bc: {  	v61 =	vperm.xlane v3, v44;
	v62 =	vperm.xlane v11, v44;
	v51 =	vadd.f32 v52, v51  }
0x2bd: {  	v52 =	vperm.xlane v12, v44;
	v10 =	vadd.f32 v10, v54;
	v54 =	vperm.xlane v1, v44  }
0x2be: {  	v63 =	vperm.xlane v7, v44;
	v9 =	vadd.f32 v9, v60;
	v58 =	vperm.xlane v2, v44  }
0x2bf: {  	v29 =	vadd.f32 v55, v29;
	v60 =	vperm.xlane v6, v44;
	v3 =	vadd.f32 v3, v61  }
0x2c0: {  	v61 =	vperm.xlane v4, v44;
	v11 =	vadd.f32 v11, v62;
	v62 =	vperm.xlane v51, v44  }
0x2c1: {  	v59 =	vperm.xlane v10, v45;
	v12 =	vadd.f32 v12, v52;
	v1 =	vadd.f32 v54, v1  }
0x2c2: {  	v54 =	vperm.xlane v8, v45;
	v7 =	vadd.f32 v63, v7;
	v63 =	vperm.xlane v9, v45  }
0x2c3: {  	v2 =	vadd.f32 v2, v58;
	v58 =	vperm.xlane v0, v44;
	v52 =	vperm.xlane v29, v44  }
0x2c4: {  	v6 =	vadd.f32 v60, v6;
	v60 =	vperm.xlane v3, v45;
	v4 =	vadd.f32 v61, v4  }
0x2c5: {  	v51 =	vadd.f32 v62, v51;
	v62 =	vperm.xlane v12, v45;
	v10 =	vadd.f32 v10, v59  }
0x2c6: {  	v59 =	vperm.xlane v1, v45;
	v8 =	vadd.f32 v8, v54;
	v9 =	vadd.f32 v9, v63  }
0x2c7: {  	v61 =	vperm.xlane v2, v45;
	v0 =	vadd.f32 v58, v0;
	v58 =	vperm.xlane v11, v45  }
0x2c8: {  	v29 =	vadd.f32 v52, v29;
	v52 =	vperm.xlane v7, v45;
	v63 =	vperm.xlane v6, v45  }
0x2c9: {  	v3 =	vadd.f32 v3, v60;
	v60 =	vperm.xlane v4, v45;
	v57 =	vperm.xlane v51, v45  }
0x2ca: {  	v12 =	vadd.f32 v12, v62;
	v62 =	vperm.xlane v10, v46;
	v1 =	vadd.f32 v59, v1  }
0x2cb: {  	v59 =	vperm.xlane v8, v46;
	v2 =	vadd.f32 v2, v61;
	v61 =	vperm.xlane v0, v45  }
0x2cc: {  	v11 =	vadd.f32 v11, v58;
	v56 =	vperm.xlane v29, v45;
	v7 =	vadd.f32 v52, v7  }
0x2cd: {  	v52 =	vperm.xlane v9, v46;
	v6 =	vadd.f32 v63, v6;
	v4 =	vadd.f32 v60, v4  }
0x2ce: {  	v63 =	vperm.xlane v3, v46;
	v57 =	vadd.f32 v57, v51;
	v10 =	vadd.f32 v10, v62  }
0x2cf: {  	v62 =	vperm.xlane v12, v46;
	v8 =	vadd.f32 v8, v59;
	v60 =	vperm.xlane v2, v46  }
0x2d0: {  	v0 =	vadd.f32 v61, v0;
	v61 =	vperm.xlane v11, v46;
	v56 =	vadd.f32 v56, v29  }
0x2d1: {  	v29 =	vperm.xlane v1, v46;
	v58 =	vperm.xlane v7, v46;
	v9 =	vadd.f32 v9, v52  }
0x2d2: {  	v52 =	vperm.xlane v6, v46;
	v3 =	vadd.f32 v3, v63;
	v63 =	vperm.xlane v4, v46  }
0x2d3: {  	v12 =	vadd.f32 v12, v62;
	v10 =	vmul.f32 $1.562500000e-02, v10;
	v8 =	vmul.f32 $1.562500000e-02, v8  }
0x2d4: {  	v2 =	vadd.f32 v2, v60;
	v60 =	vperm.xlane v0, v46;
	v11 =	vadd.f32 v11, v61  }
0x2d5: {  	v61 =	vperm.xlane v57, v46;
	v1 =	vadd.f32 v29, v1;
	v62 =	vperm.xlane v56, v46  }
0x2d6: {  	v7 =	vadd.f32 v58, v7;
	v9 =	vmul.f32 $1.562500000e-02, v9;
	v6 =	vadd.f32 v52, v6  }
0x2d7: {  	v29 =	vmul.f32 $1.562500000e-02, v3;
	v3 =	vadd.f32 v63, v4;
	v63 =	vmul.f32 v8, v8  }
0x2d8: {  	v52 =	vmul.f32 $1.562500000e-02, v12;
	v49 =	vsub.f32 v49, v10;
	v27 =	vsub.f32 v27, v10  }
0x2d9: {  	v31 =	vsub.f32 v31, v10;
	v54 =	vmul.f32 $1.562500000e-02, v2;
	v51 =	vmul.f32 $1.562500000e-02, v11  }
0x2da: {  	v0 =	vadd.f32 v60, v0;
	v1 =	vmul.f32 $1.562500000e-02, v1;
	v2 =	vmul.f32 v10, v10  }
0x2db: {  	v4 =	vadd.f32 v61, v57;
	v7 =	vmul.f32 $1.562500000e-02, v7;
	v57 =	vadd.f32 v62, v56  }
0x2dc: {  	v6 =	vmul.f32 $1.562500000e-02, v6;
	v10 =	vsub.f32 v32, v10;
	v21 =	vsub.f32 v21, v9  }
0x2dd: {  	v58 =	vmul.f32 v9, v9;
	v23 =	vsub.f32 v23, v29;
	v1 =	vsub.f32 v1, v2  }
0x2de: {  	v2 =	vmul.f32 $1.562500000e-02, v3;
	v3 =	vmul.f32 v29, v29;
	v7 =	vsub.f32 v7, v63  }
0x2df: {  	v0 =	vmul.f32 $1.562500000e-02, v0;
	v59 =	vmul.f32 v54, v54;
	v6 =	vsub.f32 v6, v58  }
0x2e0: {  	v12 =	vmul.f32 v52, v52;
	v5 =	vsub.f32 v5, v51;
	v2 =	vsub.f32 v2, v3  }
0x2e1: {  	v3 =	vmul.f32 $1.562500000e-02, v4;
	v4 =	vmul.f32 v51, v51;
	v0 =	vsub.f32 v0, v59  }
0x2e2: {  	v60 =	vmul.f32 $1.562500000e-02, v57;
	v1 =	vadd.f32 $9.999999960e-13, v1;
	v6 =	vadd.f32 $9.999999960e-13, v6  }
0x2e3: {  	v50 =	vmul.f32 v42, v50;
	v3 =	vsub.f32 v3, v4;
	v4 =	vadd.f32 $9.999999960e-13, v7  }
0x2e4: {  	v7 =	vsub.f32 v60, v12;
	v61 =	vshra.s32 v1, $0x1;
	v2 =	vadd.f32 $9.999999960e-13, v2  }
0x2e5: {  	v1 =	vmul.f32 $5.000000000e-01, v1;
	v0 =	vadd.f32 $9.999999960e-13, v0;
	v43 =	vshra.s32 v6, $0x1  }
0x2e6: {  	v6 =	vmul.f32 $5.000000000e-01, v6;
	v11 =	vsub.s32 $0x5F3759DF, v61;
	v43 =	vsub.s32 $0x5F3759DF, v43  }
0x2e7: {  	v3 =	vadd.f32 $9.999999960e-13, v3;
	v12 =	vshra.s32 v4, $0x1;
	v4 =	vmul.f32 $5.000000000e-01, v4  }
0x2e8: {  	v7 =	vadd.f32 $9.999999960e-13, v7;
	v62 =	vshra.s32 v2, $0x1;
	v2 =	vmul.f32 $5.000000000e-01, v2  }
0x2e9: {  	v63 =	vshra.s32 v0, $0x1;
	v60 =	vmul.f32 v11, v1;
	v12 =	vsub.s32 $0x5F3759DF, v12  }
0x2ea: {  	v0 =	vmul.f32 $5.000000000e-01, v0;
	v55 =	vsub.s32 $0x5F3759DF, v63;
	v61 =	vmul.f32 v12, v4  }
0x2eb: {  	v57 =	vshra.s32 v3, $0x1;
	v3 =	vmul.f32 $5.000000000e-01, v3;
	v56 =	vmul.f32 v11, v60  }
0x2ec: {  	v59 =	vshra.s32 v7, $0x1;
	v7 =	vmul.f32 $5.000000000e-01, v7;
	v60 =	vmul.f32 v43, v6  }
0x2ed: {  	v42 =	vsub.s32 $0x5F3759DF, v62;
	v62 =	vmul.f32 v55, v0;
	v58 =	vmul.f32 v12, v61  }
0x2ee: {  	v57 =	vsub.s32 $0x5F3759DF, v57;
	v56 =	vsub.f32 $1.500000000e+00, v56;
	v61 =	vmul.f32 v42, v2  }
0x2ef: {  	v60 =	vmul.f32 v43, v60;
	v62 =	vmul.f32 v55, v62;
	v58 =	vsub.f32 $1.500000000e+00, v58  }
0x2f0: {  	v11 =	vmul.f32 v11, v56;
	v56 =	vsub.s32 $0x5F3759DF, v59;
	v59 =	vmul.f32 v57, v3  }
0x2f1: {  	v61 =	vmul.f32 v42, v61;
	v60 =	vsub.f32 $1.500000000e+00, v60;
	v12 =	vmul.f32 v12, v58  }
0x2f2: {  	v62 =	vsub.f32 $1.500000000e+00, v62;
	v58 =	vmul.f32 v56, v7;
	v59 =	vmul.f32 v57, v59  }
0x2f3: {  	v1 =	vmul.f32 v11, v1;
	v61 =	vsub.f32 $1.500000000e+00, v61;
	v43 =	vmul.f32 v43, v60  }
0x2f4: {  	v63 =	vsub.f32 v36, v8;
	v55 =	vmul.f32 v55, v62;
	v58 =	vmul.f32 v56, v58  }
0x2f5: {  	v59 =	vsub.f32 $1.500000000e+00, v59;
	v1 =	vmul.f32 v1, v11;
	v42 =	vmul.f32 v42, v61  }
0x2f6: {  	v36 =	vsub.f32 v34, v8;
	v4 =	vmul.f32 v12, v4;
	v6 =	vmul.f32 v43, v6  }
0x2f7: {  	v0 =	vmul.f32 v55, v0;
	v58 =	vsub.f32 $1.500000000e+00, v58;
	v57 =	vmul.f32 v57, v59  }
0x2f8: {  	v1 =	vsub.f32 $1.500000000e+00, v1;
	v2 =	vmul.f32 v42, v2;
	v4 =	vmul.f32 v4, v12  }
0x2f9: {  	v62 =	vsub.f32 v33, v8;
	v6 =	vmul.f32 v6, v43;
	v0 =	vmul.f32 v0, v55  }
0x2fa: {  	v8 =	vsub.f32 v28, v8;
	v56 =	vmul.f32 v56, v58;
	v1 =	vmul.f32 v1, v11  }
0x2fb: {  	v3 =	vmul.f32 v57, v3;
	v2 =	vmul.f32 v2, v42;
	v4 =	vsub.f32 $1.500000000e+00, v4  }
0x2fc: {  	v6 =	vsub.f32 $1.500000000e+00, v6;
	v0 =	vsub.f32 $1.500000000e+00, v0;
	v7 =	vmul.f32 v56, v7  }
0x2fd: {  	v3 =	vmul.f32 v3, v57;
	v2 =	vsub.f32 $1.500000000e+00, v2;
	v4 =	vmul.f32 v4, v12  }
0x2fe: {  	v6 =	vmul.f32 v6, v43;
	v0 =	vmul.f32 v0, v55;
	v12 =	vsub.f32 v22, v9  }
0x2ff: {  	v22 =	vsub.f32 v24, v9;
	v9 =	vsub.f32 v25, v9;
	v28 =	vmul.f32 v1, v49  }
0x300: {  	v27 =	vmul.f32 v1, v27;
	v34 =	vmul.f32 v1, v31;
	v55 =	vsub.f32 v26, v29  }
0x301: {  	v1 =	vmul.f32 v1, v10;
	v24 =	vsub.f32 v35, v29;
	v25 =	vsub.f32 v30, v29  }
0x302: {  	v26 =	vsub.f32 v38, v54;
	v7 =	vmul.f32 v7, v56;
	v2 =	vmul.f32 v2, v42  }
0x303: {  	v30 =	vsub.f32 v53, v54;
	v11 =	vmul.f32 v4, v62;
	v29 =	vmul.f32 v4, v63  }
0x304: {  	v3 =	vsub.f32 $1.500000000e+00, v3;
	v12 =	vmul.f32 v6, v12;
	v58 =	vmul.f32 v6, v22  }
0x305: {  	v22 =	vsub.f32 v15, v51;
	v62 =	vmul.f32 v0, v26;
	v15 =	vmul.f32 v0, v30  }
0x306: {  	v59 =	vsub.f32 v39, v51;
	v3 =	vmul.f32 v3, v57;
	v57 =	vmul.f32 v6, v21  }
0x307: {  	v7 =	vsub.f32 $1.500000000e+00, v7;
	v6 =	vmul.f32 v6, v9;
	v10 =	vmul.f32 v2, v55  }
0x308: {  	v26 =	vsub.f32 v13, v52;
	v60 =	vmul.f32 v2, v23;
	v61 =	vmul.f32 v2, v24  }
0x309: {  	v13 =	vld [tilespmem:$0x1FCB0];
	v24 =	vsub.f32 v16, v51;
	v2 =	vmul.f32 v2, v25;
	v7 =	vmul.f32 v7, v56  }
0x30a: {  	v56 =	vmul.f32 v4, v36;
	v4 =	vmul.f32 v4, v8;
	v8 =	vsub.f32 v37, v54  }
0x30b: {  	v21 =	vsub.f32 v40, v54;
	v9 =	vmul.f32 v3, v59;
	v23 =	vmul.f32 v3, v22  }
0x30c: {  	v18 =	vsub.f32 v18, v20;
	v25 =	vmul.f32 v3, v24;
	v8 =	vmul.f32 v0, v8  }
0x30d: {  	v30 =	vsub.f32 v14, v52;
	v0 =	vmul.f32 v0, v21;
	v21 =	vmul.f32 v3, v5  }
0x30e: {  	v3 =	vmul.f32 v50, v17;
	v17 =	vsub.f32 v19, v20;
	v19 =	vsub.f32 v13, v20;
	v13 =	vld [tilespmem:$0x1FFA0]  }
0x30f: {  	v43 =	vld [tilespmem:$0x1FF80];
	v5 =	vmul.f32 v7, v30;
	v20 =	vmul.f32 v50, v18  }
0x310: {  	v22 =	vmul.f32 v50, v17;
	v30 =	vmul.f32 v50, v19;
	v50 =	vld [tilespmem:$0x1FF70]  }
0x311: {  	v31 =	vsub.f32 v47, v52;
	v63 =	vsub.f32 v48, v52;
	v48 =	vld [tilespmem:$0x1FF40]  }
0x312: {  	v26 =	vmul.f32 v7, v26  }
0x313: {  	v31 =	vmul.f32 v7, v31;
	v3 =	vmul.f32 v3, v13  }
0x314: {  	v24 =	vmul.f32 v7, v63;
	v7 =	vmul.f32 v28, v43  }
0x315: {  	v47 =	vld [tilespmem:$0x1FF30];
	v3 =	vadd.f32 v3, v50  }
0x316: {  	s5 =	simm.s32 $0x8204;
	v16 =	vld [tilespmem:$0x1FF90];
	v7 =	vadd.f32 v7, v48  }
0x317: {  	[tilespmem:s5+$0xF3] =	vst v3  }
0x318: {  	v49 =	vld [tilespmem:$0x1FF50];
	[tilespmem:s5+$0xFFFFFEFC] =	vst v7  }
0x319: {  	v11 =	vmul.f32 v11, v43;
	v51 =	vld [tilespmem:$0x1FF60]  }
0x31a: {  	v12 =	vmul.f32 v12, v43;
	v1 =	vmul.f32 v1, v13  }
0x31b: {  	v37 =	vmul.f32 v58, v47;
	v17 =	vmul.f32 v27, v16  }
0x31c: {  	v35 =	vmul.f32 v10, v43;
	v18 =	vmul.f32 v34, v47;
	v1 =	vadd.f32 v1, v50  }
0x31d: {  	v39 =	vadd.f32 v12, v48;
	v28 =	vmul.f32 v57, v16;
	v3 =	vadd.f32 v17, v49  }
0x31e: {  	v34 =	vmul.f32 v60, v16;
	[tilespmem:s5+$0xFFFFFF2C] =	vst v1;
	v17 =	vmul.f32 v29, v16;
	v7 =	vadd.f32 v18, v51  }
0x31f: {  	v33 =	vmul.f32 v62, v16;
	v19 =	vmul.f32 v56, v47;
	[tilespmem:s5+$0xFFFFFF0C] =	vst v3;
	v3 =	vadd.f32 v11, v48  }
0x320: {  	v27 =	vmul.f32 v61, v47;
	v4 =	vmul.f32 v4, v13;
	v1 =	vadd.f32 v17, v49;
	[tilespmem:s5+$0xFFFFFF1C] =	vst v7  }
0x321: {  	v36 =	vmul.f32 v6, v13;
	v32 =	vmul.f32 v2, v13;
	[tilespmem:s5+$0xFFFFFF3D] =	vst v3;
	v3 =	vadd.f32 v19, v51  }
0x322: {  	s12 =	simm.s32 $0x48B0;
	v6 =	vmul.f32 v15, v47;
	v38 =	vadd.f32 v4, v50;
	v4 =	vmul.f32 v9, v43;
	[tilespmem:s5+$0xFFFFFF4D] =	vst v1  }
0x323: {  	s3 =	simm.s32 $0x0;
	s2 =	simm.s32 $0x8204;
	s0 =	simm.s32 $0xC370;
	v29 =	vmul.f32 v8, v43;
	[tilespmem:s5+$0xFFFFFF5D] =	vst v3;
	v3 =	vmul.f32 v0, v13  }
.LBB2_7:
0x324: {  	[tilespmem:s5+$0xFFFFFF7E] =	vst v39  }
0x325: {  	[tilespmem:$0x1FBA0] =	vst v6  }
0x326: {  	[tilespmem:$0x1FBB0] =	vst v3  }
0x327: {  	v2 =	vmul.f32 v21, v16;
	[tilespmem:$0x1FBC0] =	vst v4  }
0x328: {  	v7 =	vmul.f32 v25, v13;
	[tilespmem:s5+$0xFFFFFF6D] =	vst v38  }
0x329: {  	v5 =	vmul.f32 v5, v16;
	[tilespmem:$0x1FBD0] =	vst v2  }
0x32a: {  	v8 =	vld [tilespmem:s12+$0xFFFFFC70];
	v1 =	vadd.f32 v28, v49;
	[tilespmem:$0x1FBF0] =	vst v7  }
0x32b: {  	v10 =	vld [tilespmem:s12+$0xFFFFFC80];
	v3 =	vadd.f32 v37, v51;
	[tilespmem:$0x1FC10] =	vst v5  }
0x32c: {  	v14 =	vld [tilespmem:$0x1FC90];
	v11 =	vadd.f32 v33, v49;
	[tilespmem:s5+$0xFFFFFF8E] =	vst v1  }
0x32d: {  	v15 =	vld [tilespmem:$0x1FCA0];
	v2 =	vmul.f32 v23, v47;
	[tilespmem:s5+$0xFFFFFF9E] =	vst v3  }
0x32e: {  	v42 =	vld [tilespmem:s12+$0xFFFFFEE0];
	v7 =	vmul.f32 v26, v43;
	[tilespmem:s5+$0x10] =	vst v11  }
0x32f: {  	v4 =	vld [tilespmem:s12+$0xFFFFFFF0];
	v5 =	vmul.f32 v31, v47;
	[tilespmem:$0x1FBE0] =	vst v2  }
0x330: {  	v1 =	vadd.f32 v36, v50;
	v2 =	vld [tilespmem:s12+$0xFFFFFFE0];
	[tilespmem:$0x1FC00] =	vst v7  }
0x331: {  	v3 =	vadd.f32 v35, v48;
	[tilespmem:$0x1FC20] =	vst v5;
	v5 =	vmul.f32 v24, v13;
	v13 =	vld [tilespmem:$0x1FC70]  }
0x332: {  	v6 =	vld [tilespmem:s12+$0x0];
	[tilespmem:s5+$0xFFFFFFAE] =	vst v1  }
0x333: {  	v11 =	vld [tilespmem:s12+$0xFFFFFF70];
	v1 =	vadd.f32 v34, v49;
	[tilespmem:s5+$0xFFFFFFBF] =	vst v3  }
0x334: {  	v7 =	vld [tilespmem:s12+$0xFFFFFC60];
	[tilespmem:$0x1FC30] =	vst v5;
	v5 =	vmul.f32 v22, v43  }
0x335: {  	v9 =	vadd.f32 v32, v50;
	v50 =	vld [tilespmem:s12+$0xFFFFFD60];
	[tilespmem:s5+$0xFFFFFFCF] =	vst v1;
	v1 =	vadd.f32 v29, v48  }
0x336: {  	[tilespmem:$0x1FC40] =	vst v5;
	v5 =	vmul.f32 v20, v16;
	v16 =	vadd.f32 v2, v13;
	v2 =	vld [tilespmem:s12+$0xFFFFFCF0]  }
0x337: {  	v18 =	vadd.f32 v4, v14;
	v63 =	vadd.f32 v6, v15;
	[tilespmem:s5+$0x0] =	vst v1;
	v1 =	vld [tilespmem:s12+$0xFFFFFD00]  }
0x338: {  	v0 =	vld [tilespmem:s12+$0xFFFFFFD0];
	v3 =	vadd.f32 v27, v51;
	v51 =	vadd.f32 v8, v14;
	[tilespmem:$0x1FC50] =	vst v5;
	v5 =	vmul.f32 v30, v47  }
0x339: {  	v12 =	vld [tilespmem:s12+$0xFFFFFCD0];
	[tilespmem:s5+$0xFFFFFFEF] =	vst v9;
	v4 =	vadd.f32 v63, v18;
	v47 =	vadd.f32 v10, v15  }
0x33a: {  	v39 =	vmul.f32 v51, v51;
	v36 =	vadd.f32 v11, v14;
	v61 =	vadd.f32 v7, v13;
	[tilespmem:$0x1FC60] =	vst v5;
	v5 =	vld [tilespmem:$0x1FC80]  }
0x33b: {  	v8 =	vld [tilespmem:s12+$0xFFFFFD50];
	[tilespmem:s5+$0xFFFFFFDF] =	vst v3;
	v42 =	vadd.f32 v42, v13;
	v10 =	vadd.f32 v50, v13;
	v37 =	vmul.f32 v47, v47  }
0x33c: {  	v56 =	vadd.f32 v2, v14;
	v2 =	vld [tilespmem:s12+$0xFFFFFDD0];
	v19 =	vadd.f32 v1, v15  }
0x33d: {  	v48 =	vmul.f32 v18, v18;
	v30 =	vadd.f32 v47, v51;
	v1 =	vld [tilespmem:s12+$0xFFFFFDE0];
	v37 =	vadd.f32 v37, v39  }
0x33e: {  	v34 =	vmul.f32 v56, v56;
	v43 =	vadd.f32 v19, v56;
	v32 =	vmul.f32 v19, v19  }
0x33f: {  	v49 =	vmul.f32 v63, v63;
	v17 =	vadd.f32 v0, v5;
	v59 =	vadd.f32 v12, v5  }
0x340: {  	v7 =	vmul.f32 v16, v16;
	v0 =	vld [tilespmem:s12+$0xFFFFFCE0];
	v57 =	vadd.f32 v8, v5;
	v32 =	vadd.f32 v32, v34  }
0x341: {  	v8 =	vld [tilespmem:s12+$0xFFFFFDF0];
	v3 =	vadd.f32 v16, v17;
	v6 =	vmul.f32 v17, v17;
	v20 =	vadd.f32 v2, v5  }
0x342: {  	[tilespmem:$0x1FB90] =	vst v18;
	v28 =	vmul.f32 v10, v10;
	v18 =	vadd.f32 v1, v13;
	v29 =	vadd.f32 v10, v57  }
0x343: {  	v2 =	vld [tilespmem:s12+$0xFFFFFE60];
	v31 =	vmul.f32 v57, v57;
	v3 =	vadd.f32 v4, v3;
	v6 =	vadd.f32 v7, v6  }
0x344: {  	v4 =	vld [tilespmem:s12+$0xFFFFFD70];
	v7 =	vadd.f32 v49, v48;
	v24 =	vadd.f32 v18, v20  }
0x345: {  	v58 =	vld [tilespmem:s12+$0xFFFFFE50];
	v23 =	vmul.f32 v20, v20;
	v22 =	vmul.f32 v18, v18;
	v28 =	vadd.f32 v28, v31  }
0x346: {  	[tilespmem:$0x1FAA0] =	vst v19;
	v60 =	vmul.f32 v59, v59;
	v55 =	vadd.f32 v0, v13;
	v0 =	vld [tilespmem:s12+$0xFFFFFD80];
	v19 =	vadd.f32 v8, v14  }
0x347: {  	v8 =	vld [tilespmem:s12+$0xFFFFFE80];
	v6 =	vadd.f32 v7, v6;
	v7 =	vperm.xlane v3, v41;
	v22 =	vadd.f32 v22, v23  }
0x348: {  	v40 =	vmul.f32 v55, v55;
	v33 =	vadd.f32 v55, v59;
	v9 =	vadd.f32 v2, v13  }
0x349: {  	[tilespmem:$0x1FB80] =	vst v16;
	v2 =	vld [tilespmem:s12+$0xFFFFFEF0];
	v3 =	vadd.f32 v3, v7;
	v7 =	vperm.xlane v6, v41;
	v16 =	vadd.f32 v4, v14  }
0x34a: {  	[tilespmem:$0x1FAC0] =	vst v10;
	v4 =	vld [tilespmem:s12+$0xFFFFFE00];
	v33 =	vadd.f32 v43, v33;
	v40 =	vadd.f32 v40, v60  }
0x34b: {  	[tilespmem:$0x1FB70] =	vst v17;
	v1 =	vld [tilespmem:s12+$0xFFFFFE70];
	v17 =	vadd.f32 v0, v15;
	v12 =	vperm.xlane v3, v44;
	v6 =	vadd.f32 v7, v6  }
0x34c: {  	[tilespmem:$0x1FAF0] =	vst v20;
	v20 =	vmul.f32 v19, v19;
	v7 =	vadd.f32 v58, v5;
	v10 =	vadd.f32 v8, v15  }
0x34d: {  	v26 =	vmul.f32 v16, v16;
	v32 =	vadd.f32 v32, v40;
	v3 =	vadd.f32 v3, v12  }
0x34e: {  	v12 =	vperm.xlane v6, v44;
	v27 =	vadd.f32 v17, v16;
	v48 =	vadd.f32 v2, v14  }
0x34f: {  	[tilespmem:$0x1FB00] =	vst v18;
	v8 =	vld [tilespmem:s12+$0xFFFFFF50];
	v25 =	vmul.f32 v17, v17;
	v18 =	vadd.f32 v9, v7;
	v0 =	vadd.f32 v4, v15  }
0x350: {  	v62 =	vperm.xlane v3, v45;
	v6 =	vadd.f32 v12, v6;
	v12 =	vadd.f32 v1, v14  }
0x351: {  	[tilespmem:$0x1FB10] =	vst v19;
	v58 =	vmul.f32 v7, v7;
	v27 =	vadd.f32 v27, v29;
	v25 =	vadd.f32 v25, v26  }
0x352: {  	[tilespmem:$0x1FAD0] =	vst v16;
	v4 =	vld [tilespmem:s12+$0xFFFFFED0];
	v3 =	vadd.f32 v3, v62;
	v54 =	vperm.xlane v6, v45;
	v21 =	vadd.f32 v0, v19  }
0x353: {  	[tilespmem:$0x1FAE0] =	vst v17;
	v1 =	vld [tilespmem:s12+$0xFFFFFF00];
	v19 =	vmul.f32 v9, v9;
	v16 =	vadd.f32 v10, v12;
	v17 =	vmul.f32 v12, v12  }
0x354: {  	[tilespmem:$0x1FB50] =	vst v12;
	v12 =	vmul.f32 v10, v10;
	v6 =	vadd.f32 v54, v6;
	v54 =	vadd.f32 v8, v5  }
0x355: {  	v35 =	vmul.f32 v61, v61;
	v62 =	vld [tilespmem:s12+$0xFFFFFC50];
	v21 =	vadd.f32 v21, v24;
	v16 =	vadd.f32 v16, v18  }
0x356: {  	[tilespmem:$0x1FAB0] =	vst v57;
	v2 =	vld [tilespmem:s12+$0xFFFFFF80];
	v57 =	vperm.xlane v3, v46;
	v18 =	vadd.f32 v19, v58;
	v12 =	vadd.f32 v12, v17  }
0x357: {  	[tilespmem:$0x1FB30] =	vst v7;
	v7 =	vmul.f32 v42, v42;
	v19 =	vadd.f32 v25, v28;
	v53 =	vadd.f32 v4, v5  }
0x358: {  	v23 =	vperm.xlane v27, v41;
	v4 =	vld [tilespmem:s12+$0xFFFFFF60];
	v50 =	vadd.f32 v1, v15;
	v3 =	vadd.f32 v3, v57  }
0x359: {  	v52 =	vperm.xlane v6, v46;
	v57 =	vmul.f32 v0, v0;
	v12 =	vadd.f32 v12, v18  }
0x35a: {  	[tilespmem:$0x1FB60] =	vst v10;
	v17 =	vperm.xlane v21, v41;
	v62 =	vadd.f32 v62, v5;
	v10 =	vadd.f32 v50, v48  }
0x35b: {  	v38 =	vmul.f32 $1.562500000e-02, v3;
	v1 =	vadd.f32 v52, v6;
	v52 =	vadd.f32 v2, v15  }
0x35c: {  	v11 =	vmul.f32 v53, v53;
	v15 =	vadd.f32 v42, v53;
	v20 =	vadd.f32 v57, v20  }
0x35d: {  	v49 =	vadd.f32 v4, v13;
	v1 =	vmul.f32 $1.562500000e-02, v1;
	v4 =	vmul.f32 v38, v38  }
0x35e: {  	v58 =	vperm.xlane v16, v41;
	v17 =	vadd.f32 v21, v17;
	v3 =	vadd.f32 v61, v62  }
0x35f: {  	v5 =	vmul.f32 v50, v50;
	v7 =	vadd.f32 v7, v11;
	v1 =	vsub.f32 v1, v4  }
0x360: {  	v6 =	vmul.f32 v48, v48;
	v11 =	vadd.f32 v16, v58;
	v8 =	vadd.f32 v52, v36  }
0x361: {  	v16 =	vperm.xlane v12, v41;
	v10 =	vadd.f32 v10, v15;
	v1 =	vadd.f32 $9.999999960e-13, v1  }
0x362: {  	v39 =	vmul.f32 v52, v52;
	v5 =	vadd.f32 v5, v6;
	v20 =	vadd.f32 v20, v22  }
0x363: {  	[tilespmem:$0x1FB20] =	vst v0;
	v3 =	vadd.f32 v30, v3;
	v0 =	vshra.s32 v1, $0x1;
	v2 =	vmul.f32 $5.000000000e-01, v1  }
0x364: {  	v30 =	vmul.f32 v54, v54;
	v12 =	vadd.f32 v16, v12;
	v0 =	vsub.s32 $0x5F3759DF, v0  }
0x365: {  	v4 =	vmul.f32 v62, v62;
	v13 =	vadd.f32 v49, v54;
	v1 =	vmul.f32 v0, v2  }
0x366: {  	v6 =	vperm.xlane v10, v41;
	v5 =	vadd.f32 v5, v7;
	v14 =	vperm.xlane v3, v41  }
0x367: {  	[tilespmem:$0x1FB40] =	vst v9;
	v9 =	vadd.f32 v35, v4;
	v35 =	vmul.f32 v49, v49;
	v1 =	vmul.f32 v0, v1  }
0x368: {  	v4 =	vmul.f32 v36, v36;
	v8 =	vadd.f32 v8, v13;
	v6 =	vadd.f32 v10, v6  }
0x369: {  	v3 =	vadd.f32 v3, v14;
	v14 =	vperm.xlane v19, v41;
	v1 =	vsub.f32 $1.500000000e+00, v1  }
0x36a: {  	v13 =	vadd.f32 v35, v30;
	v4 =	vadd.f32 v39, v4;
	v15 =	vperm.xlane v8, v41  }
0x36b: {  	v16 =	vperm.xlane v6, v44;
	v14 =	vadd.f32 v14, v19;
	v0 =	vmul.f32 v0, v1  }
0x36c: {  	v19 =	vperm.xlane v17, v44;
	v4 =	vadd.f32 v4, v13;
	v1 =	vperm.xlane v33, v41  }
0x36d: {  	v13 =	vadd.f32 v27, v23;
	v8 =	vadd.f32 v8, v15;
	v2 =	vmul.f32 v0, v2  }
0x36e: {  	v6 =	vadd.f32 v6, v16;
	v15 =	vperm.xlane v4, v41;
	v1 =	vadd.f32 v33, v1  }
0x36f: {  	v17 =	vadd.f32 v17, v19;
	v33 =	vperm.xlane v5, v41;
	v2 =	vmul.f32 v2, v0  }
0x370: {  	v35 =	vperm.xlane v8, v44;
	v4 =	vadd.f32 v15, v4;
	v21 =	vperm.xlane v1, v44  }
0x371: {  	v5 =	vadd.f32 v33, v5;
	v2 =	vsub.f32 $1.500000000e+00, v2  }
0x372: {  	v7 =	vld [tilespmem:$0x1FFA0];
	v34 =	vperm.xlane v13, v44;
	v8 =	vadd.f32 v8, v35;
	v1 =	vadd.f32 v1, v21  }
0x373: {  	v16 =	vperm.xlane v5, v44;
	v60 =	vmul.f32 v2, v0;
	v0 =	vsub.f32 v63, v38  }
0x374: {  	v18 =	vld [tilespmem:$0x1FF70];
	v2 =	vadd.f32 v37, v9;
	v9 =	vadd.f32 v13, v34;
	v13 =	vperm.xlane v14, v44  }
0x375: {  	v37 =	vperm.xlane v4, v44;
	v5 =	vadd.f32 v16, v5;
	v0 =	vmul.f32 v60, v0  }
0x376: {  	v16 =	vperm.xlane v8, v45;
	v22 =	vperm.xlane v2, v41;
	v13 =	vadd.f32 v13, v14  }
0x377: {  	v14 =	vperm.xlane v17, v45;
	v4 =	vadd.f32 v37, v4;
	v0 =	vmul.f32 v0, v7  }
0x378: {  	v8 =	vadd.f32 v8, v16;
	v7 =	vperm.xlane v32, v41;
	v2 =	vadd.f32 v22, v2  }
0x379: {  	v39 =	vperm.xlane v13, v45;
	v14 =	vadd.f32 v17, v14;
	v0 =	vadd.f32 v0, v18  }
0x37a: {  	s5 =	sadd.s32 $0x208, s5;
	v16 =	vperm.xlane v4, v45;
	v18 =	vperm.xlane v20, v41;
	v7 =	vadd.f32 v7, v32  }
0x37b: {  	v10 =	vadd.f32 v39, v13;
	v13 =	vperm.xlane v14, v46;
	[tilespmem:s5+$0xF3] =	vst v0;
	v0 =	vperm.xlane v3, v44  }
0x37c: {  	v18 =	vadd.f32 v18, v20;
	v20 =	vperm.xlane v11, v44;
	v15 =	vperm.xlane v7, v44  }
0x37d: {  	v40 =	vperm.xlane v10, v46;
	v13 =	vadd.f32 v14, v13;
	v0 =	vadd.f32 v3, v0  }
0x37e: {  	v3 =	vperm.xlane v2, v44;
	v19 =	vperm.xlane v18, v44;
	v11 =	vadd.f32 v11, v20  }
0x37f: {  	v20 =	vperm.xlane v12, v44;
	v7 =	vadd.f32 v15, v7;
	v15 =	vperm.xlane v9, v45  }
0x380: {  	v4 =	vadd.f32 v16, v4;
	v27 =	vmul.f32 $1.562500000e-02, v13;
	v21 =	vperm.xlane v0, v45  }
0x381: {  	v2 =	vadd.f32 v3, v2;
	v3 =	vperm.xlane v1, v45;
	v18 =	vadd.f32 v19, v18  }
0x382: {  	v19 =	vperm.xlane v11, v45;
	v12 =	vadd.f32 v20, v12;
	v20 =	vperm.xlane v6, v45  }
0x383: {  	v9 =	vadd.f32 v9, v15;
	v32 =	vmul.f32 v27, v27;
	v0 =	vadd.f32 v0, v21  }
0x384: {  	v21 =	vperm.xlane v2, v45;
	v1 =	vadd.f32 v1, v3;
	v3 =	vperm.xlane v7, v45  }
0x385: {  	v15 =	vperm.xlane v18, v45;
	v11 =	vadd.f32 v11, v19;
	v17 =	vperm.xlane v12, v45  }
0x386: {  	v6 =	vadd.f32 v6, v20;
	v19 =	vperm.xlane v5, v45;
	v20 =	vperm.xlane v0, v46  }
0x387: {  	v2 =	vadd.f32 v21, v2;
	v21 =	vperm.xlane v1, v46;
	v3 =	vadd.f32 v3, v7  }
0x388: {  	v7 =	vperm.xlane v9, v46;
	v15 =	vadd.f32 v15, v18;
	v18 =	vperm.xlane v11, v46  }
0x389: {  	v12 =	vadd.f32 v17, v12;
	v17 =	vperm.xlane v6, v46;
	v5 =	vadd.f32 v19, v5  }
0x38a: {  	v19 =	vperm.xlane v8, v46;
	v0 =	vadd.f32 v0, v20;
	v16 =	vperm.xlane v2, v46  }
0x38b: {  	v1 =	vadd.f32 v1, v21;
	v20 =	vperm.xlane v3, v46;
	v7 =	vadd.f32 v9, v7  }
0x38c: {  	v14 =	vperm.xlane v15, v46;
	v11 =	vadd.f32 v11, v18;
	v18 =	vperm.xlane v12, v46  }
0x38d: {  	v6 =	vadd.f32 v6, v17;
	v17 =	vperm.xlane v5, v46;
	v8 =	vadd.f32 v8, v19  }
0x38e: {  	v0 =	vmul.f32 $1.562500000e-02, v0;
	v2 =	vadd.f32 v16, v2;
	v16 =	vperm.xlane v4, v46  }
0x38f: {  	v1 =	vmul.f32 $1.562500000e-02, v1;
	v3 =	vadd.f32 v20, v3;
	v29 =	vmul.f32 $1.562500000e-02, v7  }
0x390: {  	v7 =	vadd.f32 v40, v10;
	v22 =	vmul.f32 $1.562500000e-02, v11;
	v20 =	vmul.f32 $1.562500000e-02, v6  }
0x391: {  	v57 =	vadd.f32 v14, v15;
	v63 =	vmul.f32 $1.562500000e-02, v8;
	v2 =	vmul.f32 $1.562500000e-02, v2  }
0x392: {  	v5 =	vadd.f32 v17, v5;
	v6 =	vmul.f32 v0, v0;
	v3 =	vmul.f32 $1.562500000e-02, v3  }
0x393: {  	v58 =	vadd.f32 v18, v12;
	v8 =	vmul.f32 v1, v1;
	v33 =	vmul.f32 v22, v22  }
0x394: {  	v4 =	vadd.f32 v16, v4;
	v5 =	vmul.f32 $1.562500000e-02, v5;
	v34 =	vmul.f32 v20, v20  }
0x395: {  	v2 =	vsub.f32 v2, v6;
	v6 =	vmul.f32 $1.562500000e-02, v7;
	v7 =	vmul.f32 v29, v29  }
0x396: {  	v35 =	vmul.f32 v63, v63;
	v3 =	vsub.f32 v3, v8;
	v8 =	vmul.f32 $1.562500000e-02, v57  }
0x397: {  	v4 =	vmul.f32 $1.562500000e-02, v4;
	v5 =	vsub.f32 v5, v34;
	v6 =	vsub.f32 v6, v7  }
0x398: {  	v7 =	vmul.f32 $1.562500000e-02, v58;
	v8 =	vsub.f32 v8, v32;
	v2 =	vadd.f32 $9.999999960e-13, v2  }
0x399: {  	v3 =	vadd.f32 $9.999999960e-13, v3;
	v4 =	vsub.f32 v4, v35  }
0x39a: {  	v5 =	vadd.f32 $9.999999960e-13, v5;
	v7 =	vsub.f32 v7, v33  }
0x39b: {  	v37 =	vshra.s32 v2, $0x1;
	v6 =	vadd.f32 $9.999999960e-13, v6;
	v8 =	vadd.f32 $9.999999960e-13, v8  }
0x39c: {  	v2 =	vmul.f32 $5.000000000e-01, v2;
	v39 =	vshra.s32 v3, $0x1;
	v3 =	vmul.f32 $5.000000000e-01, v3  }
0x39d: {  	v4 =	vadd.f32 $9.999999960e-13, v4;
	v14 =	vshra.s32 v5, $0x1;
	v5 =	vmul.f32 $5.000000000e-01, v5  }
0x39e: {  	v9 =	vsub.s32 $0x5F3759DF, v37;
	v10 =	vsub.s32 $0x5F3759DF, v39;
	v7 =	vadd.f32 $9.999999960e-13, v7  }
0x39f: {  	v40 =	vshra.s32 v6, $0x1;
	v6 =	vmul.f32 $5.000000000e-01, v6;
	v12 =	vshra.s32 v8, $0x1  }
0x3a0: {  	v8 =	vmul.f32 $5.000000000e-01, v8;
	v15 =	vshra.s32 v4, $0x1;
	v4 =	vmul.f32 $5.000000000e-01, v4  }
0x3a1: {  	v14 =	vsub.s32 $0x5F3759DF, v14;
	v16 =	vmul.f32 v9, v2;
	v18 =	vmul.f32 v10, v3  }
0x3a2: {  	v12 =	vsub.s32 $0x5F3759DF, v12;
	v13 =	vshra.s32 v7, $0x1;
	v7 =	vmul.f32 $5.000000000e-01, v7  }
0x3a3: {  	v15 =	vsub.s32 $0x5F3759DF, v15;
	v21 =	vmul.f32 v12, v8;
	v18 =	vmul.f32 v10, v18  }
0x3a4: {  	v26 =	vmul.f32 v15, v4;
	v16 =	vmul.f32 v9, v16;
	v13 =	vsub.s32 $0x5F3759DF, v13  }
0x3a5: {  	v25 =	vmul.f32 v14, v5;
	v23 =	vmul.f32 v13, v7;
	v18 =	vsub.f32 $1.500000000e+00, v18  }
0x3a6: {  	v21 =	vmul.f32 v12, v21;
	v16 =	vsub.f32 $1.500000000e+00, v16;
	v26 =	vmul.f32 v15, v26  }
0x3a7: {  	v11 =	vsub.s32 $0x5F3759DF, v40;
	v23 =	vmul.f32 v13, v23;
	v10 =	vmul.f32 v10, v18  }
0x3a8: {  	v25 =	vmul.f32 v14, v25;
	v9 =	vmul.f32 v9, v16;
	v16 =	vsub.f32 $1.500000000e+00, v21  }
0x3a9: {  	v21 =	vsub.f32 $1.500000000e+00, v23;
	v23 =	vsub.f32 $1.500000000e+00, v26;
	v3 =	vmul.f32 v10, v3  }
0x3aa: {  	v19 =	vmul.f32 v11, v6  }
0x3ab: {  	v18 =	vsub.f32 $1.500000000e+00, v25;
	v25 =	vld [tilespmem:$0x1FAA0];
	v15 =	vmul.f32 v15, v23;
	v3 =	vmul.f32 v3, v10  }
0x3ac: {  	v17 =	vsub.f32 v51, v0;
	v19 =	vmul.f32 v11, v19  }
0x3ad: {  	v24 =	vsub.f32 v59, v1;
	v4 =	vmul.f32 v15, v4;
	v3 =	vsub.f32 $1.500000000e+00, v3  }
0x3ae: {  	v28 =	vsub.f32 v55, v1;
	v19 =	vsub.f32 $1.500000000e+00, v19  }
0x3af: {  	v51 =	vld [tilespmem:$0x1FF60];
	v30 =	vsub.f32 v56, v1;
	v4 =	vmul.f32 v4, v15;
	v3 =	vmul.f32 v3, v10  }
0x3b0: {  	v11 =	vmul.f32 v11, v19;
	v12 =	vmul.f32 v12, v16;
	v16 =	vld [tilespmem:$0x1FAB0];
	v1 =	vsub.f32 v25, v1  }
0x3b1: {  	v14 =	vmul.f32 v14, v18;
	v18 =	vld [tilespmem:$0x1FAC0];
	v4 =	vsub.f32 $1.500000000e+00, v4;
	v33 =	vmul.f32 v3, v24  }
0x3b2: {  	v19 =	vld [tilespmem:$0x1FAD0];
	v28 =	vmul.f32 v3, v28;
	v1 =	vmul.f32 v3, v1  }
0x3b3: {  	v4 =	vmul.f32 v4, v15;
	v15 =	vsub.f32 v53, v20;
	v53 =	vmul.f32 v3, v30;
	v3 =	vld [tilespmem:$0x1FBA0]  }
0x3b4: {  	v13 =	vmul.f32 v13, v21;
	v21 =	vld [tilespmem:$0x1FAE0];
	_ =	sdelay $0x2  }
0x3b5: {  	v16 =	vsub.f32 v16, v29;
	v18 =	vsub.f32 v18, v29  }
0x3b6: {  	v19 =	vsub.f32 v19, v29;
	v3 =	vadd.f32 v3, v51  }
0x3b7: {  	v21 =	vsub.f32 v21, v29;
	v29 =	vsub.f32 v48, v20;
	v48 =	vld [tilespmem:$0x1FF40]  }
0x3b8: {  	[tilespmem:s2+$0x20] =	vst v3;
	v3 =	vld [tilespmem:$0x1FBC0];
	_ =	sdelay $0x3  }
0x3b9: {  	v26 =	vld [tilespmem:$0x1FB10]  }
0x3ba: {  	v57 =	vld [tilespmem:$0x1FB20];
	v2 =	vmul.f32 v9, v2;
	v3 =	vadd.f32 v3, v48  }
0x3bb: {  	v62 =	vsub.f32 v62, v0;
	v6 =	vmul.f32 v11, v6;
	v8 =	vmul.f32 v12, v8;
	v23 =	vld [tilespmem:$0x1FAF0]  }
0x3bc: {  	v61 =	vsub.f32 v61, v0;
	v5 =	vmul.f32 v14, v5;
	v2 =	vmul.f32 v2, v9;
	[tilespmem:s2+$0x41] =	vst v3;
	v3 =	vld [tilespmem:$0x1FBE0]  }
0x3bd: {  	v0 =	vsub.f32 v47, v0;
	v25 =	vld [tilespmem:$0x1FB00];
	v6 =	vmul.f32 v6, v11;
	v8 =	vmul.f32 v8, v12  }
0x3be: {  	v2 =	vsub.f32 $1.500000000e+00, v2;
	v5 =	vmul.f32 v5, v14;
	v26 =	vsub.f32 v26, v27  }
0x3bf: {  	v7 =	vmul.f32 v13, v7;
	v6 =	vsub.f32 $1.500000000e+00, v6;
	v8 =	vsub.f32 $1.500000000e+00, v8  }
0x3c0: {  	v2 =	vmul.f32 v2, v9;
	v5 =	vsub.f32 $1.500000000e+00, v5;
	v9 =	vsub.f32 v57, v27  }
0x3c1: {  	v59 =	vld [tilespmem:$0x1FB40];
	v7 =	vmul.f32 v7, v13;
	v23 =	vsub.f32 v23, v27;
	v3 =	vadd.f32 v3, v51  }
0x3c2: {  	v58 =	vld [tilespmem:$0x1FB30];
	v25 =	vsub.f32 v25, v27;
	v6 =	vmul.f32 v6, v11;
	v8 =	vmul.f32 v8, v12  }
0x3c3: {  	v7 =	vsub.f32 $1.500000000e+00, v7;
	v5 =	vmul.f32 v5, v14;
	v27 =	vmul.f32 v2, v61;
	[tilespmem:s2+$0x61] =	vst v3;
	v3 =	vld [tilespmem:$0x1FC00]  }
0x3c4: {  	v12 =	vld [tilespmem:$0x1FB50];
	v17 =	vmul.f32 v2, v17;
	v0 =	vmul.f32 v2, v0  }
0x3c5: {  	v14 =	vld [tilespmem:$0x1FB60];
	v7 =	vmul.f32 v7, v13;
	v13 =	vmul.f32 v2, v62  }
0x3c6: {  	v2 =	vsub.f32 v49, v63;
	v49 =	vld [tilespmem:$0x1FF50];
	v16 =	vmul.f32 v6, v16;
	v18 =	vmul.f32 v6, v18  }
0x3c7: {  	v31 =	vsub.f32 v54, v63;
	v19 =	vmul.f32 v6, v19;
	v6 =	vmul.f32 v6, v21;
	v21 =	vld [tilespmem:$0x1FBD0]  }
0x3c8: {  	v10 =	vsub.f32 v58, v22;
	v54 =	vmul.f32 v8, v23;
	v3 =	vadd.f32 v3, v48  }
0x3c9: {  	v11 =	vsub.f32 v59, v22;
	v55 =	vmul.f32 v8, v25;
	v23 =	vmul.f32 v5, v29  }
0x3ca: {  	v57 =	vmul.f32 v7, v10;
	v12 =	vsub.f32 v12, v22;
	v14 =	vsub.f32 v14, v22;
	[tilespmem:s2+$0x82] =	vst v3;
	v3 =	vld [tilespmem:$0x1FC20]  }
0x3cb: {  	v58 =	vmul.f32 v7, v11;
	v22 =	vsub.f32 v42, v20;
	v20 =	vsub.f32 v50, v20  }
0x3cc: {  	v21 =	vadd.f32 v21, v49;
	v12 =	vmul.f32 v7, v12;
	v7 =	vmul.f32 v7, v14  }
0x3cd: {  	v50 =	vld [tilespmem:$0x1FF70];
	v14 =	vmul.f32 v5, v15;
	v25 =	vmul.f32 v5, v20  }
0x3ce: {  	[tilespmem:s2+$0x51] =	vst v21;
	v21 =	vmul.f32 v5, v22;
	v5 =	vmul.f32 v4, v2;
	v2 =	vld [tilespmem:$0x1FC30]  }
0x3cf: {  	v3 =	vadd.f32 v3, v51;
	_ =	sdelay $0x1  }
0x3d0: {  	[tilespmem:s2+$0xA2] =	vst v3;
	v3 =	vld [tilespmem:$0x1FC40]  }
0x3d1: {  	v43 =	vld [tilespmem:$0x1FF80]  }
0x3d2: {  	v47 =	vld [tilespmem:$0x1FF30];
	v2 =	vadd.f32 v2, v50  }
0x3d3: {  	v59 =	vld [tilespmem:$0x1FBF0]  }
0x3d4: {  	v62 =	vsub.f32 v36, v63;
	[tilespmem:s2+$0xB2] =	vst v2;
	v2 =	vld [tilespmem:$0x1FC50]  }
0x3d5: {  	v61 =	vld [tilespmem:$0x1FC10];
	v56 =	vmul.f32 v8, v26;
	v3 =	vadd.f32 v3, v48  }
0x3d6: {  	v26 =	vmul.f32 v4, v31;
	v31 =	vmul.f32 v4, v62;
	v62 =	vld [tilespmem:$0x1FF90]  }
0x3d7: {  	v24 =	vsub.f32 v52, v63;
	[tilespmem:s2+$0xC3] =	vst v3;
	v3 =	vld [tilespmem:$0x1FC60]  }
0x3d8: {  	v11 =	vadd.f32 v59, v50  }
0x3d9: {  	v40 =	vld [tilespmem:$0x1FB70];
	v24 =	vmul.f32 v4, v24;
	v4 =	vmul.f32 v13, v43;
	v2 =	vadd.f32 v2, v49  }
0x3da: {  	v52 =	vld [tilespmem:$0x1FB90];
	[tilespmem:s2+$0x71] =	vst v11;
	v11 =	vadd.f32 v61, v49  }
0x3db: {  	v30 =	vld [tilespmem:$0x1FBB0];
	v13 =	vmul.f32 v17, v47;
	[tilespmem:s2+$0xD3] =	vst v2;
	v2 =	vadd.f32 v4, v48  }
0x3dc: {  	v42 =	vld [tilespmem:$0x1FB80];
	[tilespmem:s2+$0x92] =	vst v11;
	v11 =	vmul.f32 v27, v62;
	v3 =	vadd.f32 v3, v51  }
0x3dd: {  	[tilespmem:s5+$0xFFFFFEFC] =	vst v2;
	v2 =	vadd.f32 v13, v51;
	v13 =	vld [tilespmem:$0x1FFA0]  }
0x3de: {  	v4 =	vld [tilespmem:$0x1FFA0];
	[tilespmem:s2+$0xE3] =	vst v3;
	v3 =	vadd.f32 v11, v49;
	_ =	sdelay $0x1  }
0x3df: {  	v34 =	vsub.f32 v40, v38;
	v8 =	vmul.f32 v8, v9;
	v37 =	vmul.f32 v19, v47;
	[tilespmem:s5+$0xFFFFFF0C] =	vst v3;
	v3 =	vld [tilespmem:$0x1FFA0]  }
0x3e0: {  	v63 =	vld [tilespmem:$0x1FF90];
	v29 =	vmul.f32 v57, v43;
	v15 =	vmul.f32 v53, v47;
	v35 =	vsub.f32 v42, v38  }
0x3e1: {  	v30 =	vadd.f32 v30, v50;
	v1 =	vmul.f32 v1, v13;
	v13 =	vmul.f32 v16, v43  }
0x3e2: {  	v36 =	vsub.f32 v52, v38;
	v0 =	vmul.f32 v0, v4;
	v4 =	vmul.f32 v33, v43;
	v16 =	vld [tilespmem:$0x1FF90]  }
0x3e3: {  	s3 =	sadd.s32 $0x8, s3;
	v22 =	vmul.f32 v60, v34;
	[tilespmem:s2+$0x30] =	vst v30;
	v20 =	vmul.f32 v60, v35;
	v39 =	vadd.f32 v13, v48;
	v13 =	vld [tilespmem:$0x1FFA0]  }
0x3e4: {  	p0 =	slt.u32 s3, $0x78;
	v30 =	vmul.f32 v60, v36;
	[tilespmem:s5+$0xFFFFFF1C] =	vst v2;
	v2 =	vadd.f32 v4, v48;
	v36 =	vmul.f32 v6, v3;
	v3 =	vld [tilespmem:$0x1FFA0]  }
.Ltmp2:
0x3e5: {  	v35 =	vmul.f32 v54, v43;
	v0 =	vadd.f32 v0, v50;
	v11 =	vmul.f32 v28, v63;
	(pc) =	sbr.rel @p0 .LBB2_7-.Ltmp2, $4  }
0x3e6: {  	v27 =	vmul.f32 v56, v47;
	v4 =	vmul.f32 v14, v43;
	[tilespmem:s5+$0xFFFFFF3D] =	vst v2;
	v2 =	vadd.f32 v15, v51  }
0x3e7: {  	[tilespmem:s5+$0xFFFFFF2C] =	vst v0;
	v34 =	vmul.f32 v55, v16;
	v33 =	vmul.f32 v58, v16;
	v0 =	vadd.f32 v11, v49  }
0x3e8: {  	[tilespmem:s5+$0xFFFFFF5D] =	vst v2;
	v28 =	vmul.f32 v18, v16;
	v6 =	vmul.f32 v12, v47  }
0x3e9: {  	s14 =	simm.s32 $0x0;
	s12 =	sadd.s32 $0x400, s12;
	v38 =	vadd.f32 v1, v50;
	s2 =	smov.u32 s5;
	[tilespmem:s5+$0xFFFFFF4D] =	vst v0;
	v32 =	vmul.f32 v8, v3;
	v3 =	vmul.f32 v7, v13  }
0x3ea: {  	v0 =	vadd.f32 v28, v49;
	[tilespmem:s5+$0xFFFFFF7E] =	vst v39  }
0x3eb: {  	v1 =	vadd.f32 v37, v51;
	[tilespmem:s5+$0xFFFFFF6D] =	vst v38  }
0x3ec: {  	v54 =	vadd.f32 v36, v50;
	[tilespmem:s5+$0xFFFFFF8E] =	vst v0  }
0x3ed: {  	v55 =	vadd.f32 v35, v48;
	[tilespmem:s5+$0xFFFFFF9E] =	vst v1  }
0x3ee: {  	v56 =	vadd.f32 v34, v49;
	[tilespmem:s5+$0xFFFFFFAE] =	vst v54  }
0x3ef: {  	v57 =	vadd.f32 v27, v51;
	[tilespmem:s5+$0xFFFFFFBF] =	vst v55  }
0x3f0: {  	v58 =	vadd.f32 v29, v48;
	[tilespmem:s5+$0xFFFFFFCF] =	vst v56  }
0x3f1: {  	v59 =	vadd.f32 v33, v49;
	[tilespmem:s5+$0xFFFFFFDF] =	vst v57  }
0x3f2: {  	v63 =	vadd.f32 v4, v48;
	[tilespmem:s5+$0x0] =	vst v58  }
0x3f3: {  	v2 =	vadd.f32 v32, v50;
	[tilespmem:s5+$0x10] =	vst v59  }
0x3f4: {  	v60 =	vadd.f32 v6, v51;
	v61 =	vmul.f32 v21, v16;
	[tilespmem:s2+$0x41] =	vst v63  }
0x3f5: {  	v4 =	vmul.f32 v25, v13;
	v62 =	vadd.f32 v3, v50;
	[tilespmem:s5+$0xFFFFFFEF] =	vst v2  }
0x3f6: {  	v9 =	vmul.f32 v26, v43;
	v8 =	vadd.f32 v61, v49;
	[tilespmem:s2+$0x20] =	vst v60  }
0x3f7: {  	v3 =	vmul.f32 v23, v47;
	v11 =	vadd.f32 v4, v50;
	[tilespmem:s2+$0x30] =	vst v62  }
0x3f8: {  	v4 =	vmul.f32 v31, v47;
	v28 =	vadd.f32 v9, v48;
	[tilespmem:s2+$0x51] =	vst v8  }
0x3f9: {  	v10 =	vadd.f32 v3, v51;
	v3 =	vmul.f32 v5, v16;
	[tilespmem:s2+$0x71] =	vst v11  }
0x3fa: {  	[tilespmem:s2+$0x82] =	vst v28;
	v32 =	vadd.f32 v4, v51  }
0x3fb: {  	[tilespmem:s2+$0x61] =	vst v10;
	v31 =	vadd.f32 v3, v49  }
0x3fc: {  	[tilespmem:s2+$0xA2] =	vst v32  }
0x3fd: {  	[tilespmem:s2+$0x92] =	vst v31  }
0x3fe: {  	v25 =	vld [tilespmem:$0x1FFF0];
	_ =	sdelay $0x1  }
0x3ff: {  	v29 =	vmul.f32 v24, v13  }
0x400: {  	v4 =	vmul.f32 v20, v16;
	v3 =	vmul.f32 v22, v43  }
0x401: {  	s3 =	simm.s32 $0x3;
	v34 =	vmul.f32 v30, v47;
	v33 =	vadd.f32 v29, v50  }
0x402: {  	s15 =	simm.s32 $0x1;
	v36 =	vadd.f32 v4, v49;
	v35 =	vadd.f32 v3, v48;
	v3 =	vadd.s32 s3, v25  }
0x403: {  	v37 =	vadd.f32 v34, v51;
	[tilespmem:s2+$0xB2] =	vst v33;
	v4 =	vadd.s32 s15, v25  }
0x404: {  	s12 =	simm.s32 $0x2;
	[tilespmem:s2+$0xD3] =	vst v36  }
0x405: {  	[tilespmem:s2+$0xE3] =	vst v37;
	v38 =	vadd.s32 s12, v25  }
0x406: {  	[tilespmem:s2+$0xC3] =	vst v35;
	v39 =	vadd.s32 s14, v25  }
0x407: {  	s14 =	simm.s32 $0x413;
	v1 =	vld.idx.msk [tilespmem:v3+s20+$0x0], $0xffff  }
0x408: {  	s15 =	simm.s32 $0x411;
	v3 =	vld.idx.msk [tilespmem:v4+s20+$0x0], $0xffff;
	v4 =	vadd.s32 s14, v25  }
0x409: {  	v5 =	vadd.s32 s15, v25  }
0x40a: {  	s5 =	simm.s32 $0x412;
	v2 =	vld.idx.msk [tilespmem:v38+s20+$0x0], $0xffff  }
0x40b: {  	v6 =	vadd.s32 s5, v25;
	s12 =	simm.s32 $0x410;
	v0 =	vld.idx.msk [tilespmem:v39+s20+$0x0], $0xffff  }
0x40c: {  	v7 =	vadd.s32 s12, v25;
	[tilespmem:s0+$0xFFFFFF90] =	vst v1  }
0x40d: {  	s14 =	simm.s32 $0x823;
	[tilespmem:s0+$0xFFFFFE90] =	vst v3;
	v1 =	vld.idx.msk [tilespmem:v4+s20+$0x0], $0xffff  }
0x40e: {  	s15 =	simm.s32 $0x821;
	v40 =	vadd.s32 s14, v25;
	v3 =	vld.idx.msk [tilespmem:v5+s20+$0x0], $0xffff  }
0x40f: {  	[tilespmem:s0+$0xFFFFFF10] =	vst v2;
	v5 =	vadd.s32 s15, v25  }
0x410: {  	s3 =	simm.s32 $0x822;
	[tilespmem:s0+$0xFFFFFE10] =	vst v0;
	v4 =	vld.idx.msk [tilespmem:v6+s20+$0x0], $0xffff  }
0x411: {  	s5 =	simm.s32 $0x820;
	v41 =	vadd.s32 s3, v25;
	v6 =	vld.idx.msk [tilespmem:v7+s20+$0x0], $0xffff  }
0x412: {  	s3 =	simm.s32 $0x8;
	v7 =	vadd.s32 s5, v25;
	[tilespmem:s0+$0xFFFFFFA0] =	vst v1  }
0x413: {  	s12 =	simm.s32 $0xC33;
	v11 =	vadd.s32 s3, v25;
	[tilespmem:s0+$0xFFFFFEA0] =	vst v3;
	v1 =	vld.idx.msk [tilespmem:v40+s20+$0x0], $0xffff  }
0x414: {  	s14 =	simm.s32 $0xC31;
	v3 =	vadd.s32 s12, v25;
	v42 =	vld.idx.msk [tilespmem:v5+s20+$0x0], $0xffff  }
0x415: {  	s2 =	simm.s32 $0x4;
	[tilespmem:s0+$0xFFFFFF20] =	vst v4;
	v4 =	vadd.s32 s14, v25  }
0x416: {  	s15 =	simm.s32 $0xC32;
	[tilespmem:s0+$0xFFFFFE20] =	vst v6;
	v6 =	vadd.s32 s2, v25;
	v0 =	vld.idx.msk [tilespmem:v41+s20+$0x0], $0xffff  }
0x417: {  	s5 =	simm.s32 $0xC30;
	s12 =	simm.s32 $0x5;
	v5 =	vadd.s32 s15, v25;
	v7 =	vld.idx.msk [tilespmem:v7+s20+$0x0], $0xffff  }
0x418: {  	v13 =	vld.idx.msk [tilespmem:v11+s20+$0x0], $0xffff;
	v8 =	vadd.s32 s5, v25;
	v44 =	vadd.s32 s12, v25;
	s12 =	simm.s32 $0x7;
	[tilespmem:s0+$0xFFFFFFB0] =	vst v1  }
0x419: {  	v9 =	vadd.s32 s12, v25;
	[tilespmem:s0+$0xFFFFFEB0] =	vst v42;
	v45 =	vld.idx.msk [tilespmem:v3+s20+$0x0], $0xffff  }
0x41a: {  	s14 =	simm.s32 $0x1043;
	v3 =	vld.idx.msk [tilespmem:v4+s20+$0x0], $0xffff  }
0x41b: {  	s15 =	simm.s32 $0x1041;
	v46 =	vadd.s32 s14, v25;
	v6 =	vld.idx.msk [tilespmem:v6+s20+$0x0], $0xffff;
	[tilespmem:s0+$0xFFFFFF30] =	vst v0  }
0x41c: {  	s5 =	simm.s32 $0x1042;
	[tilespmem:s0+$0xFFFFFE30] =	vst v7;
	v4 =	vld.idx.msk [tilespmem:v5+s20+$0x0], $0xffff;
	v5 =	vadd.s32 s15, v25  }
0x41d: {  	s14 =	simm.s32 $0x1040;
	v7 =	vadd.s32 s5, v25;
	v8 =	vld.idx.msk [tilespmem:v8+s20+$0x0], $0xffff  }
0x41e: {  	v47 =	vadd.s32 s14, v25;
	s15 =	simm.s32 $0x6;
	v48 =	vld.idx.msk [tilespmem:v9+s20+$0x0], $0xffff;
	[tilespmem:s0+$0xFFFFFFC0] =	vst v45  }
0x41f: {  	v1 =	vld.idx.msk [tilespmem:v44+s20+$0x0], $0xffff;
	[tilespmem:s0+$0xFFFFFEC0] =	vst v3;
	v3 =	vadd.s32 s15, v25;
	s15 =	simm.s32 $0x417  }
0x420: {  	s12 =	simm.s32 $0x1451;
	s5 =	simm.s32 $0x1453;
	v0 =	vld.idx.msk [tilespmem:v46+s20+$0x0], $0xffff;
	v12 =	vadd.s32 s15, v25  }
0x421: {  	v10 =	vadd.s32 s12, v25;
	s12 =	simm.s32 $0x415;
	[tilespmem:s0+$0xFFFFFF40] =	vst v4;
	v4 =	vadd.s32 s5, v25;
	v5 =	vld.idx.msk [tilespmem:v5+s20+$0x0], $0xffff  }
0x422: {  	v50 =	vadd.s32 s12, v25;
	[tilespmem:s0+$0xFFFFFE40] =	vst v8;
	s5 =	simm.s32 $0xC570;
	v7 =	vld.idx.msk [tilespmem:v7+s20+$0x0], $0xffff  }
0x423: {  	s14 =	simm.s32 $0x1452;
	v2 =	vld.idx.msk [tilespmem:v47+s20+$0x0], $0xffff;
	[tilespmem:s5+$0xFFFFFF90] =	vst v48  }
0x424: {  	v49 =	vadd.s32 s14, v25;
	s14 =	simm.s32 $0x1863;
	s15 =	simm.s32 $0x414;
	[tilespmem:s5+$0xFFFFFE90] =	vst v1;
	v3 =	vld.idx.msk [tilespmem:v3+s20+$0x0], $0xffff  }
0x425: {  	s12 =	simm.s32 $0x416;
	v51 =	vadd.s32 s14, v25;
	s14 =	simm.s32 $0x1450;
	v52 =	vadd.s32 s15, v25;
	[tilespmem:s0+$0xFFFFFFD0] =	vst v0;
	v53 =	vld.idx.msk [tilespmem:v12+s20+$0x0], $0xffff  }
0x426: {  	v54 =	vadd.s32 s14, v25;
	s14 =	simm.s32 $0x827;
	[tilespmem:s0+$0xFFFFFED0] =	vst v5;
	v5 =	vadd.s32 s12, v25;
	v4 =	vld.idx.msk [tilespmem:v4+s20+$0x0], $0xffff  }
0x427: {  	[tilespmem:s5+$0xFFFFFE10] =	vst v6;
	v0 =	vld.idx.msk [tilespmem:v50+s20+$0x0], $0xffff;
	v12 =	vadd.s32 s14, v25  }
0x428: {  	[tilespmem:s0+$0xFFFFFF50] =	vst v7;
	v10 =	vld.idx.msk [tilespmem:v10+s20+$0x0], $0xffff  }
0x429: {  	s15 =	simm.s32 $0x1861;
	v7 =	vld.idx.msk [tilespmem:v49+s20+$0x0], $0xffff;
	[tilespmem:s5+$0xFFFFFF10] =	vst v3  }
0x42a: {  	v55 =	vld.idx.msk [tilespmem:v52+s20+$0x0], $0xffff;
	v3 =	vadd.s32 s15, v25;
	s15 =	simm.s32 $0x825;
	[tilespmem:s5+$0xFFFFFFA0] =	vst v53  }
0x42b: {  	v5 =	vld.idx.msk [tilespmem:v5+s20+$0x0], $0xffff;
	[tilespmem:s0+$0xFFFFFFE0] =	vst v4;
	v4 =	vadd.s32 s15, v25;
	s15 =	simm.s32 $0x826  }
0x42c: {  	s12 =	simm.s32 $0xC37;
	v60 =	vld.idx.msk [tilespmem:v12+s20+$0x0], $0xffff;
	v56 =	vadd.s32 s15, v25  }
0x42d: {  	[tilespmem:s0+$0xFFFFFE50] =	vst v2;
	s14 =	simm.s32 $0x1C73;
	v12 =	vadd.s32 s12, v25;
	v6 =	vld.idx.msk [tilespmem:v51+s20+$0x0], $0xffff  }
0x42e: {  	v2 =	vld.idx.msk [tilespmem:v54+s20+$0x0], $0xffff;
	v57 =	vadd.s32 s14, v25;
	[tilespmem:s0+$0xFFFFFEE0] =	vst v10;
	s15 =	simm.s32 $0x824  }
0x42f: {  	s14 =	simm.s32 $0x1862;
	[tilespmem:s5+$0xFFFFFEA0] =	vst v0;
	v58 =	vadd.s32 s15, v25;
	v59 =	vld.idx.msk [tilespmem:v3+s20+$0x0], $0xffff  }
0x430: {  	s15 =	simm.s32 $0x1860;
	v3 =	vadd.s32 s14, v25;
	s14 =	simm.s32 $0xC36;
	[tilespmem:s5+$0xFFFFFF20] =	vst v5;
	v4 =	vld.idx.msk [tilespmem:v4+s20+$0x0], $0xffff  }
0x431: {  	v5 =	vadd.s32 s15, v25;
	v61 =	vadd.s32 s14, v25;
	s14 =	simm.s32 $0x1C71;
	[tilespmem:s5+$0xFFFFFFB0] =	vst v60;
	v11 =	vld.idx.msk [tilespmem:v56+s20+$0x0], $0xffff  }
0x432: {  	s15 =	simm.s32 $0xC35;
	v63 =	vadd.s32 s14, v25;
	[tilespmem:s0+$0xFFFFFFF0] =	vst v6;
	v17 =	vld.idx.msk [tilespmem:v12+s20+$0x0], $0xffff  }
0x433: {  	[tilespmem:s5+$0xFFFFFE20] =	vst v55;
	v6 =	vadd.s32 s15, v25;
	v8 =	vld.idx.msk [tilespmem:v57+s20+$0x0], $0xffff  }
0x434: {  	[tilespmem:s0+$0xFFFFFF60] =	vst v7;
	s15 =	simm.s32 $0x9;
	v9 =	vld.idx.msk [tilespmem:v58+s20+$0x0], $0xffff  }
0x435: {  	[tilespmem:s0+$0xFFFFFE60] =	vst v2;
	v7 =	vadd.s32 s15, v25;
	s15 =	simm.s32 $0xC34;
	v62 =	vld.idx.msk [tilespmem:v3+s20+$0x0], $0xffff  }
0x436: {  	v3 =	vadd.s32 s15, v25;
	s15 =	simm.s32 $0x1C72;
	[tilespmem:s0+$0xFFFFFEF0] =	vst v59;
	v14 =	vld.idx.msk [tilespmem:v5+s20+$0x0], $0xffff  }
0x437: {  	s14 =	simm.s32 $0x1047;
	v21 =	vadd.s32 s15, v25;
	[tilespmem:s5+$0xFFFFFEB0] =	vst v4;
	v20 =	vld.idx.msk [tilespmem:v63+s20+$0x0], $0xffff  }
0x438: {  	v22 =	vadd.s32 s14, v25;
	s15 =	simm.s32 $0x1045;
	v15 =	vld.idx.msk [tilespmem:v6+s20+$0x0], $0xffff;
	[tilespmem:s5+$0xFFFFFF30] =	vst v11  }
0x439: {  	s14 =	simm.s32 $0x1046;
	v23 =	vadd.s32 s15, v25;
	v16 =	vld.idx.msk [tilespmem:v61+s20+$0x0], $0xffff;
	[tilespmem:s0+$0x0] =	vst v8  }
0x43a: {  	v24 =	vadd.s32 s14, v25;
	s15 =	simm.s32 $0x1C70;
	v5 =	vld.idx.msk [tilespmem:v7+s20+$0x0], $0xffff;
	[tilespmem:s5+$0xFFFFFE30] =	vst v9  }
0x43b: {  	s12 =	simm.s32 $0xC;
	s14 =	simm.s32 $0xB;
	v18 =	vadd.s32 s15, v25;
	v19 =	vld.idx.msk [tilespmem:v3+s20+$0x0], $0xffff;
	[tilespmem:s0+$0xFFFFFF70] =	vst v62  }
.LBB2_9:
0x43c: {  	p0 =	slt.u32 s12, $0x3C;
	v0 =	vadd.s32 s14, v25;
	s14 =	sadd.s32 $0x1040, s2;
	[tilespmem:s5+$0xFFFFFFC0] =	vst v17;
	v1 =	vld.idx.msk [tilespmem:v21+s20+$0x0], $0xffff  }
0x43d: {  	s15 =	sadd.s32 $0x2, s3;
	v2 =	vadd.s32 s14, v25;
	[tilespmem:s5+$0xFFFFFEC0] =	vst v15;
	v3 =	vld.idx.msk [tilespmem:v22+s20+$0x0], $0xffff  }
0x43e: {  	v4 =	vadd.s32 s15, v25;
	s14 =	sadd.s32 $0x1453, s2;
	v6 =	vld.idx.msk [tilespmem:v23+s20+$0x0], $0xffff;
	[tilespmem:s5+$0xFFFFFF40] =	vst v16  }
0x43f: {  	s15 =	sadd.s32 $0x1451, s2;
	v8 =	vadd.s32 s14, v25;
	v7 =	vld.idx.msk [tilespmem:v24+s20+$0x0], $0xffff;
	[tilespmem:s0+$0xFFFFFE70] =	vst v14  }
0x440: {  	v9 =	vadd.s32 s15, v25;
	s14 =	sadd.s32 $0x1452, s2;
	[tilespmem:s5+$0xFFFFFE40] =	vst v19;
	v10 =	vld.idx.msk [tilespmem:v18+s20+$0x0], $0xffff  }
0x441: {  	v11 =	vadd.s32 s14, v25;
	v0 =	vld.idx.msk [tilespmem:v0+s20+$0x0], $0xffff;
	[tilespmem:s0+$0xFFFFFF00] =	vst v20  }
0x442: {  	v12 =	vadd.s32 s12, v25;
	s14 =	sadd.s32 $0x413, s3;
	v2 =	vld.idx.msk [tilespmem:v2+s20+$0x0], $0xffff;
	[tilespmem:s0+$0xFFFFFF80] =	vst v1  }
0x443: {  	s15 =	sadd.s32 $0x411, s3;
	v1 =	vld.idx.msk [tilespmem:v4+s20+$0x0], $0xffff;
	v4 =	vadd.s32 s14, v25;
	[tilespmem:s5+$0xFFFFFFD0] =	vst v3  }
0x444: {  	v3 =	vadd.s32 s15, v25;
	s14 =	sadd.s32 $0x412, s3;
	[tilespmem:s5+$0xFFFFFED0] =	vst v6;
	v6 =	vld.idx.msk [tilespmem:v8+s20+$0x0], $0xffff  }
0x445: {  	v8 =	vadd.s32 s14, v25;
	s14 =	sadd.s32 $0x1863, s2;
	v9 =	vld.idx.msk [tilespmem:v9+s20+$0x0], $0xffff;
	[tilespmem:s5+$0xFFFFFF50] =	vst v7  }
0x446: {  	s15 =	sadd.s32 $0x410, s3;
	v7 =	vld.idx.msk [tilespmem:v11+s20+$0x0], $0xffff;
	v11 =	vadd.s32 s14, v25;
	[tilespmem:s0+$0xFFFFFE80] =	vst v10;
	s0 =	smov.u32 s5;
	s5 =	sadd.s32 $0x200, s5  }
0x447: {  	s14 =	sadd.s32 $0x1450, s2;
	v10 =	vld.idx.msk [tilespmem:v12+s20+$0x0], $0xffff;
	v12 =	vadd.s32 s15, v25;
	[tilespmem:s5+$0xFFFFFF90] =	vst v0  }
0x448: {  	[tilespmem:s5+$0xFFFFFE90] =	vst v5;
	v0 =	vld.idx.msk [tilespmem:v4+s20+$0x0], $0xffff;
	v4 =	vadd.s32 s14, v25;
	s14 =	sadd.s32 $0x1861, s2  }
0x449: {  	s15 =	sadd.s32 $0x823, s3;
	v3 =	vld.idx.msk [tilespmem:v3+s20+$0x0], $0xffff;
	[tilespmem:s5+$0xFFFFFF10] =	vst v1;
	v1 =	vadd.s32 s14, v25  }
0x44a: {  	s14 =	sadd.s32 $0x821, s3;
	v5 =	vld.idx.msk [tilespmem:v8+s20+$0x0], $0xffff;
	v8 =	vadd.s32 s15, v25;
	[tilespmem:s0+$0xFFFFFFE0] =	vst v6  }
0x44b: {  	v6 =	vadd.s32 s14, v25;
	s14 =	sadd.s32 $0x822, s3;
	[tilespmem:s5+$0xFFFFFE10] =	vst v13;
	v11 =	vld.idx.msk [tilespmem:v11+s20+$0x0], $0xffff  }
0x44c: {  	v14 =	vadd.s32 s14, v25;
	s14 =	sadd.s32 $0x1C73, s2;
	v12 =	vld.idx.msk [tilespmem:v12+s20+$0x0], $0xffff;
	[tilespmem:s0+$0xFFFFFE50] =	vst v2  }
0x44d: {  	s15 =	sadd.s32 $0x820, s3;
	v13 =	vmov v10;
	v2 =	vld.idx.msk [tilespmem:v4+s20+$0x0], $0xffff;
	[tilespmem:s0+$0xFFFFFEE0] =	vst v9;
	v4 =	vadd.s32 s14, v25  }
0x44e: {  	v9 =	vadd.s32 s15, v25;
	s14 =	sadd.s32 $0x1862, s2;
	[tilespmem:s5+$0xFFFFFFA0] =	vst v0;
	v0 =	vld.idx.msk [tilespmem:v1+s20+$0x0], $0xffff  }
0x44f: {  	s15 =	sadd.s32 $0x1860, s2;
	[tilespmem:s5+$0xFFFFFEA0] =	vst v3;
	v1 =	vld.idx.msk [tilespmem:v8+s20+$0x0], $0xffff;
	v3 =	vadd.s32 s14, v25  }
0x450: {  	s14 =	sadd.s32 $0xC33, s3;
	v6 =	vld.idx.msk [tilespmem:v6+s20+$0x0], $0xffff;
	[tilespmem:s5+$0xFFFFFF20] =	vst v5;
	v5 =	vadd.s32 s15, v25  }
0x451: {  	s15 =	sadd.s32 $0xC31, s3;
	v10 =	vadd.s32 s14, v25;
	v8 =	vld.idx.msk [tilespmem:v14+s20+$0x0], $0xffff;
	[tilespmem:s0+$0xFFFFFFF0] =	vst v11  }
0x452: {  	s14 =	sadd.s32 $0xC32, s3;
	v11 =	vadd.s32 s15, v25;
	[tilespmem:s5+$0xFFFFFE20] =	vst v12;
	v4 =	vld.idx.msk [tilespmem:v4+s20+$0x0], $0xffff  }
0x453: {  	s15 =	sadd.s32 $0x1, s12;
	v12 =	vadd.s32 s14, v25;
	v9 =	vld.idx.msk [tilespmem:v9+s20+$0x0], $0xffff;
	[tilespmem:s0+$0xFFFFFF60] =	vst v7  }
0x454: {  	s14 =	sadd.s32 $0xC30, s3;
	v7 =	vadd.s32 s15, v25;
	[tilespmem:s0+$0xFFFFFE60] =	vst v2;
	v2 =	vld.idx.msk [tilespmem:v3+s20+$0x0], $0xffff  }
0x455: {  	v3 =	vadd.s32 s14, v25;
	s14 =	sadd.s32 $0x1C71, s2;
	[tilespmem:s5+$0xFFFFFFB0] =	vst v1;
	v14 =	vld.idx.msk [tilespmem:v5+s20+$0x0], $0xffff  }
0x456: {  	v1 =	vadd.s32 s14, v25;
	s14 =	sadd.s32 $0x1C72, s2;
	[tilespmem:s5+$0xFFFFFEB0] =	vst v6;
	v17 =	vld.idx.msk [tilespmem:v10+s20+$0x0], $0xffff  }
.Ltmp3:
0x457: {  	s15 =	sadd.s32 $0x1043, s3;
	v21 =	vadd.s32 s14, v25;
	v15 =	vld.idx.msk [tilespmem:v11+s20+$0x0], $0xffff;
	[tilespmem:s5+$0xFFFFFF30] =	vst v8;
	(pc) =	sbr.rel @p0 .LBB2_9-.Ltmp3, $4  }
0x458: {  	v22 =	vadd.s32 s15, v25;
	s14 =	sadd.s32 $0x1041, s3;
	v16 =	vld.idx.msk [tilespmem:v12+s20+$0x0], $0xffff;
	[tilespmem:s0+$0x0] =	vst v4  }
0x459: {  	v23 =	vadd.s32 s14, v25;
	s14 =	sadd.s32 $0x1042, s3;
	v5 =	vld.idx.msk [tilespmem:v7+s20+$0x0], $0xffff;
	[tilespmem:s5+$0xFFFFFE30] =	vst v9  }
0x45a: {  	s15 =	sadd.s32 $0x1C70, s2;
	s2 =	smov.u32 s3;
	s3 =	smov.u32 s12;
	v24 =	vadd.s32 s14, v25;
	v19 =	vld.idx.msk [tilespmem:v3+s20+$0x0], $0xffff;
	[tilespmem:s0+$0xFFFFFEF0] =	vst v0  }
0x45b: {  	v18 =	vadd.s32 s15, v25;
	s12 =	sadd.s32 $0x4, s12;
	s14 =	sadd.s32 $0x3, s3;
	v20 =	vld.idx.msk [tilespmem:v1+s20+$0x0], $0xffff;
	[tilespmem:s0+$0xFFFFFF70] =	vst v2  }
0x45c: {  	_ =	sdelay $0x2  }
0x45d: {  	v0 =	vadd.s32 s14, v25;
	[tilespmem:s5+$0xFFFFFFC0] =	vst v17  }
0x45e: {  	v1 =	vld.idx.msk [tilespmem:v21+s20+$0x0], $0xffff;
	s12 =	sadd.s32 $0x2, s3;
	[tilespmem:s5+$0xFFFFFEC0] =	vst v15  }
0x45f: {  	[tilespmem:s0+$0xFFFFFE70] =	vst v14;
	v2 =	vld.idx.msk [tilespmem:v22+s20+$0x0], $0xffff;
	v3 =	vadd.s32 s12, v25  }
0x460: {  	[tilespmem:s5+$0xFFFFFF40] =	vst v16;
	v4 =	vld.idx.msk [tilespmem:v23+s20+$0x0], $0xffff;
	s12 =	sadd.s32 $0x200, s5  }
0x461: {  	s15 =	sadd.s32 $0x1453, s2;
	v6 =	vld.idx.msk [tilespmem:v24+s20+$0x0], $0xffff;
	[tilespmem:s12+$0xFFFFFE90] =	vst v5  }
0x462: {  	s14 =	sadd.s32 $0x413, s3;
	v7 =	vadd.s32 s15, v25;
	[tilespmem:s12+$0xFFFFFE10] =	vst v13;
	v0 =	vld.idx.msk [tilespmem:v0+s20+$0x0], $0xffff  }
0x463: {  	s15 =	sadd.s32 $0x411, s3;
	[tilespmem:s0+$0xFFFFFF80] =	vst v1;
	v1 =	vadd.s32 s14, v25  }
0x464: {  	v3 =	vld.idx.msk [tilespmem:v3+s20+$0x0], $0xffff;
	[tilespmem:s5+$0xFFFFFFD0] =	vst v2;
	v2 =	vadd.s32 s15, v25;
	s15 =	sadd.s32 $0x412, s3  }
0x465: {  	s14 =	sadd.s32 $0x410, s3;
	[tilespmem:s5+$0xFFFFFED0] =	vst v4;
	v4 =	vadd.s32 s15, v25  }
0x466: {  	v8 =	vld.idx.msk [tilespmem:v18+s20+$0x0], $0xffff;
	s15 =	sadd.s32 $0x1040, s2;
	[tilespmem:s5+$0xFFFFFF50] =	vst v6;
	v6 =	vadd.s32 s14, v25  }
0x467: {  	v7 =	vld.idx.msk [tilespmem:v7+s20+$0x0], $0xffff;
	v9 =	vadd.s32 s15, v25;
	s15 =	sadd.s32 $0x1451, s2;
	[tilespmem:s12+$0xFFFFFF90] =	vst v0  }
0x468: {  	[tilespmem:s5+$0xFFFFFE40] =	vst v19;
	v0 =	vadd.s32 s15, v25;
	s15 =	sadd.s32 $0x823, s3;
	v1 =	vld.idx.msk [tilespmem:v1+s20+$0x0], $0xffff  }
0x469: {  	v2 =	vld.idx.msk [tilespmem:v2+s20+$0x0], $0xffff;
	[tilespmem:s12+$0xFFFFFF10] =	vst v3;
	v3 =	vadd.s32 s15, v25;
	s15 =	sadd.s32 $0x821, s3  }
0x46a: {  	[tilespmem:s0+$0xFFFFFF00] =	vst v20;
	v4 =	vld.idx.msk [tilespmem:v4+s20+$0x0], $0xffff;
	v5 =	vadd.s32 s15, v25;
	s15 =	sadd.s32 $0x822, s3  }
0x46b: {  	[tilespmem:s0+$0xFFFFFE80] =	vst v8;
	v6 =	vld.idx.msk [tilespmem:v6+s20+$0x0], $0xffff;
	v8 =	vadd.s32 s15, v25;
	s15 =	sadd.s32 $0x820, s3  }
0x46c: {  	s14 =	sadd.s32 $0x1863, s2;
	[tilespmem:s5+$0xFFFFFFE0] =	vst v7;
	v9 =	vld.idx.msk [tilespmem:v9+s20+$0x0], $0xffff;
	v7 =	vadd.s32 s15, v25  }
0x46d: {  	v10 =	vadd.s32 s14, v25;
	s15 =	sadd.s32 $0x1452, s2;
	v0 =	vld.idx.msk [tilespmem:v0+s20+$0x0], $0xffff;
	[tilespmem:s12+$0xFFFFFFA0] =	vst v1  }
0x46e: {  	s14 =	sadd.s32 $0xC33, s3;
	v1 =	vadd.s32 s15, v25;
	[tilespmem:s12+$0xFFFFFEA0] =	vst v2;
	v2 =	vld.idx.msk [tilespmem:v3+s20+$0x0], $0xffff  }
0x46f: {  	s15 =	sadd.s32 $0xC31, s3;
	v3 =	vld.idx.msk [tilespmem:v5+s20+$0x0], $0xffff;
	[tilespmem:s12+$0xFFFFFF20] =	vst v4;
	v4 =	vadd.s32 s14, v25  }
0x470: {  	[tilespmem:s12+$0xFFFFFE20] =	vst v6;
	v6 =	vadd.s32 s15, v25;
	s15 =	sadd.s32 $0xC32, s3;
	v5 =	vld.idx.msk [tilespmem:v8+s20+$0x0], $0xffff  }
0x471: {  	s14 =	sadd.s32 $0xC30, s3;
	[tilespmem:s5+$0xFFFFFE50] =	vst v9;
	v8 =	vadd.s32 s15, v25;
	v7 =	vld.idx.msk [tilespmem:v7+s20+$0x0], $0xffff  }
0x472: {  	v55 =	vld.idx.msk [tilespmem:v10+s20+$0x0], $0xffff;
	s15 =	sadd.s32 $0x1450, s2;
	[tilespmem:s5+$0xFFFFFEE0] =	vst v0;
	v0 =	vadd.s32 s14, v25  }
0x473: {  	v56 =	vadd.s32 s15, v25;
	s15 =	sadd.s32 $0x1C73, s2;
	v1 =	vld.idx.msk [tilespmem:v1+s20+$0x0], $0xffff;
	[tilespmem:s12+$0xFFFFFFB0] =	vst v2  }
0x474: {  	s14 =	sadd.s32 $0x1043, s3;
	v2 =	vadd.s32 s15, v25;
	[tilespmem:s12+$0xFFFFFEB0] =	vst v3;
	v3 =	vld.idx.msk [tilespmem:v4+s20+$0x0], $0xffff  }
0x475: {  	s15 =	sadd.s32 $0x1041, s3;
	v4 =	vld.idx.msk [tilespmem:v6+s20+$0x0], $0xffff;
	[tilespmem:s12+$0xFFFFFF30] =	vst v5;
	v5 =	vadd.s32 s14, v25  }
0x476: {  	v6 =	vld.idx.msk [tilespmem:v8+s20+$0x0], $0xffff;
	[tilespmem:s12+$0xFFFFFE30] =	vst v7;
	v7 =	vadd.s32 s15, v25;
	s15 =	sadd.s32 $0x1042, s3  }
0x477: {  	[tilespmem:s5+$0xFFFFFFF0] =	vst v55;
	s14 =	sadd.s32 $0x1040, s3;
	v0 =	vld.idx.msk [tilespmem:v0+s20+$0x0], $0xffff;
	v8 =	vadd.s32 s15, v25  }
0x478: {  	v57 =	vld.idx.msk [tilespmem:v56+s20+$0x0], $0xffff;
	s15 =	sadd.s32 $0x1861, s2;
	[tilespmem:s5+$0xFFFFFF60] =	vst v1;
	v1 =	vadd.s32 s14, v25  }
0x479: {  	v58 =	vadd.s32 s15, v25;
	s15 =	sadd.s32 $0x1862, s2;
	v2 =	vld.idx.msk [tilespmem:v2+s20+$0x0], $0xffff;
	[tilespmem:s12+$0xFFFFFFC0] =	vst v3  }
0x47a: {  	s14 =	sadd.s32 $0x1453, s3;
	v3 =	vadd.s32 s15, v25;
	[tilespmem:s12+$0xFFFFFEC0] =	vst v4;
	v4 =	vld.idx.msk [tilespmem:v5+s20+$0x0], $0xffff  }
0x47b: {  	s15 =	sadd.s32 $0x1451, s3;
	v5 =	vld.idx.msk [tilespmem:v7+s20+$0x0], $0xffff;
	[tilespmem:s12+$0xFFFFFF40] =	vst v6;
	v6 =	vadd.s32 s14, v25  }
0x47c: {  	v7 =	vld.idx.msk [tilespmem:v8+s20+$0x0], $0xffff;
	[tilespmem:s12+$0xFFFFFE40] =	vst v0;
	v0 =	vadd.s32 s15, v25;
	s15 =	sadd.s32 $0x1452, s3  }
0x47d: {  	[tilespmem:s5+$0xFFFFFE60] =	vst v57;
	s14 =	sadd.s32 $0x1450, s3;
	v8 =	vadd.s32 s15, v25;
	v1 =	vld.idx.msk [tilespmem:v1+s20+$0x0], $0xffff  }
0x47e: {  	v59 =	vld.idx.msk [tilespmem:v58+s20+$0x0], $0xffff;
	s15 =	sadd.s32 $0x1860, s2;
	[tilespmem:s5+$0x0] =	vst v2;
	v2 =	vadd.s32 s14, v25  }
0x47f: {  	v60 =	vadd.s32 s15, v25;
	s14 =	sadd.s32 $0x1C71, s2;
	v3 =	vld.idx.msk [tilespmem:v3+s20+$0x0], $0xffff;
	[tilespmem:s12+$0xFFFFFFD0] =	vst v4  }
0x480: {  	s15 =	sadd.s32 $0x1863, s3;
	v4 =	vadd.s32 s14, v25;
	[tilespmem:s12+$0xFFFFFED0] =	vst v5;
	v5 =	vld.idx.msk [tilespmem:v6+s20+$0x0], $0xffff  }
0x481: {  	s14 =	sadd.s32 $0x1861, s3;
	v0 =	vld.idx.msk [tilespmem:v0+s20+$0x0], $0xffff;
	[tilespmem:s12+$0xFFFFFF50] =	vst v7;
	v6 =	vadd.s32 s15, v25  }
0x482: {  	s15 =	sadd.s32 $0x1862, s3;
	v7 =	vld.idx.msk [tilespmem:v8+s20+$0x0], $0xffff;
	v8 =	vadd.s32 s14, v25;
	[tilespmem:s12+$0xFFFFFE50] =	vst v1  }
0x483: {  	[tilespmem:s5+$0xFFFFFEF0] =	vst v59;
	s14 =	sadd.s32 $0x1860, s3;
	v1 =	vld.idx.msk [tilespmem:v2+s20+$0x0], $0xffff;
	v2 =	vadd.s32 s15, v25  }
0x484: {  	v61 =	vld.idx.msk [tilespmem:v60+s20+$0x0], $0xffff;
	s15 =	sadd.s32 $0x1C72, s2;
	[tilespmem:s5+$0xFFFFFF70] =	vst v3;
	v3 =	vadd.s32 s14, v25  }
0x485: {  	v62 =	vadd.s32 s15, v25;
	s14 =	sadd.s32 $0x1C70, s2;
	v4 =	vld.idx.msk [tilespmem:v4+s20+$0x0], $0xffff;
	[tilespmem:s12+$0xFFFFFFE0] =	vst v5  }
0x486: {  	s15 =	sadd.s32 $0x1C73, s3;
	v5 =	vadd.s32 s14, v25;
	[tilespmem:s12+$0xFFFFFEE0] =	vst v0;
	v6 =	vld.idx.msk [tilespmem:v6+s20+$0x0], $0xffff  }
0x487: {  	s2 =	sadd.s32 $0x1C71, s3;
	v0 =	vadd.s32 s15, v25;
	v8 =	vld.idx.msk [tilespmem:v8+s20+$0x0], $0xffff;
	[tilespmem:s12+$0xFFFFFF60] =	vst v7  }
0x488: {  	s14 =	sadd.s32 $0x1C72, s3;
	[tilespmem:s12+$0xFFFFFE60] =	vst v1;
	v1 =	vld.idx.msk [tilespmem:v2+s20+$0x0], $0xffff;
	v2 =	vadd.s32 s2, v25  }
0x489: {  	s15 =	sadd.s32 $0x1C70, s3;
	v7 =	vadd.s32 s14, v25;
	[tilespmem:s5+$0xFFFFFE70] =	vst v61;
	v3 =	vld.idx.msk [tilespmem:v3+s20+$0x0], $0xffff  }
0x48a: {  	v63 =	vld.idx.msk [tilespmem:v62+s20+$0x0], $0xffff;
	[tilespmem:s5+$0xFFFFFF00] =	vst v4;
	v4 =	vadd.s32 s15, v25  }
0x48b: {  	v5 =	vld.idx.msk [tilespmem:v5+s20+$0x0], $0xffff;
	[tilespmem:s12+$0xFFFFFFF0] =	vst v6  }
0x48c: {  	[tilespmem:s12+$0xFFFFFEF0] =	vst v8;
	v0 =	vld.idx.msk [tilespmem:v0+s20+$0x0], $0xffff  }
0x48d: {  	v2 =	vld.idx.msk [tilespmem:v2+s20+$0x0], $0xffff;
	[tilespmem:s12+$0xFFFFFF70] =	vst v1  }
0x48e: {  	v1 =	vld.idx.msk [tilespmem:v7+s20+$0x0], $0xffff;
	[tilespmem:s12+$0xFFFFFE70] =	vst v3  }
0x48f: {  	[tilespmem:s5+$0xFFFFFF80] =	vst v63;
	v3 =	vld.idx.msk [tilespmem:v4+s20+$0x0], $0xffff  }
0x490: {  	[tilespmem:s5+$0xFFFFFE80] =	vst v5  }
0x491: {  	[tilespmem:s12+$0x0] =	vst v0  }
0x492: {  	[tilespmem:s12+$0xFFFFFF00] =	vst v2  }
0x493: {  	[tilespmem:s12+$0xFFFFFF80] =	vst v1  }
0x494: {  	s30 =	sadd.s32 $0x1, s30;
	[tilespmem:s12+$0xFFFFFE80] =	vst v3  }
0x495: {  	p0 =	sne.s32 s30, $0x64;
	v61 =	vld [tilespmem:$0x1FFB0]  }
.Ltmp4:
0x496: {  	s31 =	sshll.u32 s31, $0x12;
	v0 =	vld [tilespmem:$0x1FFC0];
	(pc) =	sbr.rel @p0 .LBB2_2-.Ltmp4, $4  }
0x497: {  	s0 =	sor.u32 s8, s31;
	v1 =	vld [tilespmem:$0x1FFD0]  }
0x498: {  	s0 =	sshrl.u32 s0, $0x3;
	v16 =	vld [tilespmem:$0x1FF90]  }
0x499: {  	s0 =	sadd.s32 s4, s0;
	v2 =	vld [tilespmem:$0x1FFE0]  }
0x49a: {  	[hbm4b:s0+s21] =	stream.strided.scatter [tilespmem:s25], [sflag:$0x4], $0x2000, s22, s21, $0x38;
	v7 =	vld [tilespmem:$0x1FFA0]  }
0x49b: {  	s29 =	sadd.s32 $0x1, s29  }
0x49c: {  	_ =	swait.ge [sflag:s26], $0x2000;
	p0 =	sne.s32 s29, s11  }
.Ltmp5:
0x49d: {  	[sflag:s26] =	ssyncset.done $0x0;
	(pc) =	sbr.rel @p0 .LBB2_1-.Ltmp5, $4  }
0x49e: {  	[sflag:s26] =	ssyncadd.s32 $0xFFFFE000  }
0x49f: {  	_ =	swait.ge [sflag:s28], $0x2000  }
0x4a0: {  	[sflag:s28] =	ssyncset.done $0x0  }
0x4a1: {  	[sflag:s28] =	ssyncadd.s32 $0xFFFFE000  }
0x4a2: {  	_ =	sfence.sel $0x180000  }
0x4a3: {  	[bflag:$0x0] =	sbarrier.arrive $0xFFFF  }
0x4a4: {  	_ =	strace $0x90000047  }
0x4a5: {  	s0 =	stileid.u32;
	[bflag:$0x2] =	sbarrier.arrive $0xFFFF  }
0x4a6: {  	p0 =	sne.s32 s0, $0x0;
	s0 =	rddreg [dreg:$0x5]  }
0x4a7: {  	s0 =	sadd.s32 @!p0 $0x100000, s0  }
0x4a8: {  	[sflag:s0] =	ssyncadd.tile.s32 @!p0 $0x1;
	_ =	shalt  }
.Lfunc_end2:
_tile_overlayer_lowered:
.L_overlay_start_2:
0x4a9: {  	(tag) =	ssettag $0x2  }
0x4aa: {  	s0 =	rddreg [dreg:$0x0];
	s2 =	stileid.u32  }
0x4ab: {  	s1 =	rddreg [dreg:$0x1];
	p0 =	sne.s32 s2, $0x0  }
0x4ac: {  	s3 =	rddreg [dreg:$0x2];
	[bflag:$0x3] =	sbarrier.arrive $0xFFFF;
	s2 =	simm.s32 @!p0 $0x1C05  }
0x4ad: {  	[timem:s3], [sflag:s2] =	dma.local @!p0 [hbm:s0], s1  }
0x4ae: {  	s0 =	simm.s32 @!p0 $0x5  }
0x4af: {  	_ =	swait.ge @!p0 [sflag:s0], s1  }
0x4b0: {  	s1 =	ssub.s32 @!p0 $0x0, s1;
	[sflag:s0] =	ssyncset.done @!p0 $0x0  }
0x4b1: {  	[sflag:s0] =	ssyncadd.s32 @!p0 s1  }
0x4b2: {  	[bflag:$0x3] =	sbarrier.arrive $0xFFFF  }
0x4b3: {  	_ =	shalt  }

</sc_bundles>
